<compile_context>
chip_gen: v7x
topology: tpu7x:2x2x1
jax: 0.10.2.dev20260603
libtpu: 0.0.44.dev20260713+nightly
codegen_flags: <defaults>
</compile_context>

<pallas_src>
import jax
import jax.numpy as jnp
from jax import lax
from jax.experimental import pallas as pl
from jax.experimental.pallas import tpu as pltpu
from jax.experimental.pallas import tpu_sc as plsc

_B, _N, _D = 128, 64, 128
_NC, _NS, _L = 2, 16, 16
_NW = _NC * _NS
_BPW = _B // _NW
_NG = _D // _L
_INV = 1.0 / (_N - 1)

_mesh = plsc.VectorSubcoreMesh(core_axis_name="c", subcore_axis_name="s")


def _sc_encode_body(x_hbm, out_hbm, x_v, o_v):
    wid = lax.axis_index("s") * _NC + lax.axis_index("c")
    base = wid * _BPW
    pltpu.sync_copy(x_hbm.at[pl.ds(base, _BPW)], x_v)
    for bi in range(_BPW):
        zeros = tuple(jnp.zeros((_L,), jnp.float32) for _ in range(_NG))

        @plsc.parallel_loop(0, _N, unroll=4, carry=zeros)
        def accs(n, acc):
            return tuple(acc[g] + x_v[bi, n, pl.ds(_L * g, _L)] for g in range(_NG))

        @plsc.parallel_loop(0, _N, unroll=4)
        def _emit(n):
            for g in range(_NG):
                xv = x_v[bi, n, pl.ds(_L * g, _L)]
                o_v[bi, n, pl.ds(_L * g, _L)] = (accs[g] - xv) * _INV
                o_v[bi, n, pl.ds(_D + _L * g, _L)] = xv

    pltpu.sync_copy(o_v, out_hbm.at[pl.ds(base, _BPW)])


_sc_encode = pl.kernel(
    _sc_encode_body,
    out_type=jax.ShapeDtypeStruct((_B, _N, 2 * _D), jnp.float32),
    mesh=_mesh,
    scratch_types=[
        pltpu.VMEM((_BPW, _N, _D), jnp.float32),
        pltpu.VMEM((_BPW, _N, 2 * _D), jnp.float32),
    ],
)


def kernel(inputs, send_edges, recv_edges, edge2node_mat):
    return _sc_encode(inputs)

# --- scband reference (transcript-rebuilt; emitter-appended) ---
"""Pipeline reference for scband-base-encoder-1194000908591 (READ-ONLY COPY).

The authoritative reference and input builder live on the scoring server;
editing this copy changes nothing except your own understanding.
"""

import jax, jax.numpy as jnp
import numpy as np

NUM_VARS = 64
BATCH = 128
DFEAT = 128


def _build_edges(num_vars):
    edges = np.ones((num_vars, num_vars)) - np.eye(num_vars)
    send_edges, recv_edges = np.where(edges)
    return send_edges.astype(np.int32), recv_edges.astype(np.int32)


def setup_inputs(seed: int = 0) -> dict:
    key = jax.random.key(seed)
    inputs = jax.random.normal(key, (BATCH, NUM_VARS, DFEAT), dtype=jnp.float32)
    send_np, recv_np = _build_edges(NUM_VARS)
    # encode_onehot(recv_edges).transpose() -> [num_vars, num_edges], non-trainable buffer
    onehot = np.eye(NUM_VARS, dtype=np.float32)[recv_np]  # [E, N]
    edge2node_mat = jnp.asarray(onehot.T)  # [N, E]
    return {
        "inputs": inputs,
        "send_edges": jnp.asarray(send_np),
        "recv_edges": jnp.asarray(recv_np),
        "edge2node_mat": edge2node_mat,
    }


def reference(inputs, send_edges, recv_edges, edge2node_mat):
    # node2edge (static graph): gather send/recv node embeddings per directed edge
    send_embed = jnp.take(inputs, send_edges, axis=1)  # [B, E, d]
    recv_embed = jnp.take(inputs, recv_edges, axis=1)  # [B, E, d]
    edge_embeddings = jnp.concatenate([send_embed, recv_embed], axis=2)  # [B, E, 2d]
    # edge2node (static graph): one-hot matmul == scatter-add of edge messages to recv nodes
    incoming = jnp.einsum("ne,bed->bnd", edge2node_mat, edge_embeddings)  # [B, N, 2d]
    return incoming / (NUM_VARS - 1)

if __name__ == "__main__":
    import jax
    _d = setup_inputs()
    print(jax.jit(kernel)(*tuple(_d.values())))

</pallas_src>

<mosaic_0001>
#map = affine_map<(d0, d1) -> (0, 0, 0)>
module attributes {stable_mosaic.version = 14 : i64} {
  func.func @_sc_encode_body(%arg0: i32, %arg1: i32, %arg2: memref<128x64x128xf32, #tpu.memory_space<hbm>>, %arg3: memref<128x64x256xf32, #tpu.memory_space<hbm>>, %arg4: memref<4x64x128xf32, #tpu.memory_space<vmem>>, %arg5: memref<4x64x256xf32, #tpu.memory_space<vmem>>) attributes {dimension_semantics = [#tpu.dimension_semantics<core_parallel>, #tpu.dimension_semantics<subcore_parallel>], iteration_bounds = array<i64: 2, 16>, scalar_prefetch = 0 : i64, scratch_operands = 2 : i64, tpu.core_type = #tpu.core_type<sc_vector_subcore>, window_params = [{transform_indices = #map}, {transform_indices = #map}]} {
    %mul3A = arith.constant 2 : i32
    %mul3A_0 = arith.muli %arg1, %mul3A : i32
    %add3A = arith.addi %mul3A_0, %arg0 : i32
    %mul3A_1 = arith.constant 4 : i32
    %mul3A_2 = arith.muli %add3A, %mul3A_1 : i32
    "tpu.region"() ({
      %run_scoped3A = tpu.sem_alloc : memref<!tpu.dma_semaphore, #tpu.memory_space<semaphore_mem>>
      %dma_start3A = arith.constant 0 : i32
      %dma_start3A_93 = arith.constant 0 : i32
      %dma_start3A_94 = tpu.memref_slice %arg2[%mul3A_2, %dma_start3A, %dma_start3A_93] : memref<128x64x128xf32, #tpu.memory_space<hbm>> -> memref<4x64x128xf32, #tpu.memory_space<hbm>>
      %dma_start3A_95 = arith.constant 0 : i32
      %dma_start3A_96 = arith.constant 0 : i32
      %dma_start3A_97 = tpu.memref_slice %arg2[%mul3A_2, %dma_start3A_95, %dma_start3A_96] : memref<128x64x128xf32, #tpu.memory_space<hbm>> -> memref<4x64x128xf32, #tpu.memory_space<hbm>>
      tpu.enqueue_dma source(%dma_start3A_97 : memref<4x64x128xf32, #tpu.memory_space<hbm>>) target(%arg4 : memref<4x64x128xf32, #tpu.memory_space<vmem>>) target_semaphore(%run_scoped3A : memref<!tpu.dma_semaphore, #tpu.memory_space<semaphore_mem>>)
      %dma_wait3A = arith.constant 0 : i32
      %dma_wait3A_98 = arith.constant 0 : i32
      %dma_wait3A_99 = tpu.memref_slice %arg2[%mul3A_2, %dma_wait3A, %dma_wait3A_98] : memref<128x64x128xf32, #tpu.memory_space<hbm>> -> memref<4x64x128xf32, #tpu.memory_space<hbm>>
      %dma_wait3A_100 = arith.constant 0 : i32
      %dma_wait3A_101 = arith.constant 0 : i32
      %dma_wait3A_102 = tpu.memref_slice %arg2[%mul3A_2, %dma_wait3A_100, %dma_wait3A_101] : memref<128x64x128xf32, #tpu.memory_space<hbm>> -> memref<4x64x128xf32, #tpu.memory_space<hbm>>
      tpu.wait_dma2 semaphore(%run_scoped3A : memref<!tpu.dma_semaphore, #tpu.memory_space<semaphore_mem>>) src(%dma_wait3A_102 : memref<4x64x128xf32, #tpu.memory_space<hbm>>) dst(%arg4 : memref<4x64x128xf32, #tpu.memory_space<vmem>>)
      tpu.yield
    }) : () -> ()
    %broadcast_in_dim3A = arith.constant 0.000000e+00 : f32
    %broadcast_in_dim3A_3 = vector.broadcast %broadcast_in_dim3A : f32 to vector<16xf32>
    %broadcast_in_dim3A_4 = arith.constant 0.000000e+00 : f32
    %broadcast_in_dim3A_5 = vector.broadcast %broadcast_in_dim3A_4 : f32 to vector<16xf32>
    %broadcast_in_dim3A_6 = arith.constant 0.000000e+00 : f32
    %broadcast_in_dim3A_7 = vector.broadcast %broadcast_in_dim3A_6 : f32 to vector<16xf32>
    %broadcast_in_dim3A_8 = arith.constant 0.000000e+00 : f32
    %broadcast_in_dim3A_9 = vector.broadcast %broadcast_in_dim3A_8 : f32 to vector<16xf32>
    %broadcast_in_dim3A_10 = arith.constant 0.000000e+00 : f32
    %broadcast_in_dim3A_11 = vector.broadcast %broadcast_in_dim3A_10 : f32 to vector<16xf32>
    %broadcast_in_dim3A_12 = arith.constant 0.000000e+00 : f32
    %broadcast_in_dim3A_13 = vector.broadcast %broadcast_in_dim3A_12 : f32 to vector<16xf32>
    %broadcast_in_dim3A_14 = arith.constant 0.000000e+00 : f32
    %broadcast_in_dim3A_15 = vector.broadcast %broadcast_in_dim3A_14 : f32 to vector<16xf32>
    %broadcast_in_dim3A_16 = arith.constant 0.000000e+00 : f32
    %broadcast_in_dim3A_17 = vector.broadcast %broadcast_in_dim3A_16 : f32 to vector<16xf32>
    %parallel_loop3A = arith.constant 0 : i32
    %parallel_loop3A_18 = arith.constant 64 : i32
    %parallel_loop3A_19 = arith.constant 1 : i32
    %parallel_loop3A_20:8 = scf.for %parallel_loop3A_93 = %parallel_loop3A to %parallel_loop3A_18 step %parallel_loop3A_19 iter_args(%parallel_loop3A_94 = %broadcast_in_dim3A_3, %parallel_loop3A_95 = %broadcast_in_dim3A_5, %parallel_loop3A_96 = %broadcast_in_dim3A_7, %parallel_loop3A_97 = %broadcast_in_dim3A_9, %parallel_loop3A_98 = %broadcast_in_dim3A_11, %parallel_loop3A_99 = %broadcast_in_dim3A_13, %parallel_loop3A_100 = %broadcast_in_dim3A_15, %parallel_loop3A_101 = %broadcast_in_dim3A_17) -> (vector<16xf32>, vector<16xf32>, vector<16xf32>, vector<16xf32>, vector<16xf32>, vector<16xf32>, vector<16xf32>, vector<16xf32>)  : i32 {
      %parallel_loop3A_102 = arith.constant 0 : i32
      %parallel_loop3A_103 = arith.index_cast %parallel_loop3A_102 : i32 to index
      %parallel_loop3A_104 = arith.index_cast %parallel_loop3A_93 : i32 to index
      %parallel_loop3A_105 = arith.constant 0 : index
      %parallel_loop3A_106 = tpu.vector_load %arg4[%parallel_loop3A_103, %parallel_loop3A_104, %parallel_loop3A_105] {strides = array<i32>} : memref<4x64x128xf32, #tpu.memory_space<vmem>>, vector<1x1x16xf32>,
      %parallel_loop3A_107 = vector.shape_cast %parallel_loop3A_106 : vector<1x1x16xf32> to vector<16xf32>
      %parallel_loop3A_108 = arith.addf %parallel_loop3A_94, %parallel_loop3A_107 : vector<16xf32>
      %parallel_loop3A_109 = arith.constant 0 : i32
      %parallel_loop3A_110 = arith.index_cast %parallel_loop3A_109 : i32 to index
      %parallel_loop3A_111 = arith.index_cast %parallel_loop3A_93 : i32 to index
      %parallel_loop3A_112 = arith.constant 16 : index
      %parallel_loop3A_113 = tpu.vector_load %arg4[%parallel_loop3A_110, %parallel_loop3A_111, %parallel_loop3A_112] {strides = array<i32>} : memref<4x64x128xf32, #tpu.memory_space<vmem>>, vector<1x1x16xf32>,
      %parallel_loop3A_114 = vector.shape_cast %parallel_loop3A_113 : vector<1x1x16xf32> to vector<16xf32>
      %parallel_loop3A_115 = arith.addf %parallel_loop3A_95, %parallel_loop3A_114 : vector<16xf32>
      %parallel_loop3A_116 = arith.constant 0 : i32
      %parallel_loop3A_117 = arith.index_cast %parallel_loop3A_116 : i32 to index
      %parallel_loop3A_118 = arith.index_cast %parallel_loop3A_93 : i32 to index
      %parallel_loop3A_119 = arith.constant 32 : index
      %parallel_loop3A_120 = tpu.vector_load %arg4[%parallel_loop3A_117, %parallel_loop3A_118, %parallel_loop3A_119] {strides = array<i32>} : memref<4x64x128xf32, #tpu.memory_space<vmem>>, vector<1x1x16xf32>,
      %parallel_loop3A_121 = vector.shape_cast %parallel_loop3A_120 : vector<1x1x16xf32> to vector<16xf32>
      %parallel_loop3A_122 = arith.addf %parallel_loop3A_96, %parallel_loop3A_121 : vector<16xf32>
      %parallel_loop3A_123 = arith.constant 0 : i32
      %parallel_loop3A_124 = arith.index_cast %parallel_loop3A_123 : i32 to index
      %parallel_loop3A_125 = arith.index_cast %parallel_loop3A_93 : i32 to index
      %parallel_loop3A_126 = arith.constant 48 : index
      %parallel_loop3A_127 = tpu.vector_load %arg4[%parallel_loop3A_124, %parallel_loop3A_125, %parallel_loop3A_126] {strides = array<i32>} : memref<4x64x128xf32, #tpu.memory_space<vmem>>, vector<1x1x16xf32>,
      %parallel_loop3A_128 = vector.shape_cast %parallel_loop3A_127 : vector<1x1x16xf32> to vector<16xf32>
      %parallel_loop3A_129 = arith.addf %parallel_loop3A_97, %parallel_loop3A_128 : vector<16xf32>
      %parallel_loop3A_130 = arith.constant 0 : i32
      %parallel_loop3A_131 = arith.index_cast %parallel_loop3A_130 : i32 to index
      %parallel_loop3A_132 = arith.index_cast %parallel_loop3A_93 : i32 to index
      %parallel_loop3A_133 = arith.constant 64 : index
      %parallel_loop3A_134 = tpu.vector_load %arg4[%parallel_loop3A_131, %parallel_loop3A_132, %parallel_loop3A_133] {strides = array<i32>} : memref<4x64x128xf32, #tpu.memory_space<vmem>>, vector<1x1x16xf32>,
      %parallel_loop3A_135 = vector.shape_cast %parallel_loop3A_134 : vector<1x1x16xf32> to vector<16xf32>
      %parallel_loop3A_136 = arith.addf %parallel_loop3A_98, %parallel_loop3A_135 : vector<16xf32>
      %parallel_loop3A_137 = arith.constant 0 : i32
      %parallel_loop3A_138 = arith.index_cast %parallel_loop3A_137 : i32 to index
      %parallel_loop3A_139 = arith.index_cast %parallel_loop3A_93 : i32 to index
      %parallel_loop3A_140 = arith.constant 80 : index
      %parallel_loop3A_141 = tpu.vector_load %arg4[%parallel_loop3A_138, %parallel_loop3A_139, %parallel_loop3A_140] {strides = array<i32>} : memref<4x64x128xf32, #tpu.memory_space<vmem>>, vector<1x1x16xf32>,
      %parallel_loop3A_142 = vector.shape_cast %parallel_loop3A_141 : vector<1x1x16xf32> to vector<16xf32>
      %parallel_loop3A_143 = arith.addf %parallel_loop3A_99, %parallel_loop3A_142 : vector<16xf32>
      %parallel_loop3A_144 = arith.constant 0 : i32
      %parallel_loop3A_145 = arith.index_cast %parallel_loop3A_144 : i32 to index
      %parallel_loop3A_146 = arith.index_cast %parallel_loop3A_93 : i32 to index
      %parallel_loop3A_147 = arith.constant 96 : index
      %parallel_loop3A_148 = tpu.vector_load %arg4[%parallel_loop3A_145, %parallel_loop3A_146, %parallel_loop3A_147] {strides = array<i32>} : memref<4x64x128xf32, #tpu.memory_space<vmem>>, vector<1x1x16xf32>,
      %parallel_loop3A_149 = vector.shape_cast %parallel_loop3A_148 : vector<1x1x16xf32> to vector<16xf32>
      %parallel_loop3A_150 = arith.addf %parallel_loop3A_100, %parallel_loop3A_149 : vector<16xf32>
      %parallel_loop3A_151 = arith.constant 0 : i32
      %parallel_loop3A_152 = arith.index_cast %parallel_loop3A_151 : i32 to index
      %parallel_loop3A_153 = arith.index_cast %parallel_loop3A_93 : i32 to index
      %parallel_loop3A_154 = arith.constant 112 : index
      %parallel_loop3A_155 = tpu.vector_load %arg4[%parallel_loop3A_152, %parallel_loop3A_153, %parallel_loop3A_154] {strides = array<i32>} : memref<4x64x128xf32, #tpu.memory_space<vmem>>, vector<1x1x16xf32>,
      %parallel_loop3A_156 = vector.shape_cast %parallel_loop3A_155 : vector<1x1x16xf32> to vector<16xf32>
      %parallel_loop3A_157 = arith.addf %parallel_loop3A_101, %parallel_loop3A_156 : vector<16xf32>
      scf.yield %parallel_loop3A_108, %parallel_loop3A_115, %parallel_loop3A_122, %parallel_loop3A_129, %parallel_loop3A_136, %parallel_loop3A_143, %parallel_loop3A_150, %parallel_loop3A_157 : vector<16xf32>, vector<16xf32>, vector<16xf32>, vector<16xf32>, vector<16xf32>, vector<16xf32>, vector<16xf32>, vector<16xf32>
    } {sc.loop_unroll_factor = 4 : i64, sc.parallel_access}
    %parallel_loop3A_21 = arith.constant 0 : i32
    %parallel_loop3A_22 = arith.constant 64 : i32
    %parallel_loop3A_23 = arith.constant 1 : i32
    scf.for %parallel_loop3A_93 = %parallel_loop3A_21 to %parallel_loop3A_22 step %parallel_loop3A_23  : i32 {
      %parallel_loop3A_94 = arith.constant 0 : i32
      %parallel_loop3A_95 = arith.index_cast %parallel_loop3A_94 : i32 to index
      %parallel_loop3A_96 = arith.index_cast %parallel_loop3A_93 : i32 to index
      %parallel_loop3A_97 = arith.constant 0 : index
      %parallel_loop3A_98 = tpu.vector_load %arg4[%parallel_loop3A_95, %parallel_loop3A_96, %parallel_loop3A_97] {strides = array<i32>} : memref<4x64x128xf32, #tpu.memory_space<vmem>>, vector<1x1x16xf32>,
      %parallel_loop3A_99 = vector.shape_cast %parallel_loop3A_98 : vector<1x1x16xf32> to vector<16xf32>
      %parallel_loop3A_100 = arith.subf %parallel_loop3A_20#0, %parallel_loop3A_99 : vector<16xf32>
      %parallel_loop3A_101 = arith.constant 0.0158730168 : f32
      %parallel_loop3A_102 = vector.broadcast %parallel_loop3A_101 : f32 to vector<16xf32>
      %parallel_loop3A_103 = arith.mulf %parallel_loop3A_100, %parallel_loop3A_102 : vector<16xf32>
      %parallel_loop3A_104 = arith.constant 0 : i32
      %parallel_loop3A_105 = arith.index_cast %parallel_loop3A_104 : i32 to index
      %parallel_loop3A_106 = arith.index_cast %parallel_loop3A_93 : i32 to index
      %parallel_loop3A_107 = arith.constant 0 : index
      %parallel_loop3A_108 = tpu.vector_load %arg5[%parallel_loop3A_105, %parallel_loop3A_106, %parallel_loop3A_107] {strides = array<i32>} : memref<4x64x256xf32, #tpu.memory_space<vmem>>, vector<1x1x16xf32>,
      %parallel_loop3A_109 = vector.shape_cast %parallel_loop3A_108 : vector<1x1x16xf32> to vector<16xf32>
      %parallel_loop3A_110 = vector.shape_cast %parallel_loop3A_103 : vector<16xf32> to vector<1x1x16xf32>
      tpu.vector_store %arg5[%parallel_loop3A_105, %parallel_loop3A_106, %parallel_loop3A_107], %parallel_loop3A_110 {strides = array<i32>} : memref<4x64x256xf32, #tpu.memory_space<vmem>>, vector<1x1x16xf32>,
      %parallel_loop3A_111 = arith.constant 0 : i32
      %parallel_loop3A_112 = arith.index_cast %parallel_loop3A_111 : i32 to index
      %parallel_loop3A_113 = arith.index_cast %parallel_loop3A_93 : i32 to index
      %parallel_loop3A_114 = arith.constant 128 : index
      %parallel_loop3A_115 = tpu.vector_load %arg5[%parallel_loop3A_112, %parallel_loop3A_113, %parallel_loop3A_114] {strides = array<i32>} : memref<4x64x256xf32, #tpu.memory_space<vmem>>, vector<1x1x16xf32>,
      %parallel_loop3A_116 = vector.shape_cast %parallel_loop3A_115 : vector<1x1x16xf32> to vector<16xf32>
      %parallel_loop3A_117 = vector.shape_cast %parallel_loop3A_99 : vector<16xf32> to vector<1x1x16xf32>
      tpu.vector_store %arg5[%parallel_loop3A_112, %parallel_loop3A_113, %parallel_loop3A_114], %parallel_loop3A_117 {strides = array<i32>} : memref<4x64x256xf32, #tpu.memory_space<vmem>>, vector<1x1x16xf32>,
      %parallel_loop3A_118 = arith.constant 0 : i32
      %parallel_loop3A_119 = arith.index_cast %parallel_loop3A_118 : i32 to index
      %parallel_loop3A_120 = arith.index_cast %parallel_loop3A_93 : i32 to index
      %parallel_loop3A_121 = arith.constant 16 : index
      %parallel_loop3A_122 = tpu.vector_load %arg4[%parallel_loop3A_119, %parallel_loop3A_120, %parallel_loop3A_121] {strides = array<i32>} : memref<4x64x128xf32, #tpu.memory_space<vmem>>, vector<1x1x16xf32>,
      %parallel_loop3A_123 = vector.shape_cast %parallel_loop3A_122 : vector<1x1x16xf32> to vector<16xf32>
      %parallel_loop3A_124 = arith.subf %parallel_loop3A_20#1, %parallel_loop3A_123 : vector<16xf32>
      %parallel_loop3A_125 = arith.constant 0.0158730168 : f32
      %parallel_loop3A_126 = vector.broadcast %parallel_loop3A_125 : f32 to vector<16xf32>
      %parallel_loop3A_127 = arith.mulf %parallel_loop3A_124, %parallel_loop3A_126 : vector<16xf32>
      %parallel_loop3A_128 = arith.constant 0 : i32
      %parallel_loop3A_129 = arith.index_cast %parallel_loop3A_128 : i32 to index
      %parallel_loop3A_130 = arith.index_cast %parallel_loop3A_93 : i32 to index
      %parallel_loop3A_131 = arith.constant 16 : index
      %parallel_loop3A_132 = tpu.vector_load %arg5[%parallel_loop3A_129, %parallel_loop3A_130, %parallel_loop3A_131] {strides = array<i32>} : memref<4x64x256xf32, #tpu.memory_space<vmem>>, vector<1x1x16xf32>,
      %parallel_loop3A_133 = vector.shape_cast %parallel_loop3A_132 : vector<1x1x16xf32> to vector<16xf32>
      %parallel_loop3A_134 = vector.shape_cast %parallel_loop3A_127 : vector<16xf32> to vector<1x1x16xf32>
      tpu.vector_store %arg5[%parallel_loop3A_129, %parallel_loop3A_130, %parallel_loop3A_131], %parallel_loop3A_134 {strides = array<i32>} : memref<4x64x256xf32, #tpu.memory_space<vmem>>, vector<1x1x16xf32>,
      %parallel_loop3A_135 = arith.constant 0 : i32
      %parallel_loop3A_136 = arith.index_cast %parallel_loop3A_135 : i32 to index
      %parallel_loop3A_137 = arith.index_cast %parallel_loop3A_93 : i32 to index
      %parallel_loop3A_138 = arith.constant 144 : index
      %parallel_loop3A_139 = tpu.vector_load %arg5[%parallel_loop3A_136, %parallel_loop3A_137, %parallel_loop3A_138] {strides = array<i32>} : memref<4x64x256xf32, #tpu.memory_space<vmem>>, vector<1x1x16xf32>,
      %parallel_loop3A_140 = vector.shape_cast %parallel_loop3A_139 : vector<1x1x16xf32> to vector<16xf32>
      %parallel_loop3A_141 = vector.shape_cast %parallel_loop3A_123 : vector<16xf32> to vector<1x1x16xf32>
      tpu.vector_store %arg5[%parallel_loop3A_136, %parallel_loop3A_137, %parallel_loop3A_138], %parallel_loop3A_141 {strides = array<i32>} : memref<4x64x256xf32, #tpu.memory_space<vmem>>, vector<1x1x16xf32>,
      %parallel_loop3A_142 = arith.constant 0 : i32
      %parallel_loop3A_143 = arith.index_cast %parallel_loop3A_142 : i32 to index
      %parallel_loop3A_144 = arith.index_cast %parallel_loop3A_93 : i32 to index
      %parallel_loop3A_145 = arith.constant 32 : index
      %parallel_loop3A_146 = tpu.vector_load %arg4[%parallel_loop3A_143, %parallel_loop3A_144, %parallel_loop3A_145] {strides = array<i32>} : memref<4x64x128xf32, #tpu.memory_space<vmem>>, vector<1x1x16xf32>,
      %parallel_loop3A_147 = vector.shape_cast %parallel_loop3A_146 : vector<1x1x16xf32> to vector<16xf32>
      %parallel_loop3A_148 = arith.subf %parallel_loop3A_20#2, %parallel_loop3A_147 : vector<16xf32>
      %parallel_loop3A_149 = arith.constant 0.0158730168 : f32
      %parallel_loop3A_150 = vector.broadcast %parallel_loop3A_149 : f32 to vector<16xf32>
      %parallel_loop3A_151 = arith.mulf %parallel_loop3A_148, %parallel_loop3A_150 : vector<16xf32>
      %parallel_loop3A_152 = arith.constant 0 : i32
      %parallel_loop3A_153 = arith.index_cast %parallel_loop3A_152 : i32 to index
      %parallel_loop3A_154 = arith.index_cast %parallel_loop3A_93 : i32 to index
      %parallel_loop3A_155 = arith.constant 32 : index
      %parallel_loop3A_156 = tpu.vector_load %arg5[%parallel_loop3A_153, %parallel_loop3A_154, %parallel_loop3A_155] {strides = array<i32>} : memref<4x64x256xf32, #tpu.memory_space<vmem>>, vector<1x1x16xf32>,
      %parallel_loop3A_157 = vector.shape_cast %parallel_loop3A_156 : vector<1x1x16xf32> to vector<16xf32>
      %parallel_loop3A_158 = vector.shape_cast %parallel_loop3A_151 : vector<16xf32> to vector<1x1x16xf32>
      tpu.vector_store %arg5[%parallel_loop3A_153, %parallel_loop3A_154, %parallel_loop3A_155], %parallel_loop3A_158 {strides = array<i32>} : memref<4x64x256xf32, #tpu.memory_space<vmem>>, vector<1x1x16xf32>,
      %parallel_loop3A_159 = arith.constant 0 : i32
      %parallel_loop3A_160 = arith.index_cast %parallel_loop3A_159 : i32 to index
      %parallel_loop3A_161 = arith.index_cast %parallel_loop3A_93 : i32 to index
      %parallel_loop3A_162 = arith.constant 160 : index
      %parallel_loop3A_163 = tpu.vector_load %arg5[%parallel_loop3A_160, %parallel_loop3A_161, %parallel_loop3A_162] {strides = array<i32>} : memref<4x64x256xf32, #tpu.memory_space<vmem>>, vector<1x1x16xf32>,
      %parallel_loop3A_164 = vector.shape_cast %parallel_loop3A_163 : vector<1x1x16xf32> to vector<16xf32>
      %parallel_loop3A_165 = vector.shape_cast %parallel_loop3A_147 : vector<16xf32> to vector<1x1x16xf32>
      tpu.vector_store %arg5[%parallel_loop3A_160, %parallel_loop3A_161, %parallel_loop3A_162], %parallel_loop3A_165 {strides = array<i32>} : memref<4x64x256xf32, #tpu.memory_space<vmem>>, vector<1x1x16xf32>,
      %parallel_loop3A_166 = arith.constant 0 : i32
      %parallel_loop3A_167 = arith.index_cast %parallel_loop3A_166 : i32 to index
      %parallel_loop3A_168 = arith.index_cast %parallel_loop3A_93 : i32 to index
      %parallel_loop3A_169 = arith.constant 48 : index
      %parallel_loop3A_170 = tpu.vector_load %arg4[%parallel_loop3A_167, %parallel_loop3A_168, %parallel_loop3A_169] {strides = array<i32>} : memref<4x64x128xf32, #tpu.memory_space<vmem>>, vector<1x1x16xf32>,
      %parallel_loop3A_171 = vector.shape_cast %parallel_loop3A_170 : vector<1x1x16xf32> to vector<16xf32>
      %parallel_loop3A_172 = arith.subf %parallel_loop3A_20#3, %parallel_loop3A_171 : vector<16xf32>
      %parallel_loop3A_173 = arith.constant 0.0158730168 : f32
      %parallel_loop3A_174 = vector.broadcast %parallel_loop3A_173 : f32 to vector<16xf32>
      %parallel_loop3A_175 = arith.mulf %parallel_loop3A_172, %parallel_loop3A_174 : vector<16xf32>
      %parallel_loop3A_176 = arith.constant 0 : i32
      %parallel_loop3A_177 = arith.index_cast %parallel_loop3A_176 : i32 to index
      %parallel_loop3A_178 = arith.index_cast %parallel_loop3A_93 : i32 to index
      %parallel_loop3A_179 = arith.constant 48 : index
      %parallel_loop3A_180 = tpu.vector_load %arg5[%parallel_loop3A_177, %parallel_loop3A_178, %parallel_loop3A_179] {strides = array<i32>} : memref<4x64x256xf32, #tpu.memory_space<vmem>>, vector<1x1x16xf32>,
      %parallel_loop3A_181 = vector.shape_cast %parallel_loop3A_180 : vector<1x1x16xf32> to vector<16xf32>
      %parallel_loop3A_182 = vector.shape_cast %parallel_loop3A_175 : vector<16xf32> to vector<1x1x16xf32>
      tpu.vector_store %arg5[%parallel_loop3A_177, %parallel_loop3A_178, %parallel_loop3A_179], %parallel_loop3A_182 {strides = array<i32>} : memref<4x64x256xf32, #tpu.memory_space<vmem>>, vector<1x1x16xf32>,
      %parallel_loop3A_183 = arith.constant 0 : i32
      %parallel_loop3A_184 = arith.index_cast %parallel_loop3A_183 : i32 to index
      %parallel_loop3A_185 = arith.index_cast %parallel_loop3A_93 : i32 to index
      %parallel_loop3A_186 = arith.constant 176 : index
      %parallel_loop3A_187 = tpu.vector_load %arg5[%parallel_loop3A_184, %parallel_loop3A_185, %parallel_loop3A_186] {strides = array<i32>} : memref<4x64x256xf32, #tpu.memory_space<vmem>>, vector<1x1x16xf32>,
      %parallel_loop3A_188 = vector.shape_cast %parallel_loop3A_187 : vector<1x1x16xf32> to vector<16xf32>
      %parallel_loop3A_189 = vector.shape_cast %parallel_loop3A_171 : vector<16xf32> to vector<1x1x16xf32>
      tpu.vector_store %arg5[%parallel_loop3A_184, %parallel_loop3A_185, %parallel_loop3A_186], %parallel_loop3A_189 {strides = array<i32>} : memref<4x64x256xf32, #tpu.memory_space<vmem>>, vector<1x1x16xf32>,
      %parallel_loop3A_190 = arith.constant 0 : i32
      %parallel_loop3A_191 = arith.index_cast %parallel_loop3A_190 : i32 to index
      %parallel_loop3A_192 = arith.index_cast %parallel_loop3A_93 : i32 to index
      %parallel_loop3A_193 = arith.constant 64 : index
      %parallel_loop3A_194 = tpu.vector_load %arg4[%parallel_loop3A_191, %parallel_loop3A_192, %parallel_loop3A_193] {strides = array<i32>} : memref<4x64x128xf32, #tpu.memory_space<vmem>>, vector<1x1x16xf32>,
      %parallel_loop3A_195 = vector.shape_cast %parallel_loop3A_194 : vector<1x1x16xf32> to vector<16xf32>
      %parallel_loop3A_196 = arith.subf %parallel_loop3A_20#4, %parallel_loop3A_195 : vector<16xf32>
      %parallel_loop3A_197 = arith.constant 0.0158730168 : f32
      %parallel_loop3A_198 = vector.broadcast %parallel_loop3A_197 : f32 to vector<16xf32>
      %parallel_loop3A_199 = arith.mulf %parallel_loop3A_196, %parallel_loop3A_198 : vector<16xf32>
      %parallel_loop3A_200 = arith.constant 0 : i32
      %parallel_loop3A_201 = arith.index_cast %parallel_loop3A_200 : i32 to index
      %parallel_loop3A_202 = arith.index_cast %parallel_loop3A_93 : i32 to index
      %parallel_loop3A_203 = arith.constant 64 : index
      %parallel_loop3A_204 = tpu.vector_load %arg5[%parallel_loop3A_201, %parallel_loop3A_202, %parallel_loop3A_203] {strides = array<i32>} : memref<4x64x256xf32, #tpu.memory_space<vmem>>, vector<1x1x16xf32>,
      %parallel_loop3A_205 = vector.shape_cast %parallel_loop3A_204 : vector<1x1x16xf32> to vector<16xf32>
      %parallel_loop3A_206 = vector.shape_cast %parallel_loop3A_199 : vector<16xf32> to vector<1x1x16xf32>
      tpu.vector_store %arg5[%parallel_loop3A_201, %parallel_loop3A_202, %parallel_loop3A_203], %parallel_loop3A_206 {strides = array<i32>} : memref<4x64x256xf32, #tpu.memory_space<vmem>>, vector<1x1x16xf32>,
      %parallel_loop3A_207 = arith.constant 0 : i32
      %parallel_loop3A_208 = arith.index_cast %parallel_loop3A_207 : i32 to index
      %parallel_loop3A_209 = arith.index_cast %parallel_loop3A_93 : i32 to index
      %parallel_loop3A_210 = arith.constant 192 : index
      %parallel_loop3A_211 = tpu.vector_load %arg5[%parallel_loop3A_208, %parallel_loop3A_209, %parallel_loop3A_210] {strides = array<i32>} : memref<4x64x256xf32, #tpu.memory_space<vmem>>, vector<1x1x16xf32>,
      %parallel_loop3A_212 = vector.shape_cast %parallel_loop3A_211 : vector<1x1x16xf32> to vector<16xf32>
      %parallel_loop3A_213 = vector.shape_cast %parallel_loop3A_195 : vector<16xf32> to vector<1x1x16xf32>
      tpu.vector_store %arg5[%parallel_loop3A_208, %parallel_loop3A_209, %parallel_loop3A_210], %parallel_loop3A_213 {strides = array<i32>} : memref<4x64x256xf32, #tpu.memory_space<vmem>>, vector<1x1x16xf32>,
      %parallel_loop3A_214 = arith.constant 0 : i32
      %parallel_loop3A_215 = arith.index_cast %parallel_loop3A_214 : i32 to index
      %parallel_loop3A_216 = arith.index_cast %parallel_loop3A_93 : i32 to index
      %parallel_loop3A_217 = arith.constant 80 : index
      %parallel_loop3A_218 = tpu.vector_load %arg4[%parallel_loop3A_215, %parallel_loop3A_216, %parallel_loop3A_217] {strides = array<i32>} : memref<4x64x128xf32, #tpu.memory_space<vmem>>, vector<1x1x16xf32>,
      %parallel_loop3A_219 = vector.shape_cast %parallel_loop3A_218 : vector<1x1x16xf32> to vector<16xf32>
      %parallel_loop3A_220 = arith.subf %parallel_loop3A_20#5, %parallel_loop3A_219 : vector<16xf32>
      %parallel_loop3A_221 = arith.constant 0.0158730168 : f32
      %parallel_loop3A_222 = vector.broadcast %parallel_loop3A_221 : f32 to vector<16xf32>
      %parallel_loop3A_223 = arith.mulf %parallel_loop3A_220, %parallel_loop3A_222 : vector<16xf32>
      %parallel_loop3A_224 = arith.constant 0 : i32
      %parallel_loop3A_225 = arith.index_cast %parallel_loop3A_224 : i32 to index
      %parallel_loop3A_226 = arith.index_cast %parallel_loop3A_93 : i32 to index
      %parallel_loop3A_227 = arith.constant 80 : index
      %parallel_loop3A_228 = tpu.vector_load %arg5[%parallel_loop3A_225, %parallel_loop3A_226, %parallel_loop3A_227] {strides = array<i32>} : memref<4x64x256xf32, #tpu.memory_space<vmem>>, vector<1x1x16xf32>,
      %parallel_loop3A_229 = vector.shape_cast %parallel_loop3A_228 : vector<1x1x16xf32> to vector<16xf32>
      %parallel_loop3A_230 = vector.shape_cast %parallel_loop3A_223 : vector<16xf32> to vector<1x1x16xf32>
      tpu.vector_store %arg5[%parallel_loop3A_225, %parallel_loop3A_226, %parallel_loop3A_227], %parallel_loop3A_230 {strides = array<i32>} : memref<4x64x256xf32, #tpu.memory_space<vmem>>, vector<1x1x16xf32>,
      %parallel_loop3A_231 = arith.constant 0 : i32
      %parallel_loop3A_232 = arith.index_cast %parallel_loop3A_231 : i32 to index
      %parallel_loop3A_233 = arith.index_cast %parallel_loop3A_93 : i32 to index
      %parallel_loop3A_234 = arith.constant 208 : index
      %parallel_loop3A_235 = tpu.vector_load %arg5[%parallel_loop3A_232, %parallel_loop3A_233, %parallel_loop3A_234] {strides = array<i32>} : memref<4x64x256xf32, #tpu.memory_space<vmem>>, vector<1x1x16xf32>,
      %parallel_loop3A_236 = vector.shape_cast %parallel_loop3A_235 : vector<1x1x16xf32> to vector<16xf32>
      %parallel_loop3A_237 = vector.shape_cast %parallel_loop3A_219 : vector<16xf32> to vector<1x1x16xf32>
      tpu.vector_store %arg5[%parallel_loop3A_232, %parallel_loop3A_233, %parallel_loop3A_234], %parallel_loop3A_237 {strides = array<i32>} : memref<4x64x256xf32, #tpu.memory_space<vmem>>, vector<1x1x16xf32>,
      %parallel_loop3A_238 = arith.constant 0 : i32
      %parallel_loop3A_239 = arith.index_cast %parallel_loop3A_238 : i32 to index
      %parallel_loop3A_240 = arith.index_cast %parallel_loop3A_93 : i32 to index
      %parallel_loop3A_241 = arith.constant 96 : index
      %parallel_loop3A_242 = tpu.vector_load %arg4[%parallel_loop3A_239, %parallel_loop3A_240, %parallel_loop3A_241] {strides = array<i32>} : memref<4x64x128xf32, #tpu.memory_space<vmem>>, vector<1x1x16xf32>,
      %parallel_loop3A_243 = vector.shape_cast %parallel_loop3A_242 : vector<1x1x16xf32> to vector<16xf32>
      %parallel_loop3A_244 = arith.subf %parallel_loop3A_20#6, %parallel_loop3A_243 : vector<16xf32>
      %parallel_loop3A_245 = arith.constant 0.0158730168 : f32
      %parallel_loop3A_246 = vector.broadcast %parallel_loop3A_245 : f32 to vector<16xf32>
      %parallel_loop3A_247 = arith.mulf %parallel_loop3A_244, %parallel_loop3A_246 : vector<16xf32>
      %parallel_loop3A_248 = arith.constant 0 : i32
      %parallel_loop3A_249 = arith.index_cast %parallel_loop3A_248 : i32 to index
      %parallel_loop3A_250 = arith.index_cast %parallel_loop3A_93 : i32 to index
      %parallel_loop3A_251 = arith.constant 96 : index
      %parallel_loop3A_252 = tpu.vector_load %arg5[%parallel_loop3A_249, %parallel_loop3A_250, %parallel_loop3A_251] {strides = array<i32>} : memref<4x64x256xf32, #tpu.memory_space<vmem>>, vector<1x1x16xf32>,
      %parallel_loop3A_253 = vector.shape_cast %parallel_loop3A_252 : vector<1x1x16xf32> to vector<16xf32>
      %parallel_loop3A_254 = vector.shape_cast %parallel_loop3A_247 : vector<16xf32> to vector<1x1x16xf32>
      tpu.vector_store %arg5[%parallel_loop3A_249, %parallel_loop3A_250, %parallel_loop3A_251], %parallel_loop3A_254 {strides = array<i32>} : memref<4x64x256xf32, #tpu.memory_space<vmem>>, vector<1x1x16xf32>,
      %parallel_loop3A_255 = arith.constant 0 : i32
      %parallel_loop3A_256 = arith.index_cast %parallel_loop3A_255 : i32 to index
      %parallel_loop3A_257 = arith.index_cast %parallel_loop3A_93 : i32 to index
      %parallel_loop3A_258 = arith.constant 224 : index
      %parallel_loop3A_259 = tpu.vector_load %arg5[%parallel_loop3A_256, %parallel_loop3A_257, %parallel_loop3A_258] {strides = array<i32>} : memref<4x64x256xf32, #tpu.memory_space<vmem>>, vector<1x1x16xf32>,
      %parallel_loop3A_260 = vector.shape_cast %parallel_loop3A_259 : vector<1x1x16xf32> to vector<16xf32>
      %parallel_loop3A_261 = vector.shape_cast %parallel_loop3A_243 : vector<16xf32> to vector<1x1x16xf32>
      tpu.vector_store %arg5[%parallel_loop3A_256, %parallel_loop3A_257, %parallel_loop3A_258], %parallel_loop3A_261 {strides = array<i32>} : memref<4x64x256xf32, #tpu.memory_space<vmem>>, vector<1x1x16xf32>,
      %parallel_loop3A_262 = arith.constant 0 : i32
      %parallel_loop3A_263 = arith.index_cast %parallel_loop3A_262 : i32 to index
      %parallel_loop3A_264 = arith.index_cast %parallel_loop3A_93 : i32 to index
      %parallel_loop3A_265 = arith.constant 112 : index
      %parallel_loop3A_266 = tpu.vector_load %arg4[%parallel_loop3A_263, %parallel_loop3A_264, %parallel_loop3A_265] {strides = array<i32>} : memref<4x64x128xf32, #tpu.memory_space<vmem>>, vector<1x1x16xf32>,
      %parallel_loop3A_267 = vector.shape_cast %parallel_loop3A_266 : vector<1x1x16xf32> to vector<16xf32>
      %parallel_loop3A_268 = arith.subf %parallel_loop3A_20#7, %parallel_loop3A_267 : vector<16xf32>
      %parallel_loop3A_269 = arith.constant 0.0158730168 : f32
      %parallel_loop3A_270 = vector.broadcast %parallel_loop3A_269 : f32 to vector<16xf32>
      %parallel_loop3A_271 = arith.mulf %parallel_loop3A_268, %parallel_loop3A_270 : vector<16xf32>
      %parallel_loop3A_272 = arith.constant 0 : i32
      %parallel_loop3A_273 = arith.index_cast %parallel_loop3A_272 : i32 to index
      %parallel_loop3A_274 = arith.index_cast %parallel_loop3A_93 : i32 to index
      %parallel_loop3A_275 = arith.constant 112 : index
      %parallel_loop3A_276 = tpu.vector_load %arg5[%parallel_loop3A_273, %parallel_loop3A_274, %parallel_loop3A_275] {strides = array<i32>} : memref<4x64x256xf32, #tpu.memory_space<vmem>>, vector<1x1x16xf32>,
      %parallel_loop3A_277 = vector.shape_cast %parallel_loop3A_276 : vector<1x1x16xf32> to vector<16xf32>
      %parallel_loop3A_278 = vector.shape_cast %parallel_loop3A_271 : vector<16xf32> to vector<1x1x16xf32>
      tpu.vector_store %arg5[%parallel_loop3A_273, %parallel_loop3A_274, %parallel_loop3A_275], %parallel_loop3A_278 {strides = array<i32>} : memref<4x64x256xf32, #tpu.memory_space<vmem>>, vector<1x1x16xf32>,
      %parallel_loop3A_279 = arith.constant 0 : i32
      %parallel_loop3A_280 = arith.index_cast %parallel_loop3A_279 : i32 to index
      %parallel_loop3A_281 = arith.index_cast %parallel_loop3A_93 : i32 to index
      %parallel_loop3A_282 = arith.constant 240 : index
      %parallel_loop3A_283 = tpu.vector_load %arg5[%parallel_loop3A_280, %parallel_loop3A_281, %parallel_loop3A_282] {strides = array<i32>} : memref<4x64x256xf32, #tpu.memory_space<vmem>>, vector<1x1x16xf32>,
      %parallel_loop3A_284 = vector.shape_cast %parallel_loop3A_283 : vector<1x1x16xf32> to vector<16xf32>
      %parallel_loop3A_285 = vector.shape_cast %parallel_loop3A_267 : vector<16xf32> to vector<1x1x16xf32>
      tpu.vector_store %arg5[%parallel_loop3A_280, %parallel_loop3A_281, %parallel_loop3A_282], %parallel_loop3A_285 {strides = array<i32>} : memref<4x64x256xf32, #tpu.memory_space<vmem>>, vector<1x1x16xf32>,
    } {sc.loop_unroll_factor = 4 : i64, sc.parallel_access}
    %broadcast_in_dim3A_24 = arith.constant 0.000000e+00 : f32
    %broadcast_in_dim3A_25 = vector.broadcast %broadcast_in_dim3A_24 : f32 to vector<16xf32>
    %broadcast_in_dim3A_26 = arith.constant 0.000000e+00 : f32
    %broadcast_in_dim3A_27 = vector.broadcast %broadcast_in_dim3A_26 : f32 to vector<16xf32>
    %broadcast_in_dim3A_28 = arith.constant 0.000000e+00 : f32
    %broadcast_in_dim3A_29 = vector.broadcast %broadcast_in_dim3A_28 : f32 to vector<16xf32>
    %broadcast_in_dim3A_30 = arith.constant 0.000000e+00 : f32
    %broadcast_in_dim3A_31 = vector.broadcast %broadcast_in_dim3A_30 : f32 to vector<16xf32>
    %broadcast_in_dim3A_32 = arith.constant 0.000000e+00 : f32
    %broadcast_in_dim3A_33 = vector.broadcast %broadcast_in_dim3A_32 : f32 to vector<16xf32>
    %broadcast_in_dim3A_34 = arith.constant 0.000000e+00 : f32
    %broadcast_in_dim3A_35 = vector.broadcast %broadcast_in_dim3A_34 : f32 to vector<16xf32>
    %broadcast_in_dim3A_36 = arith.constant 0.000000e+00 : f32
    %broadcast_in_dim3A_37 = vector.broadcast %broadcast_in_dim3A_36 : f32 to vector<16xf32>
    %broadcast_in_dim3A_38 = arith.constant 0.000000e+00 : f32
    %broadcast_in_dim3A_39 = vector.broadcast %broadcast_in_dim3A_38 : f32 to vector<16xf32>
    %parallel_loop3A_40 = arith.constant 0 : i32
    %parallel_loop3A_41 = arith.constant 64 : i32
    %parallel_loop3A_42 = arith.constant 1 : i32
    %parallel_loop3A_43:8 = scf.for %parallel_loop3A_93 = %parallel_loop3A_40 to %parallel_loop3A_41 step %parallel_loop3A_42 iter_args(%parallel_loop3A_94 = %broadcast_in_dim3A_25, %parallel_loop3A_95 = %broadcast_in_dim3A_27, %parallel_loop3A_96 = %broadcast_in_dim3A_29, %parallel_loop3A_97 = %broadcast_in_dim3A_31, %parallel_loop3A_98 = %broadcast_in_dim3A_33, %parallel_loop3A_99 = %broadcast_in_dim3A_35, %parallel_loop3A_100 = %broadcast_in_dim3A_37, %parallel_loop3A_101 = %broadcast_in_dim3A_39) -> (vector<16xf32>, vector<16xf32>, vector<16xf32>, vector<16xf32>, vector<16xf32>, vector<16xf32>, vector<16xf32>, vector<16xf32>)  : i32 {
      %parallel_loop3A_102 = arith.constant 1 : i32
      %parallel_loop3A_103 = arith.index_cast %parallel_loop3A_102 : i32 to index
      %parallel_loop3A_104 = arith.index_cast %parallel_loop3A_93 : i32 to index
      %parallel_loop3A_105 = arith.constant 0 : index
      %parallel_loop3A_106 = tpu.vector_load %arg4[%parallel_loop3A_103, %parallel_loop3A_104, %parallel_loop3A_105] {strides = array<i32>} : memref<4x64x128xf32, #tpu.memory_space<vmem>>, vector<1x1x16xf32>,
      %parallel_loop3A_107 = vector.shape_cast %parallel_loop3A_106 : vector<1x1x16xf32> to vector<16xf32>
      %parallel_loop3A_108 = arith.addf %parallel_loop3A_94, %parallel_loop3A_107 : vector<16xf32>
      %parallel_loop3A_109 = arith.constant 1 : i32
      %parallel_loop3A_110 = arith.index_cast %parallel_loop3A_109 : i32 to index
      %parallel_loop3A_111 = arith.index_cast %parallel_loop3A_93 : i32 to index
      %parallel_loop3A_112 = arith.constant 16 : index
      %parallel_loop3A_113 = tpu.vector_load %arg4[%parallel_loop3A_110, %parallel_loop3A_111, %parallel_loop3A_112] {strides = array<i32>} : memref<4x64x128xf32, #tpu.memory_space<vmem>>, vector<1x1x16xf32>,
      %parallel_loop3A_114 = vector.shape_cast %parallel_loop3A_113 : vector<1x1x16xf32> to vector<16xf32>
      %parallel_loop3A_115 = arith.addf %parallel_loop3A_95, %parallel_loop3A_114 : vector<16xf32>
      %parallel_loop3A_116 = arith.constant 1 : i32
      %parallel_loop3A_117 = arith.index_cast %parallel_loop3A_116 : i32 to index
      %parallel_loop3A_118 = arith.index_cast %parallel_loop3A_93 : i32 to index
      %parallel_loop3A_119 = arith.constant 32 : index
      %parallel_loop3A_120 = tpu.vector_load %arg4[%parallel_loop3A_117, %parallel_loop3A_118, %parallel_loop3A_119] {strides = array<i32>} : memref<4x64x128xf32, #tpu.memory_space<vmem>>, vector<1x1x16xf32>,
      %parallel_loop3A_121 = vector.shape_cast %parallel_loop3A_120 : vector<1x1x16xf32> to vector<16xf32>
      %parallel_loop3A_122 = arith.addf %parallel_loop3A_96, %parallel_loop3A_121 : vector<16xf32>
      %parallel_loop3A_123 = arith.constant 1 : i32
      %parallel_loop3A_124 = arith.index_cast %parallel_loop3A_123 : i32 to index
      %parallel_loop3A_125 = arith.index_cast %parallel_loop3A_93 : i32 to index
      %parallel_loop3A_126 = arith.constant 48 : index
      %parallel_loop3A_127 = tpu.vector_load %arg4[%parallel_loop3A_124, %parallel_loop3A_125, %parallel_loop3A_126] {strides = array<i32>} : memref<4x64x128xf32, #tpu.memory_space<vmem>>, vector<1x1x16xf32>,
      %parallel_loop3A_128 = vector.shape_cast %parallel_loop3A_127 : vector<1x1x16xf32> to vector<16xf32>
      %parallel_loop3A_129 = arith.addf %parallel_loop3A_97, %parallel_loop3A_128 : vector<16xf32>
      %parallel_loop3A_130 = arith.constant 1 : i32
      %parallel_loop3A_131 = arith.index_cast %parallel_loop3A_130 : i32 to index
      %parallel_loop3A_132 = arith.index_cast %parallel_loop3A_93 : i32 to index
      %parallel_loop3A_133 = arith.constant 64 : index
      %parallel_loop3A_134 = tpu.vector_load %arg4[%parallel_loop3A_131, %parallel_loop3A_132, %parallel_loop3A_133] {strides = array<i32>} : memref<4x64x128xf32, #tpu.memory_space<vmem>>, vector<1x1x16xf32>,
      %parallel_loop3A_135 = vector.shape_cast %parallel_loop3A_134 : vector<1x1x16xf32> to vector<16xf32>
      %parallel_loop3A_136 = arith.addf %parallel_loop3A_98, %parallel_loop3A_135 : vector<16xf32>
      %parallel_loop3A_137 = arith.constant 1 : i32
      %parallel_loop3A_138 = arith.index_cast %parallel_loop3A_137 : i32 to index
      %parallel_loop3A_139 = arith.index_cast %parallel_loop3A_93 : i32 to index
      %parallel_loop3A_140 = arith.constant 80 : index
      %parallel_loop3A_141 = tpu.vector_load %arg4[%parallel_loop3A_138, %parallel_loop3A_139, %parallel_loop3A_140] {strides = array<i32>} : memref<4x64x128xf32, #tpu.memory_space<vmem>>, vector<1x1x16xf32>,
      %parallel_loop3A_142 = vector.shape_cast %parallel_loop3A_141 : vector<1x1x16xf32> to vector<16xf32>
      %parallel_loop3A_143 = arith.addf %parallel_loop3A_99, %parallel_loop3A_142 : vector<16xf32>
      %parallel_loop3A_144 = arith.constant 1 : i32
      %parallel_loop3A_145 = arith.index_cast %parallel_loop3A_144 : i32 to index
      %parallel_loop3A_146 = arith.index_cast %parallel_loop3A_93 : i32 to index
      %parallel_loop3A_147 = arith.constant 96 : index
      %parallel_loop3A_148 = tpu.vector_load %arg4[%parallel_loop3A_145, %parallel_loop3A_146, %parallel_loop3A_147] {strides = array<i32>} : memref<4x64x128xf32, #tpu.memory_space<vmem>>, vector<1x1x16xf32>,
      %parallel_loop3A_149 = vector.shape_cast %parallel_loop3A_148 : vector<1x1x16xf32> to vector<16xf32>
      %parallel_loop3A_150 = arith.addf %parallel_loop3A_100, %parallel_loop3A_149 : vector<16xf32>
      %parallel_loop3A_151 = arith.constant 1 : i32
      %parallel_loop3A_152 = arith.index_cast %parallel_loop3A_151 : i32 to index
      %parallel_loop3A_153 = arith.index_cast %parallel_loop3A_93 : i32 to index
      %parallel_loop3A_154 = arith.constant 112 : index
      %parallel_loop3A_155 = tpu.vector_load %arg4[%parallel_loop3A_152, %parallel_loop3A_153, %parallel_loop3A_154] {strides = array<i32>} : memref<4x64x128xf32, #tpu.memory_space<vmem>>, vector<1x1x16xf32>,
      %parallel_loop3A_156 = vector.shape_cast %parallel_loop3A_155 : vector<1x1x16xf32> to vector<16xf32>
      %parallel_loop3A_157 = arith.addf %parallel_loop3A_101, %parallel_loop3A_156 : vector<16xf32>
      scf.yield %parallel_loop3A_108, %parallel_loop3A_115, %parallel_loop3A_122, %parallel_loop3A_129, %parallel_loop3A_136, %parallel_loop3A_143, %parallel_loop3A_150, %parallel_loop3A_157 : vector<16xf32>, vector<16xf32>, vector<16xf32>, vector<16xf32>, vector<16xf32>, vector<16xf32>, vector<16xf32>, vector<16xf32>
    } {sc.loop_unroll_factor = 4 : i64, sc.parallel_access}
    %parallel_loop3A_44 = arith.constant 0 : i32
    %parallel_loop3A_45 = arith.constant 64 : i32
    %parallel_loop3A_46 = arith.constant 1 : i32
    scf.for %parallel_loop3A_93 = %parallel_loop3A_44 to %parallel_loop3A_45 step %parallel_loop3A_46  : i32 {
      %parallel_loop3A_94 = arith.constant 1 : i32
      %parallel_loop3A_95 = arith.index_cast %parallel_loop3A_94 : i32 to index
      %parallel_loop3A_96 = arith.index_cast %parallel_loop3A_93 : i32 to index
      %parallel_loop3A_97 = arith.constant 0 : index
      %parallel_loop3A_98 = tpu.vector_load %arg4[%parallel_loop3A_95, %parallel_loop3A_96, %parallel_loop3A_97] {strides = array<i32>} : memref<4x64x128xf32, #tpu.memory_space<vmem>>, vector<1x1x16xf32>,
      %parallel_loop3A_99 = vector.shape_cast %parallel_loop3A_98 : vector<1x1x16xf32> to vector<16xf32>
      %parallel_loop3A_100 = arith.subf %parallel_loop3A_43#0, %parallel_loop3A_99 : vector<16xf32>
      %parallel_loop3A_101 = arith.constant 0.0158730168 : f32
      %parallel_loop3A_102 = vector.broadcast %parallel_loop3A_101 : f32 to vector<16xf32>
      %parallel_loop3A_103 = arith.mulf %parallel_loop3A_100, %parallel_loop3A_102 : vector<16xf32>
      %parallel_loop3A_104 = arith.constant 1 : i32
      %parallel_loop3A_105 = arith.index_cast %parallel_loop3A_104 : i32 to index
      %parallel_loop3A_106 = arith.index_cast %parallel_loop3A_93 : i32 to index
      %parallel_loop3A_107 = arith.constant 0 : index
      %parallel_loop3A_108 = tpu.vector_load %arg5[%parallel_loop3A_105, %parallel_loop3A_106, %parallel_loop3A_107] {strides = array<i32>} : memref<4x64x256xf32, #tpu.memory_space<vmem>>, vector<1x1x16xf32>,
      %parallel_loop3A_109 = vector.shape_cast %parallel_loop3A_108 : vector<1x1x16xf32> to vector<16xf32>
      %parallel_loop3A_110 = vector.shape_cast %parallel_loop3A_103 : vector<16xf32> to vector<1x1x16xf32>
      tpu.vector_store %arg5[%parallel_loop3A_105, %parallel_loop3A_106, %parallel_loop3A_107], %parallel_loop3A_110 {strides = array<i32>} : memref<4x64x256xf32, #tpu.memory_space<vmem>>, vector<1x1x16xf32>,
      %parallel_loop3A_111 = arith.constant 1 : i32
      %parallel_loop3A_112 = arith.index_cast %parallel_loop3A_111 : i32 to index
      %parallel_loop3A_113 = arith.index_cast %parallel_loop3A_93 : i32 to index
      %parallel_loop3A_114 = arith.constant 128 : index
      %parallel_loop3A_115 = tpu.vector_load %arg5[%parallel_loop3A_112, %parallel_loop3A_113, %parallel_loop3A_114] {strides = array<i32>} : memref<4x64x256xf32, #tpu.memory_space<vmem>>, vector<1x1x16xf32>,
      %parallel_loop3A_116 = vector.shape_cast %parallel_loop3A_115 : vector<1x1x16xf32> to vector<16xf32>
      %parallel_loop3A_117 = vector.shape_cast %parallel_loop3A_99 : vector<16xf32> to vector<1x1x16xf32>
      tpu.vector_store %arg5[%parallel_loop3A_112, %parallel_loop3A_113, %parallel_loop3A_114], %parallel_loop3A_117 {strides = array<i32>} : memref<4x64x256xf32, #tpu.memory_space<vmem>>, vector<1x1x16xf32>,
      %parallel_loop3A_118 = arith.constant 1 : i32
      %parallel_loop3A_119 = arith.index_cast %parallel_loop3A_118 : i32 to index
      %parallel_loop3A_120 = arith.index_cast %parallel_loop3A_93 : i32 to index
      %parallel_loop3A_121 = arith.constant 16 : index
      %parallel_loop3A_122 = tpu.vector_load %arg4[%parallel_loop3A_119, %parallel_loop3A_120, %parallel_loop3A_121] {strides = array<i32>} : memref<4x64x128xf32, #tpu.memory_space<vmem>>, vector<1x1x16xf32>,
      %parallel_loop3A_123 = vector.shape_cast %parallel_loop3A_122 : vector<1x1x16xf32> to vector<16xf32>
      %parallel_loop3A_124 = arith.subf %parallel_loop3A_43#1, %parallel_loop3A_123 : vector<16xf32>
      %parallel_loop3A_125 = arith.constant 0.0158730168 : f32
      %parallel_loop3A_126 = vector.broadcast %parallel_loop3A_125 : f32 to vector<16xf32>
      %parallel_loop3A_127 = arith.mulf %parallel_loop3A_124, %parallel_loop3A_126 : vector<16xf32>
      %parallel_loop3A_128 = arith.constant 1 : i32
      %parallel_loop3A_129 = arith.index_cast %parallel_loop3A_128 : i32 to index
      %parallel_loop3A_130 = arith.index_cast %parallel_loop3A_93 : i32 to index
      %parallel_loop3A_131 = arith.constant 16 : index
      %parallel_loop3A_132 = tpu.vector_load %arg5[%parallel_loop3A_129, %parallel_loop3A_130, %parallel_loop3A_131] {strides = array<i32>} : memref<4x64x256xf32, #tpu.memory_space<vmem>>, vector<1x1x16xf32>,
      %parallel_loop3A_133 = vector.shape_cast %parallel_loop3A_132 : vector<1x1x16xf32> to vector<16xf32>
      %parallel_loop3A_134 = vector.shape_cast %parallel_loop3A_127 : vector<16xf32> to vector<1x1x16xf32>
      tpu.vector_store %arg5[%parallel_loop3A_129, %parallel_loop3A_130, %parallel_loop3A_131], %parallel_loop3A_134 {strides = array<i32>} : memref<4x64x256xf32, #tpu.memory_space<vmem>>, vector<1x1x16xf32>,
      %parallel_loop3A_135 = arith.constant 1 : i32
      %parallel_loop3A_136 = arith.index_cast %parallel_loop3A_135 : i32 to index
      %parallel_loop3A_137 = arith.index_cast %parallel_loop3A_93 : i32 to index
      %parallel_loop3A_138 = arith.constant 144 : index
      %parallel_loop3A_139 = tpu.vector_load %arg5[%parallel_loop3A_136, %parallel_loop3A_137, %parallel_loop3A_138] {strides = array<i32>} : memref<4x64x256xf32, #tpu.memory_space<vmem>>, vector<1x1x16xf32>,
      %parallel_loop3A_140 = vector.shape_cast %parallel_loop3A_139 : vector<1x1x16xf32> to vector<16xf32>
      %parallel_loop3A_141 = vector.shape_cast %parallel_loop3A_123 : vector<16xf32> to vector<1x1x16xf32>
      tpu.vector_store %arg5[%parallel_loop3A_136, %parallel_loop3A_137, %parallel_loop3A_138], %parallel_loop3A_141 {strides = array<i32>} : memref<4x64x256xf32, #tpu.memory_space<vmem>>, vector<1x1x16xf32>,
      %parallel_loop3A_142 = arith.constant 1 : i32
      %parallel_loop3A_143 = arith.index_cast %parallel_loop3A_142 : i32 to index
      %parallel_loop3A_144 = arith.index_cast %parallel_loop3A_93 : i32 to index
      %parallel_loop3A_145 = arith.constant 32 : index
      %parallel_loop3A_146 = tpu.vector_load %arg4[%parallel_loop3A_143, %parallel_loop3A_144, %parallel_loop3A_145] {strides = array<i32>} : memref<4x64x128xf32, #tpu.memory_space<vmem>>, vector<1x1x16xf32>,
      %parallel_loop3A_147 = vector.shape_cast %parallel_loop3A_146 : vector<1x1x16xf32> to vector<16xf32>
      %parallel_loop3A_148 = arith.subf %parallel_loop3A_43#2, %parallel_loop3A_147 : vector<16xf32>
      %parallel_loop3A_149 = arith.constant 0.0158730168 : f32
      %parallel_loop3A_150 = vector.broadcast %parallel_loop3A_149 : f32 to vector<16xf32>
      %parallel_loop3A_151 = arith.mulf %parallel_loop3A_148, %parallel_loop3A_150 : vector<16xf32>
      %parallel_loop3A_152 = arith.constant 1 : i32
      %parallel_loop3A_153 = arith.index_cast %parallel_loop3A_152 : i32 to index
      %parallel_loop3A_154 = arith.index_cast %parallel_loop3A_93 : i32 to index
      %parallel_loop3A_155 = arith.constant 32 : index
      %parallel_loop3A_156 = tpu.vector_load %arg5[%parallel_loop3A_153, %parallel_loop3A_154, %parallel_loop3A_155] {strides = array<i32>} : memref<4x64x256xf32, #tpu.memory_space<vmem>>, vector<1x1x16xf32>,
      %parallel_loop3A_157 = vector.shape_cast %parallel_loop3A_156 : vector<1x1x16xf32> to vector<16xf32>
      %parallel_loop3A_158 = vector.shape_cast %parallel_loop3A_151 : vector<16xf32> to vector<1x1x16xf32>
      tpu.vector_store %arg5[%parallel_loop3A_153, %parallel_loop3A_154, %parallel_loop3A_155], %parallel_loop3A_158 {strides = array<i32>} : memref<4x64x256xf32, #tpu.memory_space<vmem>>, vector<1x1x16xf32>,
      %parallel_loop3A_159 = arith.constant 1 : i32
      %parallel_loop3A_160 = arith.index_cast %parallel_loop3A_159 : i32 to index
      %parallel_loop3A_161 = arith.index_cast %parallel_loop3A_93 : i32 to index
      %parallel_loop3A_162 = arith.constant 160 : index
      %parallel_loop3A_163 = tpu.vector_load %arg5[%parallel_loop3A_160, %parallel_loop3A_161, %parallel_loop3A_162] {strides = array<i32>} : memref<4x64x256xf32, #tpu.memory_space<vmem>>, vector<1x1x16xf32>,
      %parallel_loop3A_164 = vector.shape_cast %parallel_loop3A_163 : vector<1x1x16xf32> to vector<16xf32>
      %parallel_loop3A_165 = vector.shape_cast %parallel_loop3A_147 : vector<16xf32> to vector<1x1x16xf32>
      tpu.vector_store %arg5[%parallel_loop3A_160, %parallel_loop3A_161, %parallel_loop3A_162], %parallel_loop3A_165 {strides = array<i32>} : memref<4x64x256xf32, #tpu.memory_space<vmem>>, vector<1x1x16xf32>,
      %parallel_loop3A_166 = arith.constant 1 : i32
      %parallel_loop3A_167 = arith.index_cast %parallel_loop3A_166 : i32 to index
      %parallel_loop3A_168 = arith.index_cast %parallel_loop3A_93 : i32 to index
      %parallel_loop3A_169 = arith.constant 48 : index
      %parallel_loop3A_170 = tpu.vector_load %arg4[%parallel_loop3A_167, %parallel_loop3A_168, %parallel_loop3A_169] {strides = array<i32>} : memref<4x64x128xf32, #tpu.memory_space<vmem>>, vector<1x1x16xf32>,
      %parallel_loop3A_171 = vector.shape_cast %parallel_loop3A_170 : vector<1x1x16xf32> to vector<16xf32>
      %parallel_loop3A_172 = arith.subf %parallel_loop3A_43#3, %parallel_loop3A_171 : vector<16xf32>
      %parallel_loop3A_173 = arith.constant 0.0158730168 : f32
      %parallel_loop3A_174 = vector.broadcast %parallel_loop3A_173 : f32 to vector<16xf32>
      %parallel_loop3A_175 = arith.mulf %parallel_loop3A_172, %parallel_loop3A_174 : vector<16xf32>
      %parallel_loop3A_176 = arith.constant 1 : i32
      %parallel_loop3A_177 = arith.index_cast %parallel_loop3A_176 : i32 to index
      %parallel_loop3A_178 = arith.index_cast %parallel_loop3A_93 : i32 to index
      %parallel_loop3A_179 = arith.constant 48 : index
      %parallel_loop3A_180 = tpu.vector_load %arg5[%parallel_loop3A_177, %parallel_loop3A_178, %parallel_loop3A_179] {strides = array<i32>} : memref<4x64x256xf32, #tpu.memory_space<vmem>>, vector<1x1x16xf32>,
      %parallel_loop3A_181 = vector.shape_cast %parallel_loop3A_180 : vector<1x1x16xf32> to vector<16xf32>
      %parallel_loop3A_182 = vector.shape_cast %parallel_loop3A_175 : vector<16xf32> to vector<1x1x16xf32>
      tpu.vector_store %arg5[%parallel_loop3A_177, %parallel_loop3A_178, %parallel_loop3A_179], %parallel_loop3A_182 {strides = array<i32>} : memref<4x64x256xf32, #tpu.memory_space<vmem>>, vector<1x1x16xf32>,
      %parallel_loop3A_183 = arith.constant 1 : i32
      %parallel_loop3A_184 = arith.index_cast %parallel_loop3A_183 : i32 to index
      %parallel_loop3A_185 = arith.index_cast %parallel_loop3A_93 : i32 to index
      %parallel_loop3A_186 = arith.constant 176 : index
      %parallel_loop3A_187 = tpu.vector_load %arg5[%parallel_loop3A_184, %parallel_loop3A_185, %parallel_loop3A_186] {strides = array<i32>} : memref<4x64x256xf32, #tpu.memory_space<vmem>>, vector<1x1x16xf32>,
      %parallel_loop3A_188 = vector.shape_cast %parallel_loop3A_187 : vector<1x1x16xf32> to vector<16xf32>
      %parallel_loop3A_189 = vector.shape_cast %parallel_loop3A_171 : vector<16xf32> to vector<1x1x16xf32>
      tpu.vector_store %arg5[%parallel_loop3A_184, %parallel_loop3A_185, %parallel_loop3A_186], %parallel_loop3A_189 {strides = array<i32>} : memref<4x64x256xf32, #tpu.memory_space<vmem>>, vector<1x1x16xf32>,
      %parallel_loop3A_190 = arith.constant 1 : i32
      %parallel_loop3A_191 = arith.index_cast %parallel_loop3A_190 : i32 to index
      %parallel_loop3A_192 = arith.index_cast %parallel_loop3A_93 : i32 to index
      %parallel_loop3A_193 = arith.constant 64 : index
      %parallel_loop3A_194 = tpu.vector_load %arg4[%parallel_loop3A_191, %parallel_loop3A_192, %parallel_loop3A_193] {strides = array<i32>} : memref<4x64x128xf32, #tpu.memory_space<vmem>>, vector<1x1x16xf32>,
      %parallel_loop3A_195 = vector.shape_cast %parallel_loop3A_194 : vector<1x1x16xf32> to vector<16xf32>
      %parallel_loop3A_196 = arith.subf %parallel_loop3A_43#4, %parallel_loop3A_195 : vector<16xf32>
      %parallel_loop3A_197 = arith.constant 0.0158730168 : f32
      %parallel_loop3A_198 = vector.broadcast %parallel_loop3A_197 : f32 to vector<16xf32>
      %parallel_loop3A_199 = arith.mulf %parallel_loop3A_196, %parallel_loop3A_198 : vector<16xf32>
      %parallel_loop3A_200 = arith.constant 1 : i32
      %parallel_loop3A_201 = arith.index_cast %parallel_loop3A_200 : i32 to index
      %parallel_loop3A_202 = arith.index_cast %parallel_loop3A_93 : i32 to index
      %parallel_loop3A_203 = arith.constant 64 : index
      %parallel_loop3A_204 = tpu.vector_load %arg5[%parallel_loop3A_201, %parallel_loop3A_202, %parallel_loop3A_203] {strides = array<i32>} : memref<4x64x256xf32, #tpu.memory_space<vmem>>, vector<1x1x16xf32>,
      %parallel_loop3A_205 = vector.shape_cast %parallel_loop3A_204 : vector<1x1x16xf32> to vector<16xf32>
      %parallel_loop3A_206 = vector.shape_cast %parallel_loop3A_199 : vector<16xf32> to vector<1x1x16xf32>
      tpu.vector_store %arg5[%parallel_loop3A_201, %parallel_loop3A_202, %parallel_loop3A_203], %parallel_loop3A_206 {strides = array<i32>} : memref<4x64x256xf32, #tpu.memory_space<vmem>>, vector<1x1x16xf32>,
      %parallel_loop3A_207 = arith.constant 1 : i32
      %parallel_loop3A_208 = arith.index_cast %parallel_loop3A_207 : i32 to index
      %parallel_loop3A_209 = arith.index_cast %parallel_loop3A_93 : i32 to index
      %parallel_loop3A_210 = arith.constant 192 : index
      %parallel_loop3A_211 = tpu.vector_load %arg5[%parallel_loop3A_208, %parallel_loop3A_209, %parallel_loop3A_210] {strides = array<i32>} : memref<4x64x256xf32, #tpu.memory_space<vmem>>, vector<1x1x16xf32>,
      %parallel_loop3A_212 = vector.shape_cast %parallel_loop3A_211 : vector<1x1x16xf32> to vector<16xf32>
      %parallel_loop3A_213 = vector.shape_cast %parallel_loop3A_195 : vector<16xf32> to vector<1x1x16xf32>
      tpu.vector_store %arg5[%parallel_loop3A_208, %parallel_loop3A_209, %parallel_loop3A_210], %parallel_loop3A_213 {strides = array<i32>} : memref<4x64x256xf32, #tpu.memory_space<vmem>>, vector<1x1x16xf32>,
      %parallel_loop3A_214 = arith.constant 1 : i32
      %parallel_loop3A_215 = arith.index_cast %parallel_loop3A_214 : i32 to index
      %parallel_loop3A_216 = arith.index_cast %parallel_loop3A_93 : i32 to index
      %parallel_loop3A_217 = arith.constant 80 : index
      %parallel_loop3A_218 = tpu.vector_load %arg4[%parallel_loop3A_215, %parallel_loop3A_216, %parallel_loop3A_217] {strides = array<i32>} : memref<4x64x128xf32, #tpu.memory_space<vmem>>, vector<1x1x16xf32>,
      %parallel_loop3A_219 = vector.shape_cast %parallel_loop3A_218 : vector<1x1x16xf32> to vector<16xf32>
      %parallel_loop3A_220 = arith.subf %parallel_loop3A_43#5, %parallel_loop3A_219 : vector<16xf32>
      %parallel_loop3A_221 = arith.constant 0.0158730168 : f32
      %parallel_loop3A_222 = vector.broadcast %parallel_loop3A_221 : f32 to vector<16xf32>
      %parallel_loop3A_223 = arith.mulf %parallel_loop3A_220, %parallel_loop3A_222 : vector<16xf32>
      %parallel_loop3A_224 = arith.constant 1 : i32
      %parallel_loop3A_225 = arith.index_cast %parallel_loop3A_224 : i32 to index
      %parallel_loop3A_226 = arith.index_cast %parallel_loop3A_93 : i32 to index
      %parallel_loop3A_227 = arith.constant 80 : index
      %parallel_loop3A_228 = tpu.vector_load %arg5[%parallel_loop3A_225, %parallel_loop3A_226, %parallel_loop3A_227] {strides = array<i32>} : memref<4x64x256xf32, #tpu.memory_space<vmem>>, vector<1x1x16xf32>,
      %parallel_loop3A_229 = vector.shape_cast %parallel_loop3A_228 : vector<1x1x16xf32> to vector<16xf32>
      %parallel_loop3A_230 = vector.shape_cast %parallel_loop3A_223 : vector<16xf32> to vector<1x1x16xf32>
      tpu.vector_store %arg5[%parallel_loop3A_225, %parallel_loop3A_226, %parallel_loop3A_227], %parallel_loop3A_230 {strides = array<i32>} : memref<4x64x256xf32, #tpu.memory_space<vmem>>, vector<1x1x16xf32>,
      %parallel_loop3A_231 = arith.constant 1 : i32
      %parallel_loop3A_232 = arith.index_cast %parallel_loop3A_231 : i32 to index
      %parallel_loop3A_233 = arith.index_cast %parallel_loop3A_93 : i32 to index
      %parallel_loop3A_234 = arith.constant 208 : index
      %parallel_loop3A_235 = tpu.vector_load %arg5[%parallel_loop3A_232, %parallel_loop3A_233, %parallel_loop3A_234] {strides = array<i32>} : memref<4x64x256xf32, #tpu.memory_space<vmem>>, vector<1x1x16xf32>,
      %parallel_loop3A_236 = vector.shape_cast %parallel_loop3A_235 : vector<1x1x16xf32> to vector<16xf32>
      %parallel_loop3A_237 = vector.shape_cast %parallel_loop3A_219 : vector<16xf32> to vector<1x1x16xf32>
      tpu.vector_store %arg5[%parallel_loop3A_232, %parallel_loop3A_233, %parallel_loop3A_234], %parallel_loop3A_237 {strides = array<i32>} : memref<4x64x256xf32, #tpu.memory_space<vmem>>, vector<1x1x16xf32>,
      %parallel_loop3A_238 = arith.constant 1 : i32
      %parallel_loop3A_239 = arith.index_cast %parallel_loop3A_238 : i32 to index
      %parallel_loop3A_240 = arith.index_cast %parallel_loop3A_93 : i32 to index
      %parallel_loop3A_241 = arith.constant 96 : index
      %parallel_loop3A_242 = tpu.vector_load %arg4[%parallel_loop3A_239, %parallel_loop3A_240, %parallel_loop3A_241] {strides = array<i32>} : memref<4x64x128xf32, #tpu.memory_space<vmem>>, vector<1x1x16xf32>,
      %parallel_loop3A_243 = vector.shape_cast %parallel_loop3A_242 : vector<1x1x16xf32> to vector<16xf32>
      %parallel_loop3A_244 = arith.subf %parallel_loop3A_43#6, %parallel_loop3A_243 : vector<16xf32>
      %parallel_loop3A_245 = arith.constant 0.0158730168 : f32
      %parallel_loop3A_246 = vector.broadcast %parallel_loop3A_245 : f32 to vector<16xf32>
      %parallel_loop3A_247 = arith.mulf %parallel_loop3A_244, %parallel_loop3A_246 : vector<16xf32>
      %parallel_loop3A_248 = arith.constant 1 : i32
      %parallel_loop3A_249 = arith.index_cast %parallel_loop3A_248 : i32 to index
      %parallel_loop3A_250 = arith.index_cast %parallel_loop3A_93 : i32 to index
      %parallel_loop3A_251 = arith.constant 96 : index
      %parallel_loop3A_252 = tpu.vector_load %arg5[%parallel_loop3A_249, %parallel_loop3A_250, %parallel_loop3A_251] {strides = array<i32>} : memref<4x64x256xf32, #tpu.memory_space<vmem>>, vector<1x1x16xf32>,
      %parallel_loop3A_253 = vector.shape_cast %parallel_loop3A_252 : vector<1x1x16xf32> to vector<16xf32>
      %parallel_loop3A_254 = vector.shape_cast %parallel_loop3A_247 : vector<16xf32> to vector<1x1x16xf32>
      tpu.vector_store %arg5[%parallel_loop3A_249, %parallel_loop3A_250, %parallel_loop3A_251], %parallel_loop3A_254 {strides = array<i32>} : memref<4x64x256xf32, #tpu.memory_space<vmem>>, vector<1x1x16xf32>,
      %parallel_loop3A_255 = arith.constant 1 : i32
      %parallel_loop3A_256 = arith.index_cast %parallel_loop3A_255 : i32 to index
      %parallel_loop3A_257 = arith.index_cast %parallel_loop3A_93 : i32 to index
      %parallel_loop3A_258 = arith.constant 224 : index
      %parallel_loop3A_259 = tpu.vector_load %arg5[%parallel_loop3A_256, %parallel_loop3A_257, %parallel_loop3A_258] {strides = array<i32>} : memref<4x64x256xf32, #tpu.memory_space<vmem>>, vector<1x1x16xf32>,
      %parallel_loop3A_260 = vector.shape_cast %parallel_loop3A_259 : vector<1x1x16xf32> to vector<16xf32>
      %parallel_loop3A_261 = vector.shape_cast %parallel_loop3A_243 : vector<16xf32> to vector<1x1x16xf32>
      tpu.vector_store %arg5[%parallel_loop3A_256, %parallel_loop3A_257, %parallel_loop3A_258], %parallel_loop3A_261 {strides = array<i32>} : memref<4x64x256xf32, #tpu.memory_space<vmem>>, vector<1x1x16xf32>,
      %parallel_loop3A_262 = arith.constant 1 : i32
      %parallel_loop3A_263 = arith.index_cast %parallel_loop3A_262 : i32 to index
      %parallel_loop3A_264 = arith.index_cast %parallel_loop3A_93 : i32 to index
      %parallel_loop3A_265 = arith.constant 112 : index
      %parallel_loop3A_266 = tpu.vector_load %arg4[%parallel_loop3A_263, %parallel_loop3A_264, %parallel_loop3A_265] {strides = array<i32>} : memref<4x64x128xf32, #tpu.memory_space<vmem>>, vector<1x1x16xf32>,
      %parallel_loop3A_267 = vector.shape_cast %parallel_loop3A_266 : vector<1x1x16xf32> to vector<16xf32>
      %parallel_loop3A_268 = arith.subf %parallel_loop3A_43#7, %parallel_loop3A_267 : vector<16xf32>
      %parallel_loop3A_269 = arith.constant 0.0158730168 : f32
      %parallel_loop3A_270 = vector.broadcast %parallel_loop3A_269 : f32 to vector<16xf32>
      %parallel_loop3A_271 = arith.mulf %parallel_loop3A_268, %parallel_loop3A_270 : vector<16xf32>
      %parallel_loop3A_272 = arith.constant 1 : i32
      %parallel_loop3A_273 = arith.index_cast %parallel_loop3A_272 : i32 to index
      %parallel_loop3A_274 = arith.index_cast %parallel_loop3A_93 : i32 to index
      %parallel_loop3A_275 = arith.constant 112 : index
      %parallel_loop3A_276 = tpu.vector_load %arg5[%parallel_loop3A_273, %parallel_loop3A_274, %parallel_loop3A_275] {strides = array<i32>} : memref<4x64x256xf32, #tpu.memory_space<vmem>>, vector<1x1x16xf32>,
      %parallel_loop3A_277 = vector.shape_cast %parallel_loop3A_276 : vector<1x1x16xf32> to vector<16xf32>
      %parallel_loop3A_278 = vector.shape_cast %parallel_loop3A_271 : vector<16xf32> to vector<1x1x16xf32>
      tpu.vector_store %arg5[%parallel_loop3A_273, %parallel_loop3A_274, %parallel_loop3A_275], %parallel_loop3A_278 {strides = array<i32>} : memref<4x64x256xf32, #tpu.memory_space<vmem>>, vector<1x1x16xf32>,
      %parallel_loop3A_279 = arith.constant 1 : i32
      %parallel_loop3A_280 = arith.index_cast %parallel_loop3A_279 : i32 to index
      %parallel_loop3A_281 = arith.index_cast %parallel_loop3A_93 : i32 to index
      %parallel_loop3A_282 = arith.constant 240 : index
      %parallel_loop3A_283 = tpu.vector_load %arg5[%parallel_loop3A_280, %parallel_loop3A_281, %parallel_loop3A_282] {strides = array<i32>} : memref<4x64x256xf32, #tpu.memory_space<vmem>>, vector<1x1x16xf32>,
      %parallel_loop3A_284 = vector.shape_cast %parallel_loop3A_283 : vector<1x1x16xf32> to vector<16xf32>
      %parallel_loop3A_285 = vector.shape_cast %parallel_loop3A_267 : vector<16xf32> to vector<1x1x16xf32>
      tpu.vector_store %arg5[%parallel_loop3A_280, %parallel_loop3A_281, %parallel_loop3A_282], %parallel_loop3A_285 {strides = array<i32>} : memref<4x64x256xf32, #tpu.memory_space<vmem>>, vector<1x1x16xf32>,
    } {sc.loop_unroll_factor = 4 : i64, sc.parallel_access}
    %broadcast_in_dim3A_47 = arith.constant 0.000000e+00 : f32
    %broadcast_in_dim3A_48 = vector.broadcast %broadcast_in_dim3A_47 : f32 to vector<16xf32>
    %broadcast_in_dim3A_49 = arith.constant 0.000000e+00 : f32
    %broadcast_in_dim3A_50 = vector.broadcast %broadcast_in_dim3A_49 : f32 to vector<16xf32>
    %broadcast_in_dim3A_51 = arith.constant 0.000000e+00 : f32
    %broadcast_in_dim3A_52 = vector.broadcast %broadcast_in_dim3A_51 : f32 to vector<16xf32>
    %broadcast_in_dim3A_53 = arith.constant 0.000000e+00 : f32
    %broadcast_in_dim3A_54 = vector.broadcast %broadcast_in_dim3A_53 : f32 to vector<16xf32>
    %broadcast_in_dim3A_55 = arith.constant 0.000000e+00 : f32
    %broadcast_in_dim3A_56 = vector.broadcast %broadcast_in_dim3A_55 : f32 to vector<16xf32>
    %broadcast_in_dim3A_57 = arith.constant 0.000000e+00 : f32
    %broadcast_in_dim3A_58 = vector.broadcast %broadcast_in_dim3A_57 : f32 to vector<16xf32>
    %broadcast_in_dim3A_59 = arith.constant 0.000000e+00 : f32
    %broadcast_in_dim3A_60 = vector.broadcast %broadcast_in_dim3A_59 : f32 to vector<16xf32>
    %broadcast_in_dim3A_61 = arith.constant 0.000000e+00 : f32
    %broadcast_in_dim3A_62 = vector.broadcast %broadcast_in_dim3A_61 : f32 to vector<16xf32>
    %parallel_loop3A_63 = arith.constant 0 : i32
    %parallel_loop3A_64 = arith.constant 64 : i32
    %parallel_loop3A_65 = arith.constant 1 : i32
    %parallel_loop3A_66:8 = scf.for %parallel_loop3A_93 = %parallel_loop3A_63 to %parallel_loop3A_64 step %parallel_loop3A_65 iter_args(%parallel_loop3A_94 = %broadcast_in_dim3A_48, %parallel_loop3A_95 = %broadcast_in_dim3A_50, %parallel_loop3A_96 = %broadcast_in_dim3A_52, %parallel_loop3A_97 = %broadcast_in_dim3A_54, %parallel_loop3A_98 = %broadcast_in_dim3A_56, %parallel_loop3A_99 = %broadcast_in_dim3A_58, %parallel_loop3A_100 = %broadcast_in_dim3A_60, %parallel_loop3A_101 = %broadcast_in_dim3A_62) -> (vector<16xf32>, vector<16xf32>, vector<16xf32>, vector<16xf32>, vector<16xf32>, vector<16xf32>, vector<16xf32>, vector<16xf32>)  : i32 {
      %parallel_loop3A_102 = arith.constant 2 : i32
      %parallel_loop3A_103 = arith.index_cast %parallel_loop3A_102 : i32 to index
      %parallel_loop3A_104 = arith.index_cast %parallel_loop3A_93 : i32 to index
      %parallel_loop3A_105 = arith.constant 0 : index
      %parallel_loop3A_106 = tpu.vector_load %arg4[%parallel_loop3A_103, %parallel_loop3A_104, %parallel_loop3A_105] {strides = array<i32>} : memref<4x64x128xf32, #tpu.memory_space<vmem>>, vector<1x1x16xf32>,
      %parallel_loop3A_107 = vector.shape_cast %parallel_loop3A_106 : vector<1x1x16xf32> to vector<16xf32>
      %parallel_loop3A_108 = arith.addf %parallel_loop3A_94, %parallel_loop3A_107 : vector<16xf32>
      %parallel_loop3A_109 = arith.constant 2 : i32
      %parallel_loop3A_110 = arith.index_cast %parallel_loop3A_109 : i32 to index
      %parallel_loop3A_111 = arith.index_cast %parallel_loop3A_93 : i32 to index
      %parallel_loop3A_112 = arith.constant 16 : index
      %parallel_loop3A_113 = tpu.vector_load %arg4[%parallel_loop3A_110, %parallel_loop3A_111, %parallel_loop3A_112] {strides = array<i32>} : memref<4x64x128xf32, #tpu.memory_space<vmem>>, vector<1x1x16xf32>,
      %parallel_loop3A_114 = vector.shape_cast %parallel_loop3A_113 : vector<1x1x16xf32> to vector<16xf32>
      %parallel_loop3A_115 = arith.addf %parallel_loop3A_95, %parallel_loop3A_114 : vector<16xf32>
      %parallel_loop3A_116 = arith.constant 2 : i32
      %parallel_loop3A_117 = arith.index_cast %parallel_loop3A_116 : i32 to index
      %parallel_loop3A_118 = arith.index_cast %parallel_loop3A_93 : i32 to index
      %parallel_loop3A_119 = arith.constant 32 : index
      %parallel_loop3A_120 = tpu.vector_load %arg4[%parallel_loop3A_117, %parallel_loop3A_118, %parallel_loop3A_119] {strides = array<i32>} : memref<4x64x128xf32, #tpu.memory_space<vmem>>, vector<1x1x16xf32>,
      %parallel_loop3A_121 = vector.shape_cast %parallel_loop3A_120 : vector<1x1x16xf32> to vector<16xf32>
      %parallel_loop3A_122 = arith.addf %parallel_loop3A_96, %parallel_loop3A_121 : vector<16xf32>
      %parallel_loop3A_123 = arith.constant 2 : i32
      %parallel_loop3A_124 = arith.index_cast %parallel_loop3A_123 : i32 to index
      %parallel_loop3A_125 = arith.index_cast %parallel_loop3A_93 : i32 to index
      %parallel_loop3A_126 = arith.constant 48 : index
      %parallel_loop3A_127 = tpu.vector_load %arg4[%parallel_loop3A_124, %parallel_loop3A_125, %parallel_loop3A_126] {strides = array<i32>} : memref<4x64x128xf32, #tpu.memory_space<vmem>>, vector<1x1x16xf32>,
      %parallel_loop3A_128 = vector.shape_cast %parallel_loop3A_127 : vector<1x1x16xf32> to vector<16xf32>
      %parallel_loop3A_129 = arith.addf %parallel_loop3A_97, %parallel_loop3A_128 : vector<16xf32>
      %parallel_loop3A_130 = arith.constant 2 : i32
      %parallel_loop3A_131 = arith.index_cast %parallel_loop3A_130 : i32 to index
      %parallel_loop3A_132 = arith.index_cast %parallel_loop3A_93 : i32 to index
      %parallel_loop3A_133 = arith.constant 64 : index
      %parallel_loop3A_134 = tpu.vector_load %arg4[%parallel_loop3A_131, %parallel_loop3A_132, %parallel_loop3A_133] {strides = array<i32>} : memref<4x64x128xf32, #tpu.memory_space<vmem>>, vector<1x1x16xf32>,
      %parallel_loop3A_135 = vector.shape_cast %parallel_loop3A_134 : vector<1x1x16xf32> to vector<16xf32>
      %parallel_loop3A_136 = arith.addf %parallel_loop3A_98, %parallel_loop3A_135 : vector<16xf32>
      %parallel_loop3A_137 = arith.constant 2 : i32
      %parallel_loop3A_138 = arith.index_cast %parallel_loop3A_137 : i32 to index
      %parallel_loop3A_139 = arith.index_cast %parallel_loop3A_93 : i32 to index
      %parallel_loop3A_140 = arith.constant 80 : index
      %parallel_loop3A_141 = tpu.vector_load %arg4[%parallel_loop3A_138, %parallel_loop3A_139, %parallel_loop3A_140] {strides = array<i32>} : memref<4x64x128xf32, #tpu.memory_space<vmem>>, vector<1x1x16xf32>,
      %parallel_loop3A_142 = vector.shape_cast %parallel_loop3A_141 : vector<1x1x16xf32> to vector<16xf32>
      %parallel_loop3A_143 = arith.addf %parallel_loop3A_99, %parallel_loop3A_142 : vector<16xf32>
      %parallel_loop3A_144 = arith.constant 2 : i32
      %parallel_loop3A_145 = arith.index_cast %parallel_loop3A_144 : i32 to index
      %parallel_loop3A_146 = arith.index_cast %parallel_loop3A_93 : i32 to index
      %parallel_loop3A_147 = arith.constant 96 : index
      %parallel_loop3A_148 = tpu.vector_load %arg4[%parallel_loop3A_145, %parallel_loop3A_146, %parallel_loop3A_147] {strides = array<i32>} : memref<4x64x128xf32, #tpu.memory_space<vmem>>, vector<1x1x16xf32>,
      %parallel_loop3A_149 = vector.shape_cast %parallel_loop3A_148 : vector<1x1x16xf32> to vector<16xf32>
      %parallel_loop3A_150 = arith.addf %parallel_loop3A_100, %parallel_loop3A_149 : vector<16xf32>
      %parallel_loop3A_151 = arith.constant 2 : i32
      %parallel_loop3A_152 = arith.index_cast %parallel_loop3A_151 : i32 to index
      %parallel_loop3A_153 = arith.index_cast %parallel_loop3A_93 : i32 to index
      %parallel_loop3A_154 = arith.constant 112 : index
      %parallel_loop3A_155 = tpu.vector_load %arg4[%parallel_loop3A_152, %parallel_loop3A_153, %parallel_loop3A_154] {strides = array<i32>} : memref<4x64x128xf32, #tpu.memory_space<vmem>>, vector<1x1x16xf32>,
      %parallel_loop3A_156 = vector.shape_cast %parallel_loop3A_155 : vector<1x1x16xf32> to vector<16xf32>
      %parallel_loop3A_157 = arith.addf %parallel_loop3A_101, %parallel_loop3A_156 : vector<16xf32>
      scf.yield %parallel_loop3A_108, %parallel_loop3A_115, %parallel_loop3A_122, %parallel_loop3A_129, %parallel_loop3A_136, %parallel_loop3A_143, %parallel_loop3A_150, %parallel_loop3A_157 : vector<16xf32>, vector<16xf32>, vector<16xf32>, vector<16xf32>, vector<16xf32>, vector<16xf32>, vector<16xf32>, vector<16xf32>
    } {sc.loop_unroll_factor = 4 : i64, sc.parallel_access}
    %parallel_loop3A_67 = arith.constant 0 : i32
    %parallel_loop3A_68 = arith.constant 64 : i32
    %parallel_loop3A_69 = arith.constant 1 : i32
    scf.for %parallel_loop3A_93 = %parallel_loop3A_67 to %parallel_loop3A_68 step %parallel_loop3A_69  : i32 {
      %parallel_loop3A_94 = arith.constant 2 : i32
      %parallel_loop3A_95 = arith.index_cast %parallel_loop3A_94 : i32 to index
      %parallel_loop3A_96 = arith.index_cast %parallel_loop3A_93 : i32 to index
      %parallel_loop3A_97 = arith.constant 0 : index
      %parallel_loop3A_98 = tpu.vector_load %arg4[%parallel_loop3A_95, %parallel_loop3A_96, %parallel_loop3A_97] {strides = array<i32>} : memref<4x64x128xf32, #tpu.memory_space<vmem>>, vector<1x1x16xf32>,
      %parallel_loop3A_99 = vector.shape_cast %parallel_loop3A_98 : vector<1x1x16xf32> to vector<16xf32>
      %parallel_loop3A_100 = arith.subf %parallel_loop3A_66#0, %parallel_loop3A_99 : vector<16xf32>
      %parallel_loop3A_101 = arith.constant 0.0158730168 : f32
      %parallel_loop3A_102 = vector.broadcast %parallel_loop3A_101 : f32 to vector<16xf32>
      %parallel_loop3A_103 = arith.mulf %parallel_loop3A_100, %parallel_loop3A_102 : vector<16xf32>
      %parallel_loop3A_104 = arith.constant 2 : i32
      %parallel_loop3A_105 = arith.index_cast %parallel_loop3A_104 : i32 to index
      %parallel_loop3A_106 = arith.index_cast %parallel_loop3A_93 : i32 to index
      %parallel_loop3A_107 = arith.constant 0 : index
      %parallel_loop3A_108 = tpu.vector_load %arg5[%parallel_loop3A_105, %parallel_loop3A_106, %parallel_loop3A_107] {strides = array<i32>} : memref<4x64x256xf32, #tpu.memory_space<vmem>>, vector<1x1x16xf32>,
      %parallel_loop3A_109 = vector.shape_cast %parallel_loop3A_108 : vector<1x1x16xf32> to vector<16xf32>
      %parallel_loop3A_110 = vector.shape_cast %parallel_loop3A_103 : vector<16xf32> to vector<1x1x16xf32>
      tpu.vector_store %arg5[%parallel_loop3A_105, %parallel_loop3A_106, %parallel_loop3A_107], %parallel_loop3A_110 {strides = array<i32>} : memref<4x64x256xf32, #tpu.memory_space<vmem>>, vector<1x1x16xf32>,
      %parallel_loop3A_111 = arith.constant 2 : i32
      %parallel_loop3A_112 = arith.index_cast %parallel_loop3A_111 : i32 to index
      %parallel_loop3A_113 = arith.index_cast %parallel_loop3A_93 : i32 to index
      %parallel_loop3A_114 = arith.constant 128 : index
      %parallel_loop3A_115 = tpu.vector_load %arg5[%parallel_loop3A_112, %parallel_loop3A_113, %parallel_loop3A_114] {strides = array<i32>} : memref<4x64x256xf32, #tpu.memory_space<vmem>>, vector<1x1x16xf32>,
      %parallel_loop3A_116 = vector.shape_cast %parallel_loop3A_115 : vector<1x1x16xf32> to vector<16xf32>
      %parallel_loop3A_117 = vector.shape_cast %parallel_loop3A_99 : vector<16xf32> to vector<1x1x16xf32>
      tpu.vector_store %arg5[%parallel_loop3A_112, %parallel_loop3A_113, %parallel_loop3A_114], %parallel_loop3A_117 {strides = array<i32>} : memref<4x64x256xf32, #tpu.memory_space<vmem>>, vector<1x1x16xf32>,
      %parallel_loop3A_118 = arith.constant 2 : i32
      %parallel_loop3A_119 = arith.index_cast %parallel_loop3A_118 : i32 to index
      %parallel_loop3A_120 = arith.index_cast %parallel_loop3A_93 : i32 to index
      %parallel_loop3A_121 = arith.constant 16 : index
      %parallel_loop3A_122 = tpu.vector_load %arg4[%parallel_loop3A_119, %parallel_loop3A_120, %parallel_loop3A_121] {strides = array<i32>} : memref<4x64x128xf32, #tpu.memory_space<vmem>>, vector<1x1x16xf32>,
      %parallel_loop3A_123 = vector.shape_cast %parallel_loop3A_122 : vector<1x1x16xf32> to vector<16xf32>
      %parallel_loop3A_124 = arith.subf %parallel_loop3A_66#1, %parallel_loop3A_123 : vector<16xf32>
      %parallel_loop3A_125 = arith.constant 0.0158730168 : f32
      %parallel_loop3A_126 = vector.broadcast %parallel_loop3A_125 : f32 to vector<16xf32>
      %parallel_loop3A_127 = arith.mulf %parallel_loop3A_124, %parallel_loop3A_126 : vector<16xf32>
      %parallel_loop3A_128 = arith.constant 2 : i32
      %parallel_loop3A_129 = arith.index_cast %parallel_loop3A_128 : i32 to index
      %parallel_loop3A_130 = arith.index_cast %parallel_loop3A_93 : i32 to index
      %parallel_loop3A_131 = arith.constant 16 : index
      %parallel_loop3A_132 = tpu.vector_load %arg5[%parallel_loop3A_129, %parallel_loop3A_130, %parallel_loop3A_131] {strides = array<i32>} : memref<4x64x256xf32, #tpu.memory_space<vmem>>, vector<1x1x16xf32>,
      %parallel_loop3A_133 = vector.shape_cast %parallel_loop3A_132 : vector<1x1x16xf32> to vector<16xf32>
      %parallel_loop3A_134 = vector.shape_cast %parallel_loop3A_127 : vector<16xf32> to vector<1x1x16xf32>
      tpu.vector_store %arg5[%parallel_loop3A_129, %parallel_loop3A_130, %parallel_loop3A_131], %parallel_loop3A_134 {strides = array<i32>} : memref<4x64x256xf32, #tpu.memory_space<vmem>>, vector<1x1x16xf32>,
      %parallel_loop3A_135 = arith.constant 2 : i32
      %parallel_loop3A_136 = arith.index_cast %parallel_loop3A_135 : i32 to index
      %parallel_loop3A_137 = arith.index_cast %parallel_loop3A_93 : i32 to index
      %parallel_loop3A_138 = arith.constant 144 : index
      %parallel_loop3A_139 = tpu.vector_load %arg5[%parallel_loop3A_136, %parallel_loop3A_137, %parallel_loop3A_138] {strides = array<i32>} : memref<4x64x256xf32, #tpu.memory_space<vmem>>, vector<1x1x16xf32>,
      %parallel_loop3A_140 = vector.shape_cast %parallel_loop3A_139 : vector<1x1x16xf32> to vector<16xf32>
      %parallel_loop3A_141 = vector.shape_cast %parallel_loop3A_123 : vector<16xf32> to vector<1x1x16xf32>
      tpu.vector_store %arg5[%parallel_loop3A_136, %parallel_loop3A_137, %parallel_loop3A_138], %parallel_loop3A_141 {strides = array<i32>} : memref<4x64x256xf32, #tpu.memory_space<vmem>>, vector<1x1x16xf32>,
      %parallel_loop3A_142 = arith.constant 2 : i32
      %parallel_loop3A_143 = arith.index_cast %parallel_loop3A_142 : i32 to index
      %parallel_loop3A_144 = arith.index_cast %parallel_loop3A_93 : i32 to index
      %parallel_loop3A_145 = arith.constant 32 : index
      %parallel_loop3A_146 = tpu.vector_load %arg4[%parallel_loop3A_143, %parallel_loop3A_144, %parallel_loop3A_145] {strides = array<i32>} : memref<4x64x128xf32, #tpu.memory_space<vmem>>, vector<1x1x16xf32>,
      %parallel_loop3A_147 = vector.shape_cast %parallel_loop3A_146 : vector<1x1x16xf32> to vector<16xf32>
      %parallel_loop3A_148 = arith.subf %parallel_loop3A_66#2, %parallel_loop3A_147 : vector<16xf32>
      %parallel_loop3A_149 = arith.constant 0.0158730168 : f32
      %parallel_loop3A_150 = vector.broadcast %parallel_loop3A_149 : f32 to vector<16xf32>
      %parallel_loop3A_151 = arith.mulf %parallel_loop3A_148, %parallel_loop3A_150 : vector<16xf32>
      %parallel_loop3A_152 = arith.constant 2 : i32
      %parallel_loop3A_153 = arith.index_cast %parallel_loop3A_152 : i32 to index
      %parallel_loop3A_154 = arith.index_cast %parallel_loop3A_93 : i32 to index
      %parallel_loop3A_155 = arith.constant 32 : index
      %parallel_loop3A_156 = tpu.vector_load %arg5[%parallel_loop3A_153, %parallel_loop3A_154, %parallel_loop3A_155] {strides = array<i32>} : memref<4x64x256xf32, #tpu.memory_space<vmem>>, vector<1x1x16xf32>,
      %parallel_loop3A_157 = vector.shape_cast %parallel_loop3A_156 : vector<1x1x16xf32> to vector<16xf32>
      %parallel_loop3A_158 = vector.shape_cast %parallel_loop3A_151 : vector<16xf32> to vector<1x1x16xf32>
      tpu.vector_store %arg5[%parallel_loop3A_153, %parallel_loop3A_154, %parallel_loop3A_155], %parallel_loop3A_158 {strides = array<i32>} : memref<4x64x256xf32, #tpu.memory_space<vmem>>, vector<1x1x16xf32>,
      %parallel_loop3A_159 = arith.constant 2 : i32
      %parallel_loop3A_160 = arith.index_cast %parallel_loop3A_159 : i32 to index
      %parallel_loop3A_161 = arith.index_cast %parallel_loop3A_93 : i32 to index
      %parallel_loop3A_162 = arith.constant 160 : index
      %parallel_loop3A_163 = tpu.vector_load %arg5[%parallel_loop3A_160, %parallel_loop3A_161, %parallel_loop3A_162] {strides = array<i32>} : memref<4x64x256xf32, #tpu.memory_space<vmem>>, vector<1x1x16xf32>,
      %parallel_loop3A_164 = vector.shape_cast %parallel_loop3A_163 : vector<1x1x16xf32> to vector<16xf32>
      %parallel_loop3A_165 = vector.shape_cast %parallel_loop3A_147 : vector<16xf32> to vector<1x1x16xf32>
      tpu.vector_store %arg5[%parallel_loop3A_160, %parallel_loop3A_161, %parallel_loop3A_162], %parallel_loop3A_165 {strides = array<i32>} : memref<4x64x256xf32, #tpu.memory_space<vmem>>, vector<1x1x16xf32>,
      %parallel_loop3A_166 = arith.constant 2 : i32
      %parallel_loop3A_167 = arith.index_cast %parallel_loop3A_166 : i32 to index
      %parallel_loop3A_168 = arith.index_cast %parallel_loop3A_93 : i32 to index
      %parallel_loop3A_169 = arith.constant 48 : index
      %parallel_loop3A_170 = tpu.vector_load %arg4[%parallel_loop3A_167, %parallel_loop3A_168, %parallel_loop3A_169] {strides = array<i32>} : memref<4x64x128xf32, #tpu.memory_space<vmem>>, vector<1x1x16xf32>,
      %parallel_loop3A_171 = vector.shape_cast %parallel_loop3A_170 : vector<1x1x16xf32> to vector<16xf32>
      %parallel_loop3A_172 = arith.subf %parallel_loop3A_66#3, %parallel_loop3A_171 : vector<16xf32>
      %parallel_loop3A_173 = arith.constant 0.0158730168 : f32
      %parallel_loop3A_174 = vector.broadcast %parallel_loop3A_173 : f32 to vector<16xf32>
      %parallel_loop3A_175 = arith.mulf %parallel_loop3A_172, %parallel_loop3A_174 : vector<16xf32>
      %parallel_loop3A_176 = arith.constant 2 : i32
      %parallel_loop3A_177 = arith.index_cast %parallel_loop3A_176 : i32 to index
      %parallel_loop3A_178 = arith.index_cast %parallel_loop3A_93 : i32 to index
      %parallel_loop3A_179 = arith.constant 48 : index
      %parallel_loop3A_180 = tpu.vector_load %arg5[%parallel_loop3A_177, %parallel_loop3A_178, %parallel_loop3A_179] {strides = array<i32>} : memref<4x64x256xf32, #tpu.memory_space<vmem>>, vector<1x1x16xf32>,
      %parallel_loop3A_181 = vector.shape_cast %parallel_loop3A_180 : vector<1x1x16xf32> to vector<16xf32>
      %parallel_loop3A_182 = vector.shape_cast %parallel_loop3A_175 : vector<16xf32> to vector<1x1x16xf32>
      tpu.vector_store %arg5[%parallel_loop3A_177, %parallel_loop3A_178, %parallel_loop3A_179], %parallel_loop3A_182 {strides = array<i32>} : memref<4x64x256xf32, #tpu.memory_space<vmem>>, vector<1x1x16xf32>,
      %parallel_loop3A_183 = arith.constant 2 : i32
      %parallel_loop3A_184 = arith.index_cast %parallel_loop3A_183 : i32 to index
      %parallel_loop3A_185 = arith.index_cast %parallel_loop3A_93 : i32 to index
      %parallel_loop3A_186 = arith.constant 176 : index
      %parallel_loop3A_187 = tpu.vector_load %arg5[%parallel_loop3A_184, %parallel_loop3A_185, %parallel_loop3A_186] {strides = array<i32>} : memref<4x64x256xf32, #tpu.memory_space<vmem>>, vector<1x1x16xf32>,
      %parallel_loop3A_188 = vector.shape_cast %parallel_loop3A_187 : vector<1x1x16xf32> to vector<16xf32>
      %parallel_loop3A_189 = vector.shape_cast %parallel_loop3A_171 : vector<16xf32> to vector<1x1x16xf32>
      tpu.vector_store %arg5[%parallel_loop3A_184, %parallel_loop3A_185, %parallel_loop3A_186], %parallel_loop3A_189 {strides = array<i32>} : memref<4x64x256xf32, #tpu.memory_space<vmem>>, vector<1x1x16xf32>,
      %parallel_loop3A_190 = arith.constant 2 : i32
      %parallel_loop3A_191 = arith.index_cast %parallel_loop3A_190 : i32 to index
      %parallel_loop3A_192 = arith.index_cast %parallel_loop3A_93 : i32 to index
      %parallel_loop3A_193 = arith.constant 64 : index
      %parallel_loop3A_194 = tpu.vector_load %arg4[%parallel_loop3A_191, %parallel_loop3A_192, %parallel_loop3A_193] {strides = array<i32>} : memref<4x64x128xf32, #tpu.memory_space<vmem>>, vector<1x1x16xf32>,
      %parallel_loop3A_195 = vector.shape_cast %parallel_loop3A_194 : vector<1x1x16xf32> to vector<16xf32>
      %parallel_loop3A_196 = arith.subf %parallel_loop3A_66#4, %parallel_loop3A_195 : vector<16xf32>
      %parallel_loop3A_197 = arith.constant 0.0158730168 : f32
      %parallel_loop3A_198 = vector.broadcast %parallel_loop3A_197 : f32 to vector<16xf32>
      %parallel_loop3A_199 = arith.mulf %parallel_loop3A_196, %parallel_loop3A_198 : vector<16xf32>
      %parallel_loop3A_200 = arith.constant 2 : i32
      %parallel_loop3A_201 = arith.index_cast %parallel_loop3A_200 : i32 to index
      %parallel_loop3A_202 = arith.index_cast %parallel_loop3A_93 : i32 to index
      %parallel_loop3A_203 = arith.constant 64 : index
      %parallel_loop3A_204 = tpu.vector_load %arg5[%parallel_loop3A_201, %parallel_loop3A_202, %parallel_loop3A_203] {strides = array<i32>} : memref<4x64x256xf32, #tpu.memory_space<vmem>>, vector<1x1x16xf32>,
      %parallel_loop3A_205 = vector.shape_cast %parallel_loop3A_204 : vector<1x1x16xf32> to vector<16xf32>
      %parallel_loop3A_206 = vector.shape_cast %parallel_loop3A_199 : vector<16xf32> to vector<1x1x16xf32>
      tpu.vector_store %arg5[%parallel_loop3A_201, %parallel_loop3A_202, %parallel_loop3A_203], %parallel_loop3A_206 {strides = array<i32>} : memref<4x64x256xf32, #tpu.memory_space<vmem>>, vector<1x1x16xf32>,
      %parallel_loop3A_207 = arith.constant 2 : i32
      %parallel_loop3A_208 = arith.index_cast %parallel_loop3A_207 : i32 to index
      %parallel_loop3A_209 = arith.index_cast %parallel_loop3A_93 : i32 to index
      %parallel_loop3A_210 = arith.constant 192 : index
      %parallel_loop3A_211 = tpu.vector_load %arg5[%parallel_loop3A_208, %parallel_loop3A_209, %parallel_loop3A_210] {strides = array<i32>} : memref<4x64x256xf32, #tpu.memory_space<vmem>>, vector<1x1x16xf32>,
      %parallel_loop3A_212 = vector.shape_cast %parallel_loop3A_211 : vector<1x1x16xf32> to vector<16xf32>
      %parallel_loop3A_213 = vector.shape_cast %parallel_loop3A_195 : vector<16xf32> to vector<1x1x16xf32>
      tpu.vector_store %arg5[%parallel_loop3A_208, %parallel_loop3A_209, %parallel_loop3A_210], %parallel_loop3A_213 {strides = array<i32>} : memref<4x64x256xf32, #tpu.memory_space<vmem>>, vector<1x1x16xf32>,
      %parallel_loop3A_214 = arith.constant 2 : i32
      %parallel_loop3A_215 = arith.index_cast %parallel_loop3A_214 : i32 to index
      %parallel_loop3A_216 = arith.index_cast %parallel_loop3A_93 : i32 to index
      %parallel_loop3A_217 = arith.constant 80 : index
      %parallel_loop3A_218 = tpu.vector_load %arg4[%parallel_loop3A_215, %parallel_loop3A_216, %parallel_loop3A_217] {strides = array<i32>} : memref<4x64x128xf32, #tpu.memory_space<vmem>>, vector<1x1x16xf32>,
      %parallel_loop3A_219 = vector.shape_cast %parallel_loop3A_218 : vector<1x1x16xf32> to vector<16xf32>
      %parallel_loop3A_220 = arith.subf %parallel_loop3A_66#5, %parallel_loop3A_219 : vector<16xf32>
      %parallel_loop3A_221 = arith.constant 0.0158730168 : f32
      %parallel_loop3A_222 = vector.broadcast %parallel_loop3A_221 : f32 to vector<16xf32>
      %parallel_loop3A_223 = arith.mulf %parallel_loop3A_220, %parallel_loop3A_222 : vector<16xf32>
      %parallel_loop3A_224 = arith.constant 2 : i32
      %parallel_loop3A_225 = arith.index_cast %parallel_loop3A_224 : i32 to index
      %parallel_loop3A_226 = arith.index_cast %parallel_loop3A_93 : i32 to index
      %parallel_loop3A_227 = arith.constant 80 : index
      %parallel_loop3A_228 = tpu.vector_load %arg5[%parallel_loop3A_225, %parallel_loop3A_226, %parallel_loop3A_227] {strides = array<i32>} : memref<4x64x256xf32, #tpu.memory_space<vmem>>, vector<1x1x16xf32>,
      %parallel_loop3A_229 = vector.shape_cast %parallel_loop3A_228 : vector<1x1x16xf32> to vector<16xf32>
      %parallel_loop3A_230 = vector.shape_cast %parallel_loop3A_223 : vector<16xf32> to vector<1x1x16xf32>
      tpu.vector_store %arg5[%parallel_loop3A_225, %parallel_loop3A_226, %parallel_loop3A_227], %parallel_loop3A_230 {strides = array<i32>} : memref<4x64x256xf32, #tpu.memory_space<vmem>>, vector<1x1x16xf32>,
      %parallel_loop3A_231 = arith.constant 2 : i32
      %parallel_loop3A_232 = arith.index_cast %parallel_loop3A_231 : i32 to index
      %parallel_loop3A_233 = arith.index_cast %parallel_loop3A_93 : i32 to index
      %parallel_loop3A_234 = arith.constant 208 : index
      %parallel_loop3A_235 = tpu.vector_load %arg5[%parallel_loop3A_232, %parallel_loop3A_233, %parallel_loop3A_234] {strides = array<i32>} : memref<4x64x256xf32, #tpu.memory_space<vmem>>, vector<1x1x16xf32>,
      %parallel_loop3A_236 = vector.shape_cast %parallel_loop3A_235 : vector<1x1x16xf32> to vector<16xf32>
      %parallel_loop3A_237 = vector.shape_cast %parallel_loop3A_219 : vector<16xf32> to vector<1x1x16xf32>
      tpu.vector_store %arg5[%parallel_loop3A_232, %parallel_loop3A_233, %parallel_loop3A_234], %parallel_loop3A_237 {strides = array<i32>} : memref<4x64x256xf32, #tpu.memory_space<vmem>>, vector<1x1x16xf32>,
      %parallel_loop3A_238 = arith.constant 2 : i32
      %parallel_loop3A_239 = arith.index_cast %parallel_loop3A_238 : i32 to index
      %parallel_loop3A_240 = arith.index_cast %parallel_loop3A_93 : i32 to index
      %parallel_loop3A_241 = arith.constant 96 : index
      %parallel_loop3A_242 = tpu.vector_load %arg4[%parallel_loop3A_239, %parallel_loop3A_240, %parallel_loop3A_241] {strides = array<i32>} : memref<4x64x128xf32, #tpu.memory_space<vmem>>, vector<1x1x16xf32>,
      %parallel_loop3A_243 = vector.shape_cast %parallel_loop3A_242 : vector<1x1x16xf32> to vector<16xf32>
      %parallel_loop3A_244 = arith.subf %parallel_loop3A_66#6, %parallel_loop3A_243 : vector<16xf32>
      %parallel_loop3A_245 = arith.constant 0.0158730168 : f32
      %parallel_loop3A_246 = vector.broadcast %parallel_loop3A_245 : f32 to vector<16xf32>
      %parallel_loop3A_247 = arith.mulf %parallel_loop3A_244, %parallel_loop3A_246 : vector<16xf32>
      %parallel_loop3A_248 = arith.constant 2 : i32
      %parallel_loop3A_249 = arith.index_cast %parallel_loop3A_248 : i32 to index
      %parallel_loop3A_250 = arith.index_cast %parallel_loop3A_93 : i32 to index
      %parallel_loop3A_251 = arith.constant 96 : index
      %parallel_loop3A_252 = tpu.vector_load %arg5[%parallel_loop3A_249, %parallel_loop3A_250, %parallel_loop3A_251] {strides = array<i32>} : memref<4x64x256xf32, #tpu.memory_space<vmem>>, vector<1x1x16xf32>,
      %parallel_loop3A_253 = vector.shape_cast %parallel_loop3A_252 : vector<1x1x16xf32> to vector<16xf32>
      %parallel_loop3A_254 = vector.shape_cast %parallel_loop3A_247 : vector<16xf32> to vector<1x1x16xf32>
      tpu.vector_store %arg5[%parallel_loop3A_249, %parallel_loop3A_250, %parallel_loop3A_251], %parallel_loop3A_254 {strides = array<i32>} : memref<4x64x256xf32, #tpu.memory_space<vmem>>, vector<1x1x16xf32>,
      %parallel_loop3A_255 = arith.constant 2 : i32
      %parallel_loop3A_256 = arith.index_cast %parallel_loop3A_255 : i32 to index
      %parallel_loop3A_257 = arith.index_cast %parallel_loop3A_93 : i32 to index
      %parallel_loop3A_258 = arith.constant 224 : index
      %parallel_loop3A_259 = tpu.vector_load %arg5[%parallel_loop3A_256, %parallel_loop3A_257, %parallel_loop3A_258] {strides = array<i32>} : memref<4x64x256xf32, #tpu.memory_space<vmem>>, vector<1x1x16xf32>,
      %parallel_loop3A_260 = vector.shape_cast %parallel_loop3A_259 : vector<1x1x16xf32> to vector<16xf32>
      %parallel_loop3A_261 = vector.shape_cast %parallel_loop3A_243 : vector<16xf32> to vector<1x1x16xf32>
      tpu.vector_store %arg5[%parallel_loop3A_256, %parallel_loop3A_257, %parallel_loop3A_258], %parallel_loop3A_261 {strides = array<i32>} : memref<4x64x256xf32, #tpu.memory_space<vmem>>, vector<1x1x16xf32>,
      %parallel_loop3A_262 = arith.constant 2 : i32
      %parallel_loop3A_263 = arith.index_cast %parallel_loop3A_262 : i32 to index
      %parallel_loop3A_264 = arith.index_cast %parallel_loop3A_93 : i32 to index
      %parallel_loop3A_265 = arith.constant 112 : index
      %parallel_loop3A_266 = tpu.vector_load %arg4[%parallel_loop3A_263, %parallel_loop3A_264, %parallel_loop3A_265] {strides = array<i32>} : memref<4x64x128xf32, #tpu.memory_space<vmem>>, vector<1x1x16xf32>,
      %parallel_loop3A_267 = vector.shape_cast %parallel_loop3A_266 : vector<1x1x16xf32> to vector<16xf32>
      %parallel_loop3A_268 = arith.subf %parallel_loop3A_66#7, %parallel_loop3A_267 : vector<16xf32>
      %parallel_loop3A_269 = arith.constant 0.0158730168 : f32
      %parallel_loop3A_270 = vector.broadcast %parallel_loop3A_269 : f32 to vector<16xf32>
      %parallel_loop3A_271 = arith.mulf %parallel_loop3A_268, %parallel_loop3A_270 : vector<16xf32>
      %parallel_loop3A_272 = arith.constant 2 : i32
      %parallel_loop3A_273 = arith.index_cast %parallel_loop3A_272 : i32 to index
      %parallel_loop3A_274 = arith.index_cast %parallel_loop3A_93 : i32 to index
      %parallel_loop3A_275 = arith.constant 112 : index
      %parallel_loop3A_276 = tpu.vector_load %arg5[%parallel_loop3A_273, %parallel_loop3A_274, %parallel_loop3A_275] {strides = array<i32>} : memref<4x64x256xf32, #tpu.memory_space<vmem>>, vector<1x1x16xf32>,
      %parallel_loop3A_277 = vector.shape_cast %parallel_loop3A_276 : vector<1x1x16xf32> to vector<16xf32>
      %parallel_loop3A_278 = vector.shape_cast %parallel_loop3A_271 : vector<16xf32> to vector<1x1x16xf32>
      tpu.vector_store %arg5[%parallel_loop3A_273, %parallel_loop3A_274, %parallel_loop3A_275], %parallel_loop3A_278 {strides = array<i32>} : memref<4x64x256xf32, #tpu.memory_space<vmem>>, vector<1x1x16xf32>,
      %parallel_loop3A_279 = arith.constant 2 : i32
      %parallel_loop3A_280 = arith.index_cast %parallel_loop3A_279 : i32 to index
      %parallel_loop3A_281 = arith.index_cast %parallel_loop3A_93 : i32 to index
      %parallel_loop3A_282 = arith.constant 240 : index
      %parallel_loop3A_283 = tpu.vector_load %arg5[%parallel_loop3A_280, %parallel_loop3A_281, %parallel_loop3A_282] {strides = array<i32>} : memref<4x64x256xf32, #tpu.memory_space<vmem>>, vector<1x1x16xf32>,
      %parallel_loop3A_284 = vector.shape_cast %parallel_loop3A_283 : vector<1x1x16xf32> to vector<16xf32>
      %parallel_loop3A_285 = vector.shape_cast %parallel_loop3A_267 : vector<16xf32> to vector<1x1x16xf32>
      tpu.vector_store %arg5[%parallel_loop3A_280, %parallel_loop3A_281, %parallel_loop3A_282], %parallel_loop3A_285 {strides = array<i32>} : memref<4x64x256xf32, #tpu.memory_space<vmem>>, vector<1x1x16xf32>,
    } {sc.loop_unroll_factor = 4 : i64, sc.parallel_access}
    %broadcast_in_dim3A_70 = arith.constant 0.000000e+00 : f32
    %broadcast_in_dim3A_71 = vector.broadcast %broadcast_in_dim3A_70 : f32 to vector<16xf32>
    %broadcast_in_dim3A_72 = arith.constant 0.000000e+00 : f32
    %broadcast_in_dim3A_73 = vector.broadcast %broadcast_in_dim3A_72 : f32 to vector<16xf32>
    %broadcast_in_dim3A_74 = arith.constant 0.000000e+00 : f32
    %broadcast_in_dim3A_75 = vector.broadcast %broadcast_in_dim3A_74 : f32 to vector<16xf32>
    %broadcast_in_dim3A_76 = arith.constant 0.000000e+00 : f32
    %broadcast_in_dim3A_77 = vector.broadcast %broadcast_in_dim3A_76 : f32 to vector<16xf32>
    %broadcast_in_dim3A_78 = arith.constant 0.000000e+00 : f32
    %broadcast_in_dim3A_79 = vector.broadcast %broadcast_in_dim3A_78 : f32 to vector<16xf32>
    %broadcast_in_dim3A_80 = arith.constant 0.000000e+00 : f32
    %broadcast_in_dim3A_81 = vector.broadcast %broadcast_in_dim3A_80 : f32 to vector<16xf32>
    %broadcast_in_dim3A_82 = arith.constant 0.000000e+00 : f32
    %broadcast_in_dim3A_83 = vector.broadcast %broadcast_in_dim3A_82 : f32 to vector<16xf32>
    %broadcast_in_dim3A_84 = arith.constant 0.000000e+00 : f32
    %broadcast_in_dim3A_85 = vector.broadcast %broadcast_in_dim3A_84 : f32 to vector<16xf32>
    %parallel_loop3A_86 = arith.constant 0 : i32
    %parallel_loop3A_87 = arith.constant 64 : i32
    %parallel_loop3A_88 = arith.constant 1 : i32
    %parallel_loop3A_89:8 = scf.for %parallel_loop3A_93 = %parallel_loop3A_86 to %parallel_loop3A_87 step %parallel_loop3A_88 iter_args(%parallel_loop3A_94 = %broadcast_in_dim3A_71, %parallel_loop3A_95 = %broadcast_in_dim3A_73, %parallel_loop3A_96 = %broadcast_in_dim3A_75, %parallel_loop3A_97 = %broadcast_in_dim3A_77, %parallel_loop3A_98 = %broadcast_in_dim3A_79, %parallel_loop3A_99 = %broadcast_in_dim3A_81, %parallel_loop3A_100 = %broadcast_in_dim3A_83, %parallel_loop3A_101 = %broadcast_in_dim3A_85) -> (vector<16xf32>, vector<16xf32>, vector<16xf32>, vector<16xf32>, vector<16xf32>, vector<16xf32>, vector<16xf32>, vector<16xf32>)  : i32 {
      %parallel_loop3A_102 = arith.constant 3 : i32
      %parallel_loop3A_103 = arith.index_cast %parallel_loop3A_102 : i32 to index
      %parallel_loop3A_104 = arith.index_cast %parallel_loop3A_93 : i32 to index
      %parallel_loop3A_105 = arith.constant 0 : index
      %parallel_loop3A_106 = tpu.vector_load %arg4[%parallel_loop3A_103, %parallel_loop3A_104, %parallel_loop3A_105] {strides = array<i32>} : memref<4x64x128xf32, #tpu.memory_space<vmem>>, vector<1x1x16xf32>,
      %parallel_loop3A_107 = vector.shape_cast %parallel_loop3A_106 : vector<1x1x16xf32> to vector<16xf32>
      %parallel_loop3A_108 = arith.addf %parallel_loop3A_94, %parallel_loop3A_107 : vector<16xf32>
      %parallel_loop3A_109 = arith.constant 3 : i32
      %parallel_loop3A_110 = arith.index_cast %parallel_loop3A_109 : i32 to index
      %parallel_loop3A_111 = arith.index_cast %parallel_loop3A_93 : i32 to index
      %parallel_loop3A_112 = arith.constant 16 : index
      %parallel_loop3A_113 = tpu.vector_load %arg4[%parallel_loop3A_110, %parallel_loop3A_111, %parallel_loop3A_112] {strides = array<i32>} : memref<4x64x128xf32, #tpu.memory_space<vmem>>, vector<1x1x16xf32>,
      %parallel_loop3A_114 = vector.shape_cast %parallel_loop3A_113 : vector<1x1x16xf32> to vector<16xf32>
      %parallel_loop3A_115 = arith.addf %parallel_loop3A_95, %parallel_loop3A_114 : vector<16xf32>
      %parallel_loop3A_116 = arith.constant 3 : i32
      %parallel_loop3A_117 = arith.index_cast %parallel_loop3A_116 : i32 to index
      %parallel_loop3A_118 = arith.index_cast %parallel_loop3A_93 : i32 to index
      %parallel_loop3A_119 = arith.constant 32 : index
      %parallel_loop3A_120 = tpu.vector_load %arg4[%parallel_loop3A_117, %parallel_loop3A_118, %parallel_loop3A_119] {strides = array<i32>} : memref<4x64x128xf32, #tpu.memory_space<vmem>>, vector<1x1x16xf32>,
      %parallel_loop3A_121 = vector.shape_cast %parallel_loop3A_120 : vector<1x1x16xf32> to vector<16xf32>
      %parallel_loop3A_122 = arith.addf %parallel_loop3A_96, %parallel_loop3A_121 : vector<16xf32>
      %parallel_loop3A_123 = arith.constant 3 : i32
      %parallel_loop3A_124 = arith.index_cast %parallel_loop3A_123 : i32 to index
      %parallel_loop3A_125 = arith.index_cast %parallel_loop3A_93 : i32 to index
      %parallel_loop3A_126 = arith.constant 48 : index
      %parallel_loop3A_127 = tpu.vector_load %arg4[%parallel_loop3A_124, %parallel_loop3A_125, %parallel_loop3A_126] {strides = array<i32>} : memref<4x64x128xf32, #tpu.memory_space<vmem>>, vector<1x1x16xf32>,
      %parallel_loop3A_128 = vector.shape_cast %parallel_loop3A_127 : vector<1x1x16xf32> to vector<16xf32>
      %parallel_loop3A_129 = arith.addf %parallel_loop3A_97, %parallel_loop3A_128 : vector<16xf32>
      %parallel_loop3A_130 = arith.constant 3 : i32
      %parallel_loop3A_131 = arith.index_cast %parallel_loop3A_130 : i32 to index
      %parallel_loop3A_132 = arith.index_cast %parallel_loop3A_93 : i32 to index
      %parallel_loop3A_133 = arith.constant 64 : index
      %parallel_loop3A_134 = tpu.vector_load %arg4[%parallel_loop3A_131, %parallel_loop3A_132, %parallel_loop3A_133] {strides = array<i32>} : memref<4x64x128xf32, #tpu.memory_space<vmem>>, vector<1x1x16xf32>,
      %parallel_loop3A_135 = vector.shape_cast %parallel_loop3A_134 : vector<1x1x16xf32> to vector<16xf32>
      %parallel_loop3A_136 = arith.addf %parallel_loop3A_98, %parallel_loop3A_135 : vector<16xf32>
      %parallel_loop3A_137 = arith.constant 3 : i32
      %parallel_loop3A_138 = arith.index_cast %parallel_loop3A_137 : i32 to index
      %parallel_loop3A_139 = arith.index_cast %parallel_loop3A_93 : i32 to index
      %parallel_loop3A_140 = arith.constant 80 : index
      %parallel_loop3A_141 = tpu.vector_load %arg4[%parallel_loop3A_138, %parallel_loop3A_139, %parallel_loop3A_140] {strides = array<i32>} : memref<4x64x128xf32, #tpu.memory_space<vmem>>, vector<1x1x16xf32>,
      %parallel_loop3A_142 = vector.shape_cast %parallel_loop3A_141 : vector<1x1x16xf32> to vector<16xf32>
      %parallel_loop3A_143 = arith.addf %parallel_loop3A_99, %parallel_loop3A_142 : vector<16xf32>
      %parallel_loop3A_144 = arith.constant 3 : i32
      %parallel_loop3A_145 = arith.index_cast %parallel_loop3A_144 : i32 to index
      %parallel_loop3A_146 = arith.index_cast %parallel_loop3A_93 : i32 to index
      %parallel_loop3A_147 = arith.constant 96 : index
      %parallel_loop3A_148 = tpu.vector_load %arg4[%parallel_loop3A_145, %parallel_loop3A_146, %parallel_loop3A_147] {strides = array<i32>} : memref<4x64x128xf32, #tpu.memory_space<vmem>>, vector<1x1x16xf32>,
      %parallel_loop3A_149 = vector.shape_cast %parallel_loop3A_148 : vector<1x1x16xf32> to vector<16xf32>
      %parallel_loop3A_150 = arith.addf %parallel_loop3A_100, %parallel_loop3A_149 : vector<16xf32>
      %parallel_loop3A_151 = arith.constant 3 : i32
      %parallel_loop3A_152 = arith.index_cast %parallel_loop3A_151 : i32 to index
      %parallel_loop3A_153 = arith.index_cast %parallel_loop3A_93 : i32 to index
      %parallel_loop3A_154 = arith.constant 112 : index
      %parallel_loop3A_155 = tpu.vector_load %arg4[%parallel_loop3A_152, %parallel_loop3A_153, %parallel_loop3A_154] {strides = array<i32>} : memref<4x64x128xf32, #tpu.memory_space<vmem>>, vector<1x1x16xf32>,
      %parallel_loop3A_156 = vector.shape_cast %parallel_loop3A_155 : vector<1x1x16xf32> to vector<16xf32>
      %parallel_loop3A_157 = arith.addf %parallel_loop3A_101, %parallel_loop3A_156 : vector<16xf32>
      scf.yield %parallel_loop3A_108, %parallel_loop3A_115, %parallel_loop3A_122, %parallel_loop3A_129, %parallel_loop3A_136, %parallel_loop3A_143, %parallel_loop3A_150, %parallel_loop3A_157 : vector<16xf32>, vector<16xf32>, vector<16xf32>, vector<16xf32>, vector<16xf32>, vector<16xf32>, vector<16xf32>, vector<16xf32>
    } {sc.loop_unroll_factor = 4 : i64, sc.parallel_access}
    %parallel_loop3A_90 = arith.constant 0 : i32
    %parallel_loop3A_91 = arith.constant 64 : i32
    %parallel_loop3A_92 = arith.constant 1 : i32
    scf.for %parallel_loop3A_93 = %parallel_loop3A_90 to %parallel_loop3A_91 step %parallel_loop3A_92  : i32 {
      %parallel_loop3A_94 = arith.constant 3 : i32
      %parallel_loop3A_95 = arith.index_cast %parallel_loop3A_94 : i32 to index
      %parallel_loop3A_96 = arith.index_cast %parallel_loop3A_93 : i32 to index
      %parallel_loop3A_97 = arith.constant 0 : index
      %parallel_loop3A_98 = tpu.vector_load %arg4[%parallel_loop3A_95, %parallel_loop3A_96, %parallel_loop3A_97] {strides = array<i32>} : memref<4x64x128xf32, #tpu.memory_space<vmem>>, vector<1x1x16xf32>,
      %parallel_loop3A_99 = vector.shape_cast %parallel_loop3A_98 : vector<1x1x16xf32> to vector<16xf32>
      %parallel_loop3A_100 = arith.subf %parallel_loop3A_89#0, %parallel_loop3A_99 : vector<16xf32>
      %parallel_loop3A_101 = arith.constant 0.0158730168 : f32
      %parallel_loop3A_102 = vector.broadcast %parallel_loop3A_101 : f32 to vector<16xf32>
      %parallel_loop3A_103 = arith.mulf %parallel_loop3A_100, %parallel_loop3A_102 : vector<16xf32>
      %parallel_loop3A_104 = arith.constant 3 : i32
      %parallel_loop3A_105 = arith.index_cast %parallel_loop3A_104 : i32 to index
      %parallel_loop3A_106 = arith.index_cast %parallel_loop3A_93 : i32 to index
      %parallel_loop3A_107 = arith.constant 0 : index
      %parallel_loop3A_108 = tpu.vector_load %arg5[%parallel_loop3A_105, %parallel_loop3A_106, %parallel_loop3A_107] {strides = array<i32>} : memref<4x64x256xf32, #tpu.memory_space<vmem>>, vector<1x1x16xf32>,
      %parallel_loop3A_109 = vector.shape_cast %parallel_loop3A_108 : vector<1x1x16xf32> to vector<16xf32>
      %parallel_loop3A_110 = vector.shape_cast %parallel_loop3A_103 : vector<16xf32> to vector<1x1x16xf32>
      tpu.vector_store %arg5[%parallel_loop3A_105, %parallel_loop3A_106, %parallel_loop3A_107], %parallel_loop3A_110 {strides = array<i32>} : memref<4x64x256xf32, #tpu.memory_space<vmem>>, vector<1x1x16xf32>,
      %parallel_loop3A_111 = arith.constant 3 : i32
      %parallel_loop3A_112 = arith.index_cast %parallel_loop3A_111 : i32 to index
      %parallel_loop3A_113 = arith.index_cast %parallel_loop3A_93 : i32 to index
      %parallel_loop3A_114 = arith.constant 128 : index
      %parallel_loop3A_115 = tpu.vector_load %arg5[%parallel_loop3A_112, %parallel_loop3A_113, %parallel_loop3A_114] {strides = array<i32>} : memref<4x64x256xf32, #tpu.memory_space<vmem>>, vector<1x1x16xf32>,
      %parallel_loop3A_116 = vector.shape_cast %parallel_loop3A_115 : vector<1x1x16xf32> to vector<16xf32>
      %parallel_loop3A_117 = vector.shape_cast %parallel_loop3A_99 : vector<16xf32> to vector<1x1x16xf32>
      tpu.vector_store %arg5[%parallel_loop3A_112, %parallel_loop3A_113, %parallel_loop3A_114], %parallel_loop3A_117 {strides = array<i32>} : memref<4x64x256xf32, #tpu.memory_space<vmem>>, vector<1x1x16xf32>,
      %parallel_loop3A_118 = arith.constant 3 : i32
      %parallel_loop3A_119 = arith.index_cast %parallel_loop3A_118 : i32 to index
      %parallel_loop3A_120 = arith.index_cast %parallel_loop3A_93 : i32 to index
      %parallel_loop3A_121 = arith.constant 16 : index
      %parallel_loop3A_122 = tpu.vector_load %arg4[%parallel_loop3A_119, %parallel_loop3A_120, %parallel_loop3A_121] {strides = array<i32>} : memref<4x64x128xf32, #tpu.memory_space<vmem>>, vector<1x1x16xf32>,
      %parallel_loop3A_123 = vector.shape_cast %parallel_loop3A_122 : vector<1x1x16xf32> to vector<16xf32>
      %parallel_loop3A_124 = arith.subf %parallel_loop3A_89#1, %parallel_loop3A_123 : vector<16xf32>
      %parallel_loop3A_125 = arith.constant 0.0158730168 : f32
      %parallel_loop3A_126 = vector.broadcast %parallel_loop3A_125 : f32 to vector<16xf32>
      %parallel_loop3A_127 = arith.mulf %parallel_loop3A_124, %parallel_loop3A_126 : vector<16xf32>
      %parallel_loop3A_128 = arith.constant 3 : i32
      %parallel_loop3A_129 = arith.index_cast %parallel_loop3A_128 : i32 to index
      %parallel_loop3A_130 = arith.index_cast %parallel_loop3A_93 : i32 to index
      %parallel_loop3A_131 = arith.constant 16 : index
      %parallel_loop3A_132 = tpu.vector_load %arg5[%parallel_loop3A_129, %parallel_loop3A_130, %parallel_loop3A_131] {strides = array<i32>} : memref<4x64x256xf32, #tpu.memory_space<vmem>>, vector<1x1x16xf32>,
      %parallel_loop3A_133 = vector.shape_cast %parallel_loop3A_132 : vector<1x1x16xf32> to vector<16xf32>
      %parallel_loop3A_134 = vector.shape_cast %parallel_loop3A_127 : vector<16xf32> to vector<1x1x16xf32>
      tpu.vector_store %arg5[%parallel_loop3A_129, %parallel_loop3A_130, %parallel_loop3A_131], %parallel_loop3A_134 {strides = array<i32>} : memref<4x64x256xf32, #tpu.memory_space<vmem>>, vector<1x1x16xf32>,
      %parallel_loop3A_135 = arith.constant 3 : i32
      %parallel_loop3A_136 = arith.index_cast %parallel_loop3A_135 : i32 to index
      %parallel_loop3A_137 = arith.index_cast %parallel_loop3A_93 : i32 to index
      %parallel_loop3A_138 = arith.constant 144 : index
      %parallel_loop3A_139 = tpu.vector_load %arg5[%parallel_loop3A_136, %parallel_loop3A_137, %parallel_loop3A_138] {strides = array<i32>} : memref<4x64x256xf32, #tpu.memory_space<vmem>>, vector<1x1x16xf32>,
      %parallel_loop3A_140 = vector.shape_cast %parallel_loop3A_139 : vector<1x1x16xf32> to vector<16xf32>
      %parallel_loop3A_141 = vector.shape_cast %parallel_loop3A_123 : vector<16xf32> to vector<1x1x16xf32>
      tpu.vector_store %arg5[%parallel_loop3A_136, %parallel_loop3A_137, %parallel_loop3A_138], %parallel_loop3A_141 {strides = array<i32>} : memref<4x64x256xf32, #tpu.memory_space<vmem>>, vector<1x1x16xf32>,
      %parallel_loop3A_142 = arith.constant 3 : i32
      %parallel_loop3A_143 = arith.index_cast %parallel_loop3A_142 : i32 to index
      %parallel_loop3A_144 = arith.index_cast %parallel_loop3A_93 : i32 to index
      %parallel_loop3A_145 = arith.constant 32 : index
      %parallel_loop3A_146 = tpu.vector_load %arg4[%parallel_loop3A_143, %parallel_loop3A_144, %parallel_loop3A_145] {strides = array<i32>} : memref<4x64x128xf32, #tpu.memory_space<vmem>>, vector<1x1x16xf32>,
      %parallel_loop3A_147 = vector.shape_cast %parallel_loop3A_146 : vector<1x1x16xf32> to vector<16xf32>
      %parallel_loop3A_148 = arith.subf %parallel_loop3A_89#2, %parallel_loop3A_147 : vector<16xf32>
      %parallel_loop3A_149 = arith.constant 0.0158730168 : f32
      %parallel_loop3A_150 = vector.broadcast %parallel_loop3A_149 : f32 to vector<16xf32>
      %parallel_loop3A_151 = arith.mulf %parallel_loop3A_148, %parallel_loop3A_150 : vector<16xf32>
      %parallel_loop3A_152 = arith.constant 3 : i32
      %parallel_loop3A_153 = arith.index_cast %parallel_loop3A_152 : i32 to index
      %parallel_loop3A_154 = arith.index_cast %parallel_loop3A_93 : i32 to index
      %parallel_loop3A_155 = arith.constant 32 : index
      %parallel_loop3A_156 = tpu.vector_load %arg5[%parallel_loop3A_153, %parallel_loop3A_154, %parallel_loop3A_155] {strides = array<i32>} : memref<4x64x256xf32, #tpu.memory_space<vmem>>, vector<1x1x16xf32>,
      %parallel_loop3A_157 = vector.shape_cast %parallel_loop3A_156 : vector<1x1x16xf32> to vector<16xf32>
      %parallel_loop3A_158 = vector.shape_cast %parallel_loop3A_151 : vector<16xf32> to vector<1x1x16xf32>
      tpu.vector_store %arg5[%parallel_loop3A_153, %parallel_loop3A_154, %parallel_loop3A_155], %parallel_loop3A_158 {strides = array<i32>} : memref<4x64x256xf32, #tpu.memory_space<vmem>>, vector<1x1x16xf32>,
      %parallel_loop3A_159 = arith.constant 3 : i32
      %parallel_loop3A_160 = arith.index_cast %parallel_loop3A_159 : i32 to index
      %parallel_loop3A_161 = arith.index_cast %parallel_loop3A_93 : i32 to index
      %parallel_loop3A_162 = arith.constant 160 : index
      %parallel_loop3A_163 = tpu.vector_load %arg5[%parallel_loop3A_160, %parallel_loop3A_161, %parallel_loop3A_162] {strides = array<i32>} : memref<4x64x256xf32, #tpu.memory_space<vmem>>, vector<1x1x16xf32>,
      %parallel_loop3A_164 = vector.shape_cast %parallel_loop3A_163 : vector<1x1x16xf32> to vector<16xf32>
      %parallel_loop3A_165 = vector.shape_cast %parallel_loop3A_147 : vector<16xf32> to vector<1x1x16xf32>
      tpu.vector_store %arg5[%parallel_loop3A_160, %parallel_loop3A_161, %parallel_loop3A_162], %parallel_loop3A_165 {strides = array<i32>} : memref<4x64x256xf32, #tpu.memory_space<vmem>>, vector<1x1x16xf32>,
      %parallel_loop3A_166 = arith.constant 3 : i32
      %parallel_loop3A_167 = arith.index_cast %parallel_loop3A_166 : i32 to index
      %parallel_loop3A_168 = arith.index_cast %parallel_loop3A_93 : i32 to index
      %parallel_loop3A_169 = arith.constant 48 : index
      %parallel_loop3A_170 = tpu.vector_load %arg4[%parallel_loop3A_167, %parallel_loop3A_168, %parallel_loop3A_169] {strides = array<i32>} : memref<4x64x128xf32, #tpu.memory_space<vmem>>, vector<1x1x16xf32>,
      %parallel_loop3A_171 = vector.shape_cast %parallel_loop3A_170 : vector<1x1x16xf32> to vector<16xf32>
      %parallel_loop3A_172 = arith.subf %parallel_loop3A_89#3, %parallel_loop3A_171 : vector<16xf32>
      %parallel_loop3A_173 = arith.constant 0.0158730168 : f32
      %parallel_loop3A_174 = vector.broadcast %parallel_loop3A_173 : f32 to vector<16xf32>
      %parallel_loop3A_175 = arith.mulf %parallel_loop3A_172, %parallel_loop3A_174 : vector<16xf32>
      %parallel_loop3A_176 = arith.constant 3 : i32
      %parallel_loop3A_177 = arith.index_cast %parallel_loop3A_176 : i32 to index
      %parallel_loop3A_178 = arith.index_cast %parallel_loop3A_93 : i32 to index
      %parallel_loop3A_179 = arith.constant 48 : index
      %parallel_loop3A_180 = tpu.vector_load %arg5[%parallel_loop3A_177, %parallel_loop3A_178, %parallel_loop3A_179] {strides = array<i32>} : memref<4x64x256xf32, #tpu.memory_space<vmem>>, vector<1x1x16xf32>,
      %parallel_loop3A_181 = vector.shape_cast %parallel_loop3A_180 : vector<1x1x16xf32> to vector<16xf32>
      %parallel_loop3A_182 = vector.shape_cast %parallel_loop3A_175 : vector<16xf32> to vector<1x1x16xf32>
      tpu.vector_store %arg5[%parallel_loop3A_177, %parallel_loop3A_178, %parallel_loop3A_179], %parallel_loop3A_182 {strides = array<i32>} : memref<4x64x256xf32, #tpu.memory_space<vmem>>, vector<1x1x16xf32>,
      %parallel_loop3A_183 = arith.constant 3 : i32
      %parallel_loop3A_184 = arith.index_cast %parallel_loop3A_183 : i32 to index
      %parallel_loop3A_185 = arith.index_cast %parallel_loop3A_93 : i32 to index
      %parallel_loop3A_186 = arith.constant 176 : index
      %parallel_loop3A_187 = tpu.vector_load %arg5[%parallel_loop3A_184, %parallel_loop3A_185, %parallel_loop3A_186] {strides = array<i32>} : memref<4x64x256xf32, #tpu.memory_space<vmem>>, vector<1x1x16xf32>,
      %parallel_loop3A_188 = vector.shape_cast %parallel_loop3A_187 : vector<1x1x16xf32> to vector<16xf32>
      %parallel_loop3A_189 = vector.shape_cast %parallel_loop3A_171 : vector<16xf32> to vector<1x1x16xf32>
      tpu.vector_store %arg5[%parallel_loop3A_184, %parallel_loop3A_185, %parallel_loop3A_186], %parallel_loop3A_189 {strides = array<i32>} : memref<4x64x256xf32, #tpu.memory_space<vmem>>, vector<1x1x16xf32>,
      %parallel_loop3A_190 = arith.constant 3 : i32
      %parallel_loop3A_191 = arith.index_cast %parallel_loop3A_190 : i32 to index
      %parallel_loop3A_192 = arith.index_cast %parallel_loop3A_93 : i32 to index
      %parallel_loop3A_193 = arith.constant 64 : index
      %parallel_loop3A_194 = tpu.vector_load %arg4[%parallel_loop3A_191, %parallel_loop3A_192, %parallel_loop3A_193] {strides = array<i32>} : memref<4x64x128xf32, #tpu.memory_space<vmem>>, vector<1x1x16xf32>,
      %parallel_loop3A_195 = vector.shape_cast %parallel_loop3A_194 : vector<1x1x16xf32> to vector<16xf32>
      %parallel_loop3A_196 = arith.subf %parallel_loop3A_89#4, %parallel_loop3A_195 : vector<16xf32>
      %parallel_loop3A_197 = arith.constant 0.0158730168 : f32
      %parallel_loop3A_198 = vector.broadcast %parallel_loop3A_197 : f32 to vector<16xf32>
      %parallel_loop3A_199 = arith.mulf %parallel_loop3A_196, %parallel_loop3A_198 : vector<16xf32>
      %parallel_loop3A_200 = arith.constant 3 : i32
      %parallel_loop3A_201 = arith.index_cast %parallel_loop3A_200 : i32 to index
      %parallel_loop3A_202 = arith.index_cast %parallel_loop3A_93 : i32 to index
      %parallel_loop3A_203 = arith.constant 64 : index
      %parallel_loop3A_204 = tpu.vector_load %arg5[%parallel_loop3A_201, %parallel_loop3A_202, %parallel_loop3A_203] {strides = array<i32>} : memref<4x64x256xf32, #tpu.memory_space<vmem>>, vector<1x1x16xf32>,
      %parallel_loop3A_205 = vector.shape_cast %parallel_loop3A_204 : vector<1x1x16xf32> to vector<16xf32>
      %parallel_loop3A_206 = vector.shape_cast %parallel_loop3A_199 : vector<16xf32> to vector<1x1x16xf32>
      tpu.vector_store %arg5[%parallel_loop3A_201, %parallel_loop3A_202, %parallel_loop3A_203], %parallel_loop3A_206 {strides = array<i32>} : memref<4x64x256xf32, #tpu.memory_space<vmem>>, vector<1x1x16xf32>,
      %parallel_loop3A_207 = arith.constant 3 : i32
      %parallel_loop3A_208 = arith.index_cast %parallel_loop3A_207 : i32 to index
      %parallel_loop3A_209 = arith.index_cast %parallel_loop3A_93 : i32 to index
      %parallel_loop3A_210 = arith.constant 192 : index
      %parallel_loop3A_211 = tpu.vector_load %arg5[%parallel_loop3A_208, %parallel_loop3A_209, %parallel_loop3A_210] {strides = array<i32>} : memref<4x64x256xf32, #tpu.memory_space<vmem>>, vector<1x1x16xf32>,
      %parallel_loop3A_212 = vector.shape_cast %parallel_loop3A_211 : vector<1x1x16xf32> to vector<16xf32>
      %parallel_loop3A_213 = vector.shape_cast %parallel_loop3A_195 : vector<16xf32> to vector<1x1x16xf32>
      tpu.vector_store %arg5[%parallel_loop3A_208, %parallel_loop3A_209, %parallel_loop3A_210], %parallel_loop3A_213 {strides = array<i32>} : memref<4x64x256xf32, #tpu.memory_space<vmem>>, vector<1x1x16xf32>,
      %parallel_loop3A_214 = arith.constant 3 : i32
      %parallel_loop3A_215 = arith.index_cast %parallel_loop3A_214 : i32 to index
      %parallel_loop3A_216 = arith.index_cast %parallel_loop3A_93 : i32 to index
      %parallel_loop3A_217 = arith.constant 80 : index
      %parallel_loop3A_218 = tpu.vector_load %arg4[%parallel_loop3A_215, %parallel_loop3A_216, %parallel_loop3A_217] {strides = array<i32>} : memref<4x64x128xf32, #tpu.memory_space<vmem>>, vector<1x1x16xf32>,
      %parallel_loop3A_219 = vector.shape_cast %parallel_loop3A_218 : vector<1x1x16xf32> to vector<16xf32>
      %parallel_loop3A_220 = arith.subf %parallel_loop3A_89#5, %parallel_loop3A_219 : vector<16xf32>
      %parallel_loop3A_221 = arith.constant 0.0158730168 : f32
      %parallel_loop3A_222 = vector.broadcast %parallel_loop3A_221 : f32 to vector<16xf32>
      %parallel_loop3A_223 = arith.mulf %parallel_loop3A_220, %parallel_loop3A_222 : vector<16xf32>
      %parallel_loop3A_224 = arith.constant 3 : i32
      %parallel_loop3A_225 = arith.index_cast %parallel_loop3A_224 : i32 to index
      %parallel_loop3A_226 = arith.index_cast %parallel_loop3A_93 : i32 to index
      %parallel_loop3A_227 = arith.constant 80 : index
      %parallel_loop3A_228 = tpu.vector_load %arg5[%parallel_loop3A_225, %parallel_loop3A_226, %parallel_loop3A_227] {strides = array<i32>} : memref<4x64x256xf32, #tpu.memory_space<vmem>>, vector<1x1x16xf32>,
      %parallel_loop3A_229 = vector.shape_cast %parallel_loop3A_228 : vector<1x1x16xf32> to vector<16xf32>
      %parallel_loop3A_230 = vector.shape_cast %parallel_loop3A_223 : vector<16xf32> to vector<1x1x16xf32>
      tpu.vector_store %arg5[%parallel_loop3A_225, %parallel_loop3A_226, %parallel_loop3A_227], %parallel_loop3A_230 {strides = array<i32>} : memref<4x64x256xf32, #tpu.memory_space<vmem>>, vector<1x1x16xf32>,
      %parallel_loop3A_231 = arith.constant 3 : i32
      %parallel_loop3A_232 = arith.index_cast %parallel_loop3A_231 : i32 to index
      %parallel_loop3A_233 = arith.index_cast %parallel_loop3A_93 : i32 to index
      %parallel_loop3A_234 = arith.constant 208 : index
      %parallel_loop3A_235 = tpu.vector_load %arg5[%parallel_loop3A_232, %parallel_loop3A_233, %parallel_loop3A_234] {strides = array<i32>} : memref<4x64x256xf32, #tpu.memory_space<vmem>>, vector<1x1x16xf32>,
      %parallel_loop3A_236 = vector.shape_cast %parallel_loop3A_235 : vector<1x1x16xf32> to vector<16xf32>
      %parallel_loop3A_237 = vector.shape_cast %parallel_loop3A_219 : vector<16xf32> to vector<1x1x16xf32>
      tpu.vector_store %arg5[%parallel_loop3A_232, %parallel_loop3A_233, %parallel_loop3A_234], %parallel_loop3A_237 {strides = array<i32>} : memref<4x64x256xf32, #tpu.memory_space<vmem>>, vector<1x1x16xf32>,
      %parallel_loop3A_238 = arith.constant 3 : i32
      %parallel_loop3A_239 = arith.index_cast %parallel_loop3A_238 : i32 to index
      %parallel_loop3A_240 = arith.index_cast %parallel_loop3A_93 : i32 to index
      %parallel_loop3A_241 = arith.constant 96 : index
      %parallel_loop3A_242 = tpu.vector_load %arg4[%parallel_loop3A_239, %parallel_loop3A_240, %parallel_loop3A_241] {strides = array<i32>} : memref<4x64x128xf32, #tpu.memory_space<vmem>>, vector<1x1x16xf32>,
      %parallel_loop3A_243 = vector.shape_cast %parallel_loop3A_242 : vector<1x1x16xf32> to vector<16xf32>
      %parallel_loop3A_244 = arith.subf %parallel_loop3A_89#6, %parallel_loop3A_243 : vector<16xf32>
      %parallel_loop3A_245 = arith.constant 0.0158730168 : f32
      %parallel_loop3A_246 = vector.broadcast %parallel_loop3A_245 : f32 to vector<16xf32>
      %parallel_loop3A_247 = arith.mulf %parallel_loop3A_244, %parallel_loop3A_246 : vector<16xf32>
      %parallel_loop3A_248 = arith.constant 3 : i32
      %parallel_loop3A_249 = arith.index_cast %parallel_loop3A_248 : i32 to index
      %parallel_loop3A_250 = arith.index_cast %parallel_loop3A_93 : i32 to index
      %parallel_loop3A_251 = arith.constant 96 : index
      %parallel_loop3A_252 = tpu.vector_load %arg5[%parallel_loop3A_249, %parallel_loop3A_250, %parallel_loop3A_251] {strides = array<i32>} : memref<4x64x256xf32, #tpu.memory_space<vmem>>, vector<1x1x16xf32>,
      %parallel_loop3A_253 = vector.shape_cast %parallel_loop3A_252 : vector<1x1x16xf32> to vector<16xf32>
      %parallel_loop3A_254 = vector.shape_cast %parallel_loop3A_247 : vector<16xf32> to vector<1x1x16xf32>
      tpu.vector_store %arg5[%parallel_loop3A_249, %parallel_loop3A_250, %parallel_loop3A_251], %parallel_loop3A_254 {strides = array<i32>} : memref<4x64x256xf32, #tpu.memory_space<vmem>>, vector<1x1x16xf32>,
      %parallel_loop3A_255 = arith.constant 3 : i32
      %parallel_loop3A_256 = arith.index_cast %parallel_loop3A_255 : i32 to index
      %parallel_loop3A_257 = arith.index_cast %parallel_loop3A_93 : i32 to index
      %parallel_loop3A_258 = arith.constant 224 : index
      %parallel_loop3A_259 = tpu.vector_load %arg5[%parallel_loop3A_256, %parallel_loop3A_257, %parallel_loop3A_258] {strides = array<i32>} : memref<4x64x256xf32, #tpu.memory_space<vmem>>, vector<1x1x16xf32>,
      %parallel_loop3A_260 = vector.shape_cast %parallel_loop3A_259 : vector<1x1x16xf32> to vector<16xf32>
      %parallel_loop3A_261 = vector.shape_cast %parallel_loop3A_243 : vector<16xf32> to vector<1x1x16xf32>
      tpu.vector_store %arg5[%parallel_loop3A_256, %parallel_loop3A_257, %parallel_loop3A_258], %parallel_loop3A_261 {strides = array<i32>} : memref<4x64x256xf32, #tpu.memory_space<vmem>>, vector<1x1x16xf32>,
      %parallel_loop3A_262 = arith.constant 3 : i32
      %parallel_loop3A_263 = arith.index_cast %parallel_loop3A_262 : i32 to index
      %parallel_loop3A_264 = arith.index_cast %parallel_loop3A_93 : i32 to index
      %parallel_loop3A_265 = arith.constant 112 : index
      %parallel_loop3A_266 = tpu.vector_load %arg4[%parallel_loop3A_263, %parallel_loop3A_264, %parallel_loop3A_265] {strides = array<i32>} : memref<4x64x128xf32, #tpu.memory_space<vmem>>, vector<1x1x16xf32>,
      %parallel_loop3A_267 = vector.shape_cast %parallel_loop3A_266 : vector<1x1x16xf32> to vector<16xf32>
      %parallel_loop3A_268 = arith.subf %parallel_loop3A_89#7, %parallel_loop3A_267 : vector<16xf32>
      %parallel_loop3A_269 = arith.constant 0.0158730168 : f32
      %parallel_loop3A_270 = vector.broadcast %parallel_loop3A_269 : f32 to vector<16xf32>
      %parallel_loop3A_271 = arith.mulf %parallel_loop3A_268, %parallel_loop3A_270 : vector<16xf32>
      %parallel_loop3A_272 = arith.constant 3 : i32
      %parallel_loop3A_273 = arith.index_cast %parallel_loop3A_272 : i32 to index
      %parallel_loop3A_274 = arith.index_cast %parallel_loop3A_93 : i32 to index
      %parallel_loop3A_275 = arith.constant 112 : index
      %parallel_loop3A_276 = tpu.vector_load %arg5[%parallel_loop3A_273, %parallel_loop3A_274, %parallel_loop3A_275] {strides = array<i32>} : memref<4x64x256xf32, #tpu.memory_space<vmem>>, vector<1x1x16xf32>,
      %parallel_loop3A_277 = vector.shape_cast %parallel_loop3A_276 : vector<1x1x16xf32> to vector<16xf32>
      %parallel_loop3A_278 = vector.shape_cast %parallel_loop3A_271 : vector<16xf32> to vector<1x1x16xf32>
      tpu.vector_store %arg5[%parallel_loop3A_273, %parallel_loop3A_274, %parallel_loop3A_275], %parallel_loop3A_278 {strides = array<i32>} : memref<4x64x256xf32, #tpu.memory_space<vmem>>, vector<1x1x16xf32>,
      %parallel_loop3A_279 = arith.constant 3 : i32
      %parallel_loop3A_280 = arith.index_cast %parallel_loop3A_279 : i32 to index
      %parallel_loop3A_281 = arith.index_cast %parallel_loop3A_93 : i32 to index
      %parallel_loop3A_282 = arith.constant 240 : index
      %parallel_loop3A_283 = tpu.vector_load %arg5[%parallel_loop3A_280, %parallel_loop3A_281, %parallel_loop3A_282] {strides = array<i32>} : memref<4x64x256xf32, #tpu.memory_space<vmem>>, vector<1x1x16xf32>,
      %parallel_loop3A_284 = vector.shape_cast %parallel_loop3A_283 : vector<1x1x16xf32> to vector<16xf32>
      %parallel_loop3A_285 = vector.shape_cast %parallel_loop3A_267 : vector<16xf32> to vector<1x1x16xf32>
      tpu.vector_store %arg5[%parallel_loop3A_280, %parallel_loop3A_281, %parallel_loop3A_282], %parallel_loop3A_285 {strides = array<i32>} : memref<4x64x256xf32, #tpu.memory_space<vmem>>, vector<1x1x16xf32>,
    } {sc.loop_unroll_factor = 4 : i64, sc.parallel_access}
    "tpu.region"() ({
      %run_scoped3A = tpu.sem_alloc : memref<!tpu.dma_semaphore, #tpu.memory_space<semaphore_mem>>
      %dma_start3A = arith.constant 0 : i32
      %dma_start3A_93 = arith.constant 0 : i32
      %dma_start3A_94 = tpu.memref_slice %arg3[%mul3A_2, %dma_start3A, %dma_start3A_93] : memref<128x64x256xf32, #tpu.memory_space<hbm>> -> memref<4x64x256xf32, #tpu.memory_space<hbm>>
      %dma_start3A_95 = arith.constant 0 : i32
      %dma_start3A_96 = arith.constant 0 : i32
      %dma_start3A_97 = tpu.memref_slice %arg3[%mul3A_2, %dma_start3A_95, %dma_start3A_96] : memref<128x64x256xf32, #tpu.memory_space<hbm>> -> memref<4x64x256xf32, #tpu.memory_space<hbm>>
      tpu.enqueue_dma source(%arg5 : memref<4x64x256xf32, #tpu.memory_space<vmem>>) target(%dma_start3A_97 : memref<4x64x256xf32, #tpu.memory_space<hbm>>) target_semaphore(%run_scoped3A : memref<!tpu.dma_semaphore, #tpu.memory_space<semaphore_mem>>)
      %dma_wait3A = arith.constant 0 : i32
      %dma_wait3A_98 = arith.constant 0 : i32
      %dma_wait3A_99 = tpu.memref_slice %arg3[%mul3A_2, %dma_wait3A, %dma_wait3A_98] : memref<128x64x256xf32, #tpu.memory_space<hbm>> -> memref<4x64x256xf32, #tpu.memory_space<hbm>>
      %dma_wait3A_100 = arith.constant 0 : i32
      %dma_wait3A_101 = arith.constant 0 : i32
      %dma_wait3A_102 = tpu.memref_slice %arg3[%mul3A_2, %dma_wait3A_100, %dma_wait3A_101] : memref<128x64x256xf32, #tpu.memory_space<hbm>> -> memref<4x64x256xf32, #tpu.memory_space<hbm>>
      tpu.wait_dma2 semaphore(%run_scoped3A : memref<!tpu.dma_semaphore, #tpu.memory_space<semaphore_mem>>) src(%arg5 : memref<4x64x256xf32, #tpu.memory_space<vmem>>) dst(%dma_wait3A_102 : memref<4x64x256xf32, #tpu.memory_space<hbm>>)
      tpu.yield
    }) : () -> ()
    return
  }
}

</mosaic_0001>

<sc_bundles>
// kernel: kernel.3.cloned.1.call-start
scs
__scs_entry_jumppad:
0x0: {  	(pc) =	sbr.rel $0x88, $3  }
0x1: {  	(tag) =	ssettag $0x0;
	lr =	simm.s32 $0x1  }
0x2: {  	[smem:$0x3FA0] =	sst lr;
	_ =	strace $0xD0000000  }
0x3: {  	_ = 	snop  }
0x4: {  	_ = 	snop  }
0x5: {  	_ = 	snop  }
0x6: {  	_ = 	snop  }
0x7: {  	_ = 	snop  }
__scs_overlays_trampoline_lowered:
0x8: {  	[smem:$0x3FAF] =	sst s0  }
0x9: {  	[smem:$0x3FB0] =	sst s1  }
0xa: {  	[smem:$0x3FB1] =	sst s2  }
0xb: {  	[smem:$0x3FB2] =	sst s3  }
0xc: {  	[smem:$0x3FB3] =	sst s4  }
0xd: {  	[smem:$0x3FB4] =	sst s5  }
0xe: {  	[smem:$0x3FB5] =	sst s6  }
0xf: {  	[smem:$0x3FB6] =	sst s7  }
0x10: {  	[smem:$0x3FB7] =	sst s8  }
0x11: {  	[smem:$0x3FB8] =	sst s9;
	s0 =	simm.s32 @!p0 $0x0  }
0x12: {  	s1 =	sld [smem:$0x3F9E];
	s0 =	simm.s32 @p0 $0x1  }
0x13: {  	[smem:$0x3FB9] =	sst s0;
	s0 =	simm.s32 @!p1 $0x0  }
0x14: {  	s2 =	sld [smem:$0x3F9D];
	s0 =	simm.s32 @p1 $0x1  }
0x15: {  	[smem:$0x3FBA] =	sst s0;
	s0 =	simm.s32 @!p2 $0x0  }
0x16: {  	s3 =	sld [smem:$0x3FDB];
	s0 =	simm.s32 @p2 $0x1  }
0x17: {  	s4 =	simm.s32 $0x1BF5;
	[smem:$0x3FBC] =	sst s0  }
0x18: {  	s0 =	sld [smem:$0x3F9F];
	_ =	swait.ge [sflag:s4], $0x0  }
0x19: {  	s7 =	sld [smem:$0x3FA0]  }
0x1a: {  	s8 =	sadd.s32 $0xFFFFE003, lr  }
0x1b: {  	s9 =	sadd.s32 $0xFFFFFEF7, lr;
	s5 =	simm.s32 $0xFFFFFFFF;
	p2 =	slt.u32 s8, $0xFFFFF086  }
0x1c: {  	p1 =	slt.u32 s9, $0xF7A;
	s5 =	simm.s32 @!p2 $0x0  }
0x1d: {  	s5 =	simm.s32 @p1 $0x1;
	p0 =	seq.s32 s7, s2  }
0x1e: {  	s7 =	smul.u32 @!p0 $0xF7A, s2;
	p2 =	seq.s32 @!p0 s5, $0x0  }
0x1f: {  	s9 =	smul.u32 $0xF7A, s1;
	s8 =	simm.s32 @!p0 $0x1BF5;
	p2 =	por !p2, p0  }
0x20: {  	[sflag:s8] =	ssyncset.s32 @!p0 $0xFFFFF086;
	s6 =	sadd.s32 @!p0 s3, s7;
	s7 =	simm.s32 @!p0 $0x108  }
0x21: {  	s3 =	sadd.s32 s3, s9;
	s6 =	sadd.s32 @!p0 $0x88, s6;
	s7 =	simm.s32 @p2 $0x1082  }
0x22: {  	[simem:s7], [sflag:s8] =	dma.local @!p0 [hbm:s6], $0xF7A  }
0x23: {  	s9 =	sor.u32 $0xD0000000, s2;
	s6 =	simm.s32 $0x108;
	_ =	swait.ge @!p0 [sflag:s8], $0x0  }
0x24: {  	s3 =	sadd.s32 $0x88, s3;
	s6 =	simm.s32 @!p1 $0x1082;
	[sflag:s4] =	ssyncset.s32 $0xFFFFF086  }
0x25: {  	[simem:s6], [sflag:s4] =	dma.local [hbm:s3], $0xF7A  }
0x26: {  	[smem:$0x3FA0] =	sst s1;
	(tag) =	ssettag s2;
	_ =	strace s9  }
0x27: {  	s1 =	sld [smem:$0x3FB0]  }
0x28: {  	s2 =	sld [smem:$0x3FB1]  }
0x29: {  	s4 =	sld [smem:$0x3FB3]  }
0x2a: {  	p0 =	seq.s32 s5, $0x0;
	s5 =	sld [smem:$0x3FB4]  }
0x2b: {  	s6 =	sld [smem:$0x3FB5]  }
0x2c: {  	s7 =	sld [smem:$0x3FB6]  }
0x2d: {  	s3 =	simm.s32 $0x108;
	s8 =	sld [smem:$0x3FB7]  }
0x2e: {  	s3 =	simm.s32 @!p0 $0x1082;
	s9 =	sld [smem:$0x3FB8]  }
0x2f: {  	lr =	sadd.s32 s0, s3;
	s0 =	sld [smem:$0x3FAF]  }
0x30: {  	s3 =	sld [smem:$0x3FB2]  }
0x31: {  	[smem:$0x3FBB] =	sst s10  }
0x32: {  	s10 =	sld [smem:$0x3FB9];
	_ =	sdelay $0x3  }
0x33: {  	p0 =	seq.s32 s10, $0x1;
	s10 =	sld [smem:$0x3FBB];
	_ =	sdelay $0x3  }
0x34: {  	[smem:$0x3FBB] =	sst s10  }
0x35: {  	s10 =	sld [smem:$0x3FBA];
	_ =	sdelay $0x3  }
0x36: {  	p1 =	seq.s32 s10, $0x1;
	s10 =	sld [smem:$0x3FBB];
	_ =	sdelay $0x3  }
0x37: {  	[smem:$0x3FBB] =	sst s10  }
0x38: {  	s10 =	sld [smem:$0x3FBC]  }
0x39: {  	_ = 	snop;
	(pc) =	sbr.ind lr, $3  }
0x3a: {  	_ = 	snop  }
0x3b: {  	_ = 	snop  }
0x3c: {  	p2 =	seq.s32 s10, $0x1;
	s10 =	sld [smem:$0x3FBB]  }
0x3d: {  	_ =	shalt  }
0x3e: {  	_ =	shalt  }
0x3f: {  	_ =	shalt  }
0x40: {  	_ =	shalt  }
0x41: {  	_ =	shalt  }
0x42: {  	_ =	shalt  }
0x43: {  	_ =	shalt  }
0x44: {  	_ =	shalt  }
0x45: {  	_ =	shalt  }
0x46: {  	_ =	shalt  }
0x47: {  	_ =	shalt  }
0x48: {  	_ =	shalt  }
0x49: {  	_ =	shalt  }
0x4a: {  	_ =	shalt  }
0x4b: {  	_ =	shalt  }
0x4c: {  	_ =	shalt  }
0x4d: {  	_ =	shalt  }
0x4e: {  	_ =	shalt  }
0x4f: {  	_ =	shalt  }
0x50: {  	_ =	shalt  }
0x51: {  	_ =	shalt  }
0x52: {  	_ =	shalt  }
0x53: {  	_ =	shalt  }
0x54: {  	_ =	shalt  }
0x55: {  	_ =	shalt  }
0x56: {  	_ =	shalt  }
0x57: {  	_ =	shalt  }
0x58: {  	_ =	shalt  }
0x59: {  	_ =	shalt  }
0x5a: {  	_ =	shalt  }
0x5b: {  	_ =	shalt  }
0x5c: {  	_ =	shalt  }
0x5d: {  	_ =	shalt  }
0x5e: {  	_ =	shalt  }
0x5f: {  	_ =	shalt  }
0x60: {  	_ =	shalt  }
0x61: {  	_ =	shalt  }
0x62: {  	_ =	shalt  }
0x63: {  	_ =	shalt  }
0x64: {  	_ =	shalt  }
0x65: {  	_ =	shalt  }
0x66: {  	_ =	shalt  }
0x67: {  	_ =	shalt  }
0x68: {  	_ =	shalt  }
0x69: {  	_ =	shalt  }
0x6a: {  	_ =	shalt  }
0x6b: {  	_ =	shalt  }
0x6c: {  	_ =	shalt  }
0x6d: {  	_ =	shalt  }
0x6e: {  	_ =	shalt  }
0x6f: {  	_ =	shalt  }
0x70: {  	_ =	shalt  }
0x71: {  	_ =	shalt  }
0x72: {  	_ =	shalt  }
0x73: {  	_ =	shalt  }
0x74: {  	_ =	shalt  }
0x75: {  	_ =	shalt  }
0x76: {  	_ =	shalt  }
0x77: {  	_ =	shalt  }
0x78: {  	_ =	shalt  }
0x79: {  	_ =	shalt  }
0x7a: {  	_ =	shalt  }
0x7b: {  	_ =	shalt  }
0x7c: {  	_ =	shalt  }
0x7d: {  	_ =	shalt  }
0x7e: {  	_ =	shalt  }
0x7f: {  	_ =	shalt  }
0x80: {  	_ =	shalt  }
0x81: {  	_ =	shalt  }
0x82: {  	_ =	shalt  }
0x83: {  	_ =	shalt  }
0x84: {  	_ =	shalt  }
0x85: {  	_ =	shalt  }
0x86: {  	_ =	shalt  }
0x87: {  	_ =	shalt  }
.Lfunc_end0:
.L_simem_size_0:
called_computation_lowered:
.L_overlay_start_0:
0x88: {  	s2 =	sld [smem:$0x3FD9]  }
0x89: {  	s3 =	sld [smem:$0x3FFE];
	_ =	sdelay $0x1  }
0x8a: {  	s1 =	srdreg.scid  }
0x8b: {  	s0 =	sand.u32 $0x1, s1  }
0x8c: {  	s18 =	sshll.u32 s0, $0xA;
	s2 =	sadd.s32 s3, s2  }
0x8d: {  	s2 =	sadd.s32 s2, s18  }
0x8e: {  	[smem:$0x3FC7] =	sst s2  }
0x8f: {  	_ = 	snop  }
0x90: {  	s2 =	sld [smem:$0x3FC9]  }
0x91: {  	s19 =	sld [smem:$0x3FD0];
	(tm) =	ssettm $0x1  }
0x92: {  	s4 =	sld [smem:$0x3FFB];
	_ =	sdelay $0x3  }
0x93: {  	_ =	strace s4  }
0x94: {  	s4 =	sld [smem:$0x3FFC];
	_ =	sdelay $0x3  }
0x95: {  	_ =	strace s4  }
0x96: {  	s4 =	sld [smem:$0x3FFD];
	_ =	sdelay $0x3  }
0x97: {  	_ =	strace s4  }
0x98: {  	_ =	strace $0x8FFFFFFF  }
0x99: {  	s20 =	sld [smem:$0x3FDB];
	_ =	sdelay $0x1  }
0x9a: {  	s5 =	simm.s32 $_scs_section_size  }
0x9b: {  	s6 =	simm.s32 $_size__tile_overlayer_lowered;
	s7 =	simm.s32 $_tile_overlayer_lowered  }
0x9c: {  	s23 =	simm.s32 $0x1BFF;
	s22 =	sshll.u32 s7, $0x1;
	s4 =	sadd.s32 s5, s20  }
0x9d: {  	s8 =	simm.s32 $0x0;
	s21 =	sshll.u32 s6, $0x1;
	s6 =	sadd.s32 s22, s4  }
0x9e: {  	[timem:s8], [sflag:s23] =	dma.local [hbm:s6], s21  }
0x9f: {  	_ =	swait.ge [sflag:s23], s21  }
0xa0: {  	s5 =	ssub.s32 $0x0, s21;
	[sflag:s23] =	ssyncset.done $0x0  }
0xa1: {  	[sflag:s23] =	ssyncadd.s32 s5;
	_ =	sdelay $0x1  }
0xa2: {  	s24 =	simm.s32 $0x1B8B  }
0xa3: {  	_ =	swait.ge [sflag:s24], $0x1  }
0xa4: {  	[sflag:s24] =	ssyncset.done $0x0  }
0xa5: {  	s25 =	simm.s32 $0x1B8E;
	[sflag:s24] =	ssyncadd.s32 $0xFFFFFFFF  }
0xa6: {  	s26 =	simm.s32 $execute0_lowered;
	[smem:$0x3FD2] =	sst s25  }
0xa7: {  	s5 =	sshll.u32 s26, $0x1;
	_ =	strace $0x80000046;
	[dreg:$0x1] =	wrdreg $0xFFFFFFFF  }
0xa8: {  	s28 =	simm.s32 $_size_execute0_lowered;
	s4 =	sadd.s32 s4, s5;
	[dreg:$0x0] =	wrdreg $0x0  }
0xa9: {  	s5 =	sshll.u32 s28, $0x1;
	[dreg:$0x2] =	wrdreg s4  }
0xaa: {  	[dreg:$0x3] =	wrdreg s5  }
0xab: {  	[dreg:$0x4] =	wrdreg $0xC0  }
0xac: {  	_ =	task [dreg:s8], $0x5FFFF  }
0xad: {  	[dreg:$0x1] =	wrdreg $0xFFFFFFFF  }
0xae: {  	[dreg:$0x0] =	wrdreg $0x60  }
0xaf: {  	[dreg:$0x2] =	wrdreg s2  }
0xb0: {  	[dreg:$0x3] =	wrdreg s19  }
0xb1: {  	[dreg:$0x4] =	wrdreg $0x9  }
0xb2: {  	_ =	task.clear_ibuf [dreg:s8], $0x5FFFF;
	_ =	strace $0x90000046  }
0xb3: {  	s29 =	simm.s32 $0x9;
	_ =	strace $0x80000048  }
0xb4: {  	_ =	swait.ge [sflag:s29], $0x1  }
0xb5: {  	[sflag:s29] =	ssyncadd.s32 $0xFFFFFFFF  }
0xb6: {  	_ =	strace $0x90000048  }
0xb7: {  	_ =	sfence  }
0xb8: {  	s30 =	sld [smem:$0x0];
	_ =	sdelay $0x2  }
0xb9: {  	s31 =	sshll.u32 s1, $0xD;
	s1 =	sshrl.u32 s1, $0x2  }
0xba: {  	s3 =	sand.u32 $0x4000, s31;
	s1 =	sadd.s32 s1, s30  }
0xbb: {  	s0 =	sor.u32 s3, s0;
	s1 =	sshll.u32 s1, $0x11  }
0xbc: {  	s0 =	sor.u32 s1, s0  }
0xbd: {  	s0 =	sadd.s32 $0x8F2B, s0  }
0xbe: {  	[sflag:s0] =	ssyncadd.remote.s32 $0x1  }
0xbf: {  	_ =	sfence.sel $0xFFFF  }
0xc0: {  	[dreg:$0x0] =	wrdreg $0xFFFFFFFF;
	(pc) =	sbr.abs _section_cstart, $3  }
0xc1: {  	[dreg:$0x1] =	wrdreg $0xFFFFFFFF  }
0xc2: {  	_ =	task.clear_ibuf [dreg:s8], $0x2FFFF;
	_ =	strace $0x9FFFFFFF  }
0xc3: {  	(tm) =	ssettm $0x7FFFFFFF  }
tec
execute0_lowered:
.L_overlay_start_1:
0x0: {  	(tag) =	ssettag $0x1  }
0x1: {  	s0 =	rddreg [dreg:$0x0];
	s2 =	srdreg.scid  }
0x2: {  	s6 =	simm.s32 $0x0;
	s4 =	stileid.u32;
	s2 =	sand.u32 $0x1, s2  }
0x3: {  	s4 =	sshll.u32 s4, $0x3;
	s3 =	ssub.s32 $0x2, s2;
	s2 =	sshll.u32 s2, $0x2  }
0x4: {  	[smem:$0x7FF] =	sst s6;
	s2 =	sor.u32 s2, s4  }
0x5: {  	s1 =	rddreg [dreg:$0x1];
	_ =	strace $0x80000047;
	s4 =	sshll.u32 s2, $0xA  }
0x6: {  	s5 =	sshrl.u32 s3, $0x1;
	s2 =	sshll.u32 s2, $0xB;
	s0 =	sadd.s32 s0, s4  }
0x7: {  	s3 =	ssub.s32 s3, s5;
	s30 =	sadd.s32 s1, s2;
	[dreg:$0x14] =	wrdreg s0  }
0x8: {  	s31 =	smax.u32 s3, $0x1;
	[dreg:$0x15] =	wrdreg s30  }
0x9: {  	s1 =	simm.s32 $0x1;
	s2 =	simm.s32 $0x0;
	[dreg:$0x16] =	wrdreg s31  }
.LBB2_1:
0xa: {  	[dreg:$0x17] =	wrdreg s2  }
0xb: {  	s0 =	rddreg [dreg:$0x14]  }
0xc: {  	[tilespmem:s6], [sflag:$0x1] =	stream.linear.gather [hbm4b:s0+s6], $0x8000, $0x38;
	[tilespmem:$0x18000] =	vst v63  }
0xd: {  	_ =	swait.ge [sflag:s1], $0x8000  }
0xe: {  	[sflag:s1] =	ssyncset.done $0x0  }
0xf: {  	s31 =	simm.s32 $0x0;
	[sflag:s1] =	ssyncadd.s32 $0xFFFF8000  }
0x10: {  	v0 =	vld [tilespmem:s31+$0x70]  }
0x11: {  	v1 =	vld [tilespmem:s31+$0x0]  }
0x12: {  	v3 =	vld [tilespmem:s31+$0x10]  }
0x13: {  	v15 =	vld [tilespmem:s31+$0x20]  }
0x14: {  	v14 =	vld [tilespmem:s31+$0x30]  }
0x15: {  	v2 =	vimm.f32 $0.0e+00;
	v12 =	vimm.f32 $0.0e+00;
	v4 =	vld [tilespmem:s31+$0x40]  }
0x16: {  	v5 =	vimm.f32 $0.0e+00;
	v6 =	vimm.f32 $0.0e+00;
	v10 =	vld [tilespmem:s31+$0x50];
	v7 =	vadd.f32 v0, v2  }
0x17: {  	s0 =	simm.s32 $0x80;
	s1 =	simm.s32 $0x400;
	v9 =	vld [tilespmem:s31+$0x60];
	v0 =	vadd.f32 v1, v2;
	v1 =	vadd.f32 v3, v2;
	v3 =	vimm.f32 $0.0e+00  }
.LBB2_2:
0x18: {  	p0 =	sne.s32 s1, $0x7E00;
	v8 =	vld [tilespmem:s0+$0x70];
	v2 =	vadd.f32 v15, v2  }
0x19: {  	v11 =	vld [tilespmem:s0+$0x0];
	v3 =	vadd.f32 v14, v3  }
0x1a: {  	v13 =	vld [tilespmem:s0+$0x10];
	v12 =	vadd.f32 v4, v12  }
.Ltmp0:
0x1b: {  	v15 =	vld [tilespmem:s0+$0x20];
	v5 =	vadd.f32 v10, v5;
	(pc) =	sbr.rel @p0 .LBB2_2-.Ltmp0, $4  }
0x1c: {  	v14 =	vld [tilespmem:s0+$0x30];
	v6 =	vadd.f32 v9, v6  }
0x1d: {  	v4 =	vld [tilespmem:s0+$0x40];
	v7 =	vadd.f32 v8, v7  }
0x1e: {  	v0 =	vadd.f32 v11, v0;
	v10 =	vld [tilespmem:s0+$0x50]  }
0x1f: {  	v1 =	vadd.f32 v13, v1;
	v9 =	vld [tilespmem:s0+$0x60];
	s0 =	sshra.s32 s1, $0x2;
	s1 =	sadd.s32 $0x200, s1  }
0x20: {  	v11 =	vld [tilespmem:s0+$0x0]  }
0x21: {  	s5 =	simm.s32 $0x100  }
0x22: {  	v16 =	vld [tilespmem:s5+$0x80]  }
0x23: {  	v8 =	vld [tilespmem:s0+$0x70]  }
0x24: {  	v17 =	vld [tilespmem:s0+$0x10]  }
0x25: {  	v18 =	vld [tilespmem:s0+$0x20];
	v0 =	vadd.f32 v11, v0  }
0x26: {  	v19 =	vld [tilespmem:s0+$0x30];
	s2 =	simm.s32 $0x0  }
0x27: {  	v20 =	vld [tilespmem:s0+$0x40];
	s1 =	sand.u32 $0x7, s2;
	v11 =	vsub.f32 v0, v16  }
0x28: {  	v13 =	vld [tilespmem:s0+$0x50];
	s4 =	simm.s32 $0x180;
	s3 =	sand.u32 $0x3800, s2;
	s1 =	sshll.u32 s1, $0x7  }
0x29: {  	v21 =	vld [tilespmem:s5+$0xFFFFFF00];
	s24 =	sand.u32 $0x380, s4;
	s3 =	sor.u32 $0x8000, s3;
	s6 =	sadd.s32 $0x0, s1;
	v22 =	vmul.f32 $1.587301680e-02, v11  }
0x2a: {  	s1 =	sadd.s32 $0x180, s6;
	v11 =	vld [tilespmem:s0+$0x60];
	s0 =	sor.u32 s24, s3  }
0x2b: {  	s25 =	sor.u32 $0x400, s1;
	[tilespmem:s0+$0x0] =	vst v22  }
0x2c: {  	[tilespmem:s25+$0x8000] =	vst v16  }
0x2d: {  	v16 =	vld [tilespmem:s5+$0x90]  }
0x2e: {  	p0 =	por $0x0, $0x0;
	s4 =	simm.s32 $0x1;
	v59 =	vsub.f32 v0, v21  }
0x2f: {  	v23 =	vld [tilespmem:s5+$0xFFFFFF80];
	s4 =	simm.s32 @!p0 $0x0  }
0x30: {  	s7 =	sand.u32 $0x200, s2;
	s4 =	sshll.u32 s4, $0x9;
	v1 =	vadd.f32 v17, v1;
	v17 =	vmul.f32 $1.587301680e-02, v59  }
0x31: {  	s22 =	sor.u32 s7, s3;
	s21 =	sadd.s32 $0x0, s4  }
0x32: {  	v60 =	vld [tilespmem:s5+$0x0];
	s4 =	sor.u32 $0x400, s21;
	[tilespmem:s22+$0x0] =	vst v17;
	v17 =	vsub.f32 v1, v16  }
0x33: {  	[tilespmem:s4+$0x8000] =	vst v21  }
0x34: {  	v61 =	vsub.f32 v0, v23;
	v24 =	vld [tilespmem:s5+$0xFFFFFF10];
	v17 =	vmul.f32 $1.587301680e-02, v17  }
0x35: {  	s26 =	simm.s32 $0x80  }
0x36: {  	s30 =	sor.u32 $0x410, s1;
	s4 =	sand.u32 $0x280, s26;
	[tilespmem:s0+$0x10] =	vst v17;
	v17 =	vmul.f32 $1.587301680e-02, v61  }
0x37: {  	s2 =	sand.u32 $0x3, s2;
	s23 =	sadd.s32 $0x80, s6;
	s28 =	sor.u32 s4, s3;
	[tilespmem:s30+$0x8000] =	vst v16;
	v16 =	vsub.f32 v0, v60  }
0x38: {  	s31 =	simm.s32 $0x100;
	s2 =	sshll.u32 s2, $0x8;
	s6 =	sor.u32 $0x400, s23;
	[tilespmem:s28+$0x0] =	vst v17;
	v17 =	vld [tilespmem:s5+$0xA0]  }
0x39: {  	v2 =	vadd.f32 v15, v2;
	s2 =	sadd.s32 $0x0, s2;
	s4 =	sand.u32 $0x300, s31;
	v15 =	vmul.f32 $1.587301680e-02, v16;
	[tilespmem:s6+$0x8000] =	vst v23;
	v16 =	vsub.f32 v1, v24  }
0x3a: {  	s24 =	sadd.s32 $0x100, s2;
	s25 =	sor.u32 s4, s3;
	v62 =	vld [tilespmem:s5+$0xFFFFFF90]  }
0x3b: {  	v2 =	vadd.f32 v18, v2;
	s2 =	sor.u32 $0x400, s24;
	[tilespmem:s25+$0x0] =	vst v15;
	v15 =	vmul.f32 $1.587301680e-02, v16  }
0x3c: {  	[tilespmem:s2+$0x8000] =	vst v60  }
0x3d: {  	s7 =	sor.u32 $0x410, s21;
	v16 =	vld [tilespmem:s5+$0x10];
	[tilespmem:s22+$0x10] =	vst v15;
	v15 =	vsub.f32 v2, v17  }
0x3e: {  	[tilespmem:s7+$0x8000] =	vst v24  }
0x3f: {  	v18 =	vsub.f32 v1, v62;
	v63 =	vld [tilespmem:s5+$0xFFFFFF20];
	v15 =	vmul.f32 $1.587301680e-02, v15;
	_ =	sdelay $0x1  }
0x40: {  	s8 =	sor.u32 $0x420, s1;
	[tilespmem:s0+$0x20] =	vst v15;
	v15 =	vmul.f32 $1.587301680e-02, v18  }
0x41: {  	[tilespmem:s8+$0x8000] =	vst v17;
	v17 =	vsub.f32 v1, v16  }
0x42: {  	s9 =	sor.u32 $0x410, s23;
	[tilespmem:s28+$0x10] =	vst v15;
	v15 =	vld [tilespmem:s5+$0xB0]  }
0x43: {  	v3 =	vadd.f32 v14, v3;
	[tilespmem:s9+$0x8000] =	vst v62;
	v14 =	vmul.f32 $1.587301680e-02, v17;
	v17 =	vsub.f32 v2, v63  }
0x44: {  	v18 =	vld [tilespmem:s5+$0xFFFFFFA0]  }
0x45: {  	v3 =	vadd.f32 v19, v3;
	s10 =	sor.u32 $0x410, s24;
	[tilespmem:s25+$0x10] =	vst v14;
	v14 =	vmul.f32 $1.587301680e-02, v17  }
0x46: {  	[tilespmem:s10+$0x8000] =	vst v16  }
0x47: {  	s11 =	sor.u32 $0x420, s21;
	v16 =	vld [tilespmem:s5+$0x20];
	[tilespmem:s22+$0x20] =	vst v14;
	v14 =	vsub.f32 v3, v15  }
0x48: {  	[tilespmem:s11+$0x8000] =	vst v63  }
0x49: {  	v17 =	vsub.f32 v2, v18;
	v19 =	vld [tilespmem:s5+$0xFFFFFF30];
	v14 =	vmul.f32 $1.587301680e-02, v14;
	_ =	sdelay $0x1  }
0x4a: {  	s12 =	sor.u32 $0x430, s1;
	v17 =	vmul.f32 $1.587301680e-02, v17;
	[tilespmem:s0+$0x30] =	vst v14  }
0x4b: {  	v14 =	vsub.f32 v2, v16;
	[tilespmem:s12+$0x8000] =	vst v15  }
0x4c: {  	s13 =	sor.u32 $0x420, s23;
	[tilespmem:s28+$0x20] =	vst v17;
	v15 =	vld [tilespmem:s5+$0xC0]  }
0x4d: {  	v4 =	vadd.f32 v4, v12;
	[tilespmem:s13+$0x8000] =	vst v18;
	v12 =	vmul.f32 $1.587301680e-02, v14;
	v14 =	vsub.f32 v3, v19  }
0x4e: {  	v17 =	vld [tilespmem:s5+$0xFFFFFFB0]  }
0x4f: {  	v4 =	vadd.f32 v20, v4;
	s14 =	sor.u32 $0x420, s24;
	[tilespmem:s25+$0x20] =	vst v12;
	v12 =	vmul.f32 $1.587301680e-02, v14  }
0x50: {  	[tilespmem:s14+$0x8000] =	vst v16  }
0x51: {  	s15 =	sor.u32 $0x430, s21;
	v14 =	vld [tilespmem:s5+$0x30];
	[tilespmem:s22+$0x30] =	vst v12;
	v12 =	vsub.f32 v4, v15  }
0x52: {  	[tilespmem:s15+$0x8000] =	vst v19  }
0x53: {  	v16 =	vsub.f32 v3, v17;
	v18 =	vld [tilespmem:s5+$0xFFFFFF40];
	v12 =	vmul.f32 $1.587301680e-02, v12;
	_ =	sdelay $0x1  }
0x54: {  	s16 =	sor.u32 $0x440, s1;
	v16 =	vmul.f32 $1.587301680e-02, v16;
	[tilespmem:s0+$0x40] =	vst v12  }
0x55: {  	v12 =	vsub.f32 v3, v14;
	[tilespmem:s16+$0x8000] =	vst v15  }
0x56: {  	s17 =	sor.u32 $0x430, s23;
	[tilespmem:s28+$0x30] =	vst v16;
	v15 =	vld [tilespmem:s5+$0xD0]  }
0x57: {  	v5 =	vadd.f32 v10, v5;
	[tilespmem:s17+$0x8000] =	vst v17;
	v10 =	vmul.f32 $1.587301680e-02, v12;
	v12 =	vsub.f32 v4, v18  }
0x58: {  	v16 =	vld [tilespmem:s5+$0xFFFFFFC0]  }
0x59: {  	v5 =	vadd.f32 v13, v5;
	s18 =	sor.u32 $0x430, s24;
	[tilespmem:s25+$0x30] =	vst v10;
	v10 =	vmul.f32 $1.587301680e-02, v12  }
0x5a: {  	[tilespmem:s18+$0x8000] =	vst v14  }
0x5b: {  	s19 =	sor.u32 $0x440, s21;
	v12 =	vld [tilespmem:s5+$0x40];
	[tilespmem:s22+$0x40] =	vst v10;
	v10 =	vsub.f32 v5, v15  }
0x5c: {  	[tilespmem:s19+$0x8000] =	vst v18  }
0x5d: {  	v13 =	vsub.f32 v4, v16;
	v14 =	vld [tilespmem:s5+$0xFFFFFF50];
	v10 =	vmul.f32 $1.587301680e-02, v10  }
0x5e: {  	s9 =	simm.s32 $0x300  }
0x5f: {  	s20 =	sor.u32 $0x450, s1;
	v17 =	vld [tilespmem:s9+$0x80];
	v13 =	vmul.f32 $1.587301680e-02, v13;
	[tilespmem:s0+$0x50] =	vst v10  }
0x60: {  	v10 =	vsub.f32 v4, v12;
	[tilespmem:s20+$0x8000] =	vst v15  }
0x61: {  	s26 =	sor.u32 $0x440, s23;
	[tilespmem:s28+$0x40] =	vst v13;
	v13 =	vld [tilespmem:s5+$0xE0]  }
0x62: {  	v6 =	vadd.f32 v9, v6;
	[tilespmem:s26+$0x8000] =	vst v16;
	v9 =	vmul.f32 $1.587301680e-02, v10;
	v10 =	vsub.f32 v5, v14  }
0x63: {  	s31 =	sor.u32 $0x450, s21;
	s14 =	simm.s32 $0x4;
	v15 =	vld [tilespmem:s5+$0xFFFFFFD0]  }
0x64: {  	v6 =	vadd.f32 v11, v6;
	s30 =	sor.u32 $0x440, s24;
	v11 =	vld [tilespmem:s9+$0xFFFFFF00];
	s6 =	sand.u32 $0x7, s14;
	s17 =	simm.s32 $0x400;
	[tilespmem:s25+$0x40] =	vst v9;
	v9 =	vmul.f32 $1.587301680e-02, v10;
	v10 =	vsub.f32 v0, v17  }
0x65: {  	s10 =	simm.s32 $0x380;
	s7 =	sshll.u32 s6, $0x7;
	s8 =	sand.u32 $0x3800, s17;
	[tilespmem:s30+$0x8000] =	vst v12  }
0x66: {  	s12 =	sand.u32 $0x380, s10;
	s11 =	sadd.s32 $0x400, s7;
	s4 =	sor.u32 $0x8000, s8;
	[tilespmem:s22+$0x50] =	vst v9;
	v9 =	vmul.f32 $1.587301680e-02, v10;
	v10 =	vsub.f32 v6, v13  }
0x67: {  	s16 =	sor.u32 s12, s4;
	s12 =	sadd.s32 $0x180, s11;
	v12 =	vld [tilespmem:s9+$0xFFFFFF80];
	[tilespmem:s31+$0x8000] =	vst v14  }
0x68: {  	s13 =	sor.u32 $0x400, s12;
	v14 =	vsub.f32 v5, v15;
	[tilespmem:s16+$0x0] =	vst v9;
	v9 =	vmul.f32 $1.587301680e-02, v10  }
0x69: {  	p0 =	por !p0, !p0;
	v16 =	vsub.f32 v0, v11;
	v10 =	vld [tilespmem:s9+$0x0];
	[tilespmem:s13+$0x8000] =	vst v17  }
0x6a: {  	s2 =	simm.s32 $0x1;
	s15 =	sor.u32 $0x460, s1;
	s18 =	simm.s32 $0x200;
	v14 =	vmul.f32 $1.587301680e-02, v14;
	v17 =	vld [tilespmem:s9+$0x90];
	[tilespmem:s0+$0x60] =	vst v9  }
0x6b: {  	s2 =	simm.s32 @!p0 $0x0;
	s20 =	sand.u32 $0x200, s18;
	v9 =	vmul.f32 $1.587301680e-02, v16;
	[tilespmem:s15+$0x8000] =	vst v13  }
0x6c: {  	s2 =	sshll.u32 s2, $0x9;
	s10 =	sor.u32 s20, s4;
	v13 =	vsub.f32 v0, v12;
	[tilespmem:s28+$0x50] =	vst v14  }
0x6d: {  	s2 =	sadd.s32 $0x400, s2;
	s8 =	simm.s32 $0x280;
	s19 =	sor.u32 $0x450, s23;
	v14 =	vld [tilespmem:s5+$0xF0];
	[tilespmem:s10+$0x0] =	vst v9  }
0x6e: {  	s3 =	sadd.s32 $0x80, s11;
	s26 =	sand.u32 $0x280, s8;
	s30 =	sor.u32 $0x400, s2;
	[tilespmem:s19+$0x8000] =	vst v15;
	v15 =	vsub.f32 v0, v10;
	v13 =	vmul.f32 $1.587301680e-02, v13  }
0x6f: {  	v7 =	vadd.f32 v8, v7;
	s8 =	simm.s32 $0x2;
	v8 =	vld [tilespmem:s5+$0x50];
	s31 =	simm.s32 $0x300;
	s13 =	sor.u32 s26, s4;
	[tilespmem:s30+$0x8000] =	vst v11;
	v9 =	vsub.f32 v1, v17  }
0x70: {  	s11 =	sor.u32 $0x400, s3;
	s7 =	sand.u32 $0x300, s31;
	s19 =	sand.u32 $0x3, s8;
	v11 =	vmul.f32 $1.587301680e-02, v15;
	v15 =	vld [tilespmem:s9+$0xFFFFFF10];
	[tilespmem:s13+$0x0] =	vst v13  }
0x71: {  	s15 =	sor.u32 s7, s4;
	s4 =	sshll.u32 s19, $0x8;
	[tilespmem:s11+$0x8000] =	vst v12;
	v9 =	vmul.f32 $1.587301680e-02, v9  }
0x72: {  	s4 =	sadd.s32 $0x400, s4;
	v12 =	vsub.f32 v7, v14;
	v13 =	vld [tilespmem:s9+$0xFFFFFF90];
	[tilespmem:s15+$0x0] =	vst v11  }
0x73: {  	s20 =	sor.u32 $0x410, s12;
	s4 =	sadd.s32 $0x100, s4;
	[tilespmem:s16+$0x10] =	vst v9  }
0x74: {  	v11 =	vsub.f32 v5, v8;
	s30 =	sor.u32 $0x400, s4;
	v9 =	vmul.f32 $1.587301680e-02, v12;
	[tilespmem:s20+$0x8000] =	vst v17  }
0x75: {  	[tilespmem:s30+$0x8000] =	vst v10;
	v12 =	vsub.f32 v1, v15;
	v16 =	vld [tilespmem:s9+$0xA0]  }
0x76: {  	s26 =	sor.u32 $0x470, s1;
	[tilespmem:s0+$0x70] =	vst v9;
	v9 =	vmul.f32 $1.587301680e-02, v11  }
0x77: {  	v11 =	vld [tilespmem:s5+$0xFFFFFF60];
	[tilespmem:s26+$0x8000] =	vst v14;
	v12 =	vmul.f32 $1.587301680e-02, v12;
	v14 =	vsub.f32 v1, v13  }
0x78: {  	v10 =	vld [tilespmem:s9+$0x10];
	[tilespmem:s25+$0x50] =	vst v9  }
0x79: {  	s31 =	sor.u32 $0x410, s2;
	[tilespmem:s10+$0x10] =	vst v12;
	v9 =	vmul.f32 $1.587301680e-02, v14  }
0x7a: {  	[tilespmem:s31+$0x8000] =	vst v15;
	v12 =	vsub.f32 v2, v16  }
0x7b: {  	s1 =	sor.u32 $0x410, s3;
	v14 =	vld [tilespmem:s9+$0xFFFFFF20];
	[tilespmem:s13+$0x10] =	vst v9  }
0x7c: {  	s6 =	sor.u32 $0x450, s24;
	v9 =	vsub.f32 v6, v11;
	[tilespmem:s1+$0x8000] =	vst v13;
	v12 =	vmul.f32 $1.587301680e-02, v12  }
0x7d: {  	[tilespmem:s6+$0x8000] =	vst v8;
	v15 =	vsub.f32 v1, v10;
	v13 =	vld [tilespmem:s9+$0xFFFFFFA0]  }
0x7e: {  	s7 =	sor.u32 $0x420, s12;
	v8 =	vmul.f32 $1.587301680e-02, v9;
	[tilespmem:s16+$0x20] =	vst v12  }
0x7f: {  	v9 =	vld [tilespmem:s5+$0xFFFFFFE0];
	v12 =	vmul.f32 $1.587301680e-02, v15;
	[tilespmem:s7+$0x8000] =	vst v16  }
0x80: {  	[tilespmem:s22+$0x60] =	vst v8;
	v15 =	vsub.f32 v2, v14;
	v16 =	vld [tilespmem:s9+$0xB0]  }
0x81: {  	s11 =	sor.u32 $0x410, s4;
	[tilespmem:s15+$0x10] =	vst v12  }
0x82: {  	s19 =	sor.u32 $0x460, s21;
	v8 =	vmul.f32 $1.587301680e-02, v15;
	v12 =	vsub.f32 v2, v13;
	[tilespmem:s11+$0x8000] =	vst v10  }
0x83: {  	[tilespmem:s19+$0x8000] =	vst v11;
	v10 =	vld [tilespmem:s9+$0x20]  }
0x84: {  	s20 =	sor.u32 $0x420, s2;
	v11 =	vsub.f32 v6, v9;
	[tilespmem:s10+$0x20] =	vst v8;
	v8 =	vmul.f32 $1.587301680e-02, v12  }
0x85: {  	v12 =	vld [tilespmem:s5+$0x60];
	[tilespmem:s20+$0x8000] =	vst v14;
	v14 =	vsub.f32 v3, v16  }
0x86: {  	s26 =	sor.u32 $0x420, s3;
	v11 =	vmul.f32 $1.587301680e-02, v11;
	v15 =	vld [tilespmem:s9+$0xFFFFFF30];
	[tilespmem:s13+$0x20] =	vst v8  }
0x87: {  	[tilespmem:s26+$0x8000] =	vst v13;
	v8 =	vmul.f32 $1.587301680e-02, v14  }
0x88: {  	[tilespmem:s28+$0x60] =	vst v11;
	v13 =	vld [tilespmem:s9+$0xFFFFFFB0];
	v14 =	vsub.f32 v2, v10  }
0x89: {  	s30 =	sor.u32 $0x430, s12;
	[tilespmem:s16+$0x30] =	vst v8  }
0x8a: {  	s31 =	sor.u32 $0x460, s23;
	v8 =	vsub.f32 v6, v12;
	v11 =	vmul.f32 $1.587301680e-02, v14;
	[tilespmem:s30+$0x8000] =	vst v16  }
0x8b: {  	[tilespmem:s31+$0x8000] =	vst v9;
	v14 =	vsub.f32 v3, v15;
	v16 =	vld [tilespmem:s9+$0xC0]  }
0x8c: {  	s6 =	sor.u32 $0x420, s4;
	v8 =	vmul.f32 $1.587301680e-02, v8;
	[tilespmem:s15+$0x20] =	vst v11;
	v11 =	vld [tilespmem:s5+$0xFFFFFF70]  }
0x8d: {  	v9 =	vmul.f32 $1.587301680e-02, v14;
	v14 =	vsub.f32 v3, v13;
	[tilespmem:s6+$0x8000] =	vst v10  }
0x8e: {  	v10 =	vld [tilespmem:s9+$0x30];
	[tilespmem:s25+$0x60] =	vst v8  }
0x8f: {  	s7 =	sor.u32 $0x430, s2;
	[tilespmem:s10+$0x30] =	vst v9;
	v8 =	vmul.f32 $1.587301680e-02, v14  }
0x90: {  	[tilespmem:s7+$0x8000] =	vst v15;
	v9 =	vsub.f32 v4, v16  }
0x91: {  	s11 =	sor.u32 $0x430, s3;
	v14 =	vld [tilespmem:s9+$0xFFFFFF40];
	[tilespmem:s13+$0x30] =	vst v8;
	v8 =	vsub.f32 v7, v11  }
0x92: {  	s19 =	sor.u32 $0x460, s24;
	[tilespmem:s11+$0x8000] =	vst v13;
	v9 =	vmul.f32 $1.587301680e-02, v9  }
0x93: {  	[tilespmem:s19+$0x8000] =	vst v12;
	v15 =	vld [tilespmem:s9+$0xFFFFFFC0];
	v13 =	vsub.f32 v3, v10;
	v12 =	vmul.f32 $1.587301680e-02, v8  }
0x94: {  	[tilespmem:s16+$0x40] =	vst v9  }
0x95: {  	s20 =	sor.u32 $0x440, s12;
	v9 =	vld [tilespmem:s5+$0xFFFFFFF0];
	v13 =	vmul.f32 $1.587301680e-02, v13;
	[tilespmem:s22+$0x70] =	vst v12  }
0x96: {  	v8 =	vld [tilespmem:s5+$0x70];
	[tilespmem:s20+$0x8000] =	vst v16;
	v16 =	vsub.f32 v4, v14  }
0x97: {  	s22 =	sor.u32 $0x430, s4;
	v12 =	vld [tilespmem:s9+$0xD0];
	[tilespmem:s15+$0x30] =	vst v13  }
0x98: {  	s26 =	sor.u32 $0x470, s21;
	v16 =	vmul.f32 $1.587301680e-02, v16;
	v17 =	vsub.f32 v4, v15;
	[tilespmem:s22+$0x8000] =	vst v10  }
0x99: {  	s29 =	simm.s32 $0x4;
	s0 =	sor.u32 $0x440, s4;
	[tilespmem:s26+$0x8000] =	vst v11;
	v13 =	vld [tilespmem:s9+$0x40]  }
0x9a: {  	s1 =	sor.u32 $0x470, s3;
	s31 =	sor.u32 $0x440, s3;
	s30 =	sor.u32 $0x440, s2;
	v10 =	vsub.f32 v7, v9;
	[tilespmem:s10+$0x40] =	vst v16;
	v11 =	vmul.f32 $1.587301680e-02, v17  }
0x9b: {  	s21 =	sor.u32 $0x460, s2;
	s6 =	sor.u32 $0x470, s23;
	s23 =	sor.u32 $0x450, s3;
	[tilespmem:s30+$0x8000] =	vst v14  }
0x9c: {  	s19 =	sor.u32 $0x460, s4;
	s7 =	sor.u32 $0x450, s2;
	s11 =	sor.u32 $0x450, s4;
	v17 =	vmul.f32 $1.587301680e-02, v10;
	v10 =	vsub.f32 v7, v8;
	v16 =	vsub.f32 v5, v12;
	[tilespmem:s13+$0x40] =	vst v11  }
0x9d: {  	s22 =	sor.u32 $0x470, s24;
	s24 =	smov.u32 s15;
	s15 =	sor.u32 $0x460, s3;
	v14 =	vld [tilespmem:s9+$0xFFFFFF50];
	[tilespmem:s31+$0x8000] =	vst v15  }
0x9e: {  	s20 =	sor.u32 $0x470, s4;
	s3 =	sor.u32 $0x470, s2;
	v10 =	vmul.f32 $1.587301680e-02, v10;
	v15 =	vmul.f32 $1.587301680e-02, v16;
	v11 =	vld [tilespmem:s9+$0xFFFFFFD0];
	v16 =	vsub.f32 v4, v13;
	[tilespmem:s28+$0x70] =	vst v17;
	s28 =	simm.s32 $0x500  }
.LBB2_4:
0x9f: {  	v17 =	vld [tilespmem:s28+$0x80];
	[tilespmem:s6+$0x8000] =	vst v9  }
0xa0: {  	[dreg:$0x11] =	wrdreg s21;
	s2 =	sor.u32 $0x450, s12;
	[tilespmem:s16+$0x50] =	vst v15;
	v16 =	vmul.f32 $1.587301680e-02, v16  }
0xa1: {  	[dreg:$0x10] =	wrdreg s11;
	v15 =	vld [tilespmem:s28+$0xFFFFFF00];
	[tilespmem:s2+$0x8000] =	vst v12  }
0xa2: {  	[dreg:$0x8] =	wrdreg s19;
	v19 =	vld [tilespmem:s9+$0xE0];
	[tilespmem:s24+$0x40] =	vst v16;
	v18 =	vsub.f32 v5, v14  }
0xa3: {  	[dreg:$0x4] =	wrdreg s3;
	s8 =	sadd.s32 $0x2, s8;
	s6 =	smov.u32 s1;
	v12 =	vld [tilespmem:s28+$0x0];
	[tilespmem:s0+$0x8000] =	vst v13  }
0xa4: {  	s21 =	sadd.s32 $0x4, s14;
	s17 =	sadd.s32 $0x400, s17;
	s18 =	sadd.s32 $0x200, s18;
	v13 =	vsub.f32 v0, v17;
	v9 =	vld [tilespmem:s9+$0x50];
	[tilespmem:s25+$0x70] =	vst v10;
	v16 =	vmul.f32 $1.587301680e-02, v18  }
0xa5: {  	s19 =	sand.u32 $0x7, s21;
	s4 =	sand.u32 $0x3800, s17;
	s5 =	sadd.s32 $0x180, s18;
	v18 =	vsub.f32 v5, v11;
	[tilespmem:s22+$0x8000] =	vst v8  }
0xa6: {  	s3 =	sshll.u32 s19, $0x7;
	s4 =	sor.u32 $0x8000, s4;
	s5 =	sand.u32 $0x380, s5;
	v13 =	vmul.f32 $1.587301680e-02, v13;
	[tilespmem:s10+$0x50] =	vst v16  }
0xa7: {  	s11 =	sand.u32 $0x3, s8;
	v20 =	vld [tilespmem:s28+$0xFFFFFF80];
	s3 =	sadd.s32 s17, s3;
	s25 =	sor.u32 s5, s4;
	v10 =	vsub.f32 v0, v15;
	v16 =	vmul.f32 $1.587301680e-02, v18;
	[tilespmem:s7+$0x8000] =	vst v14;
	v14 =	vsub.f32 v6, v19  }
0xa8: {  	s1 =	sshll.u32 s11, $0x8;
	s11 =	smov.u32 s24;
	s24 =	sadd.s32 $0x180, s3;
	[tilespmem:s25+$0x0] =	vst v13  }
0xa9: {  	[dreg:$0xb] =	wrdreg s13;
	s30 =	sor.u32 $0x400, s24;
	v18 =	vmul.f32 $1.587301680e-02, v10;
	v10 =	vld [tilespmem:s9+$0xFFFFFF60];
	[tilespmem:s13+$0x50] =	vst v16;
	v13 =	vmul.f32 $1.587301680e-02, v14  }
0xaa: {  	p0 =	por !p0, !p0;
	s14 =	sor.u32 $0x460, s12;
	s2 =	simm.s32 $0x1;
	[tilespmem:s30+$0x8000] =	vst v17  }
0xab: {  	[dreg:$0x3] =	wrdreg s8;
	s31 =	sadd.s32 $0x80, s18;
	s2 =	simm.s32 @!p0 $0x0;
	v61 =	vld [tilespmem:s28+$0x90];
	[tilespmem:s16+$0x60] =	vst v13  }
0xac: {  	s19 =	sand.u32 $0x200, s18;
	s26 =	sadd.s32 s17, s1;
	s2 =	sshll.u32 s2, $0x9;
	v21 =	vsub.f32 v0, v20;
	[tilespmem:s14+$0x8000] =	vst v19  }
0xad: {  	s1 =	sadd.s32 $0x80, s3;
	s3 =	sor.u32 s19, s4;
	s8 =	sadd.s32 s2, s17;
	[tilespmem:s23+$0x8000] =	vst v11;
	v19 =	vld [tilespmem:s9+$0xF0]  }
0xae: {  	v16 =	vsub.f32 v0, v12;
	s13 =	sadd.s32 $0x100, s26;
	s26 =	sand.u32 $0x280, s31;
	s31 =	sor.u32 $0x400, s8;
	[tilespmem:s3+$0x0] =	vst v18;
	v14 =	vmul.f32 $1.587301680e-02, v21;
	v11 =	vld [tilespmem:s9+$0xFFFFFFE0];
	v13 =	vsub.f32 v6, v10  }
0xaf: {  	s7 =	sadd.s32 $0x100, s18;
	s2 =	sor.u32 s26, s4;
	[tilespmem:s31+$0x8000] =	vst v15  }
0xb0: {  	s30 =	sand.u32 $0x300, s7;
	s7 =	sor.u32 $0x400, s1;
	v16 =	vmul.f32 $1.587301680e-02, v16;
	v15 =	vld [tilespmem:s28+$0xFFFFFF10];
	[tilespmem:s2+$0x0] =	vst v14;
	v8 =	vmul.f32 $1.587301680e-02, v13;
	v13 =	vsub.f32 v1, v61  }
0xb1: {  	s19 =	smov.u32 s20;
	s20 =	sor.u32 s30, s4;
	[tilespmem:s7+$0x8000] =	vst v20  }
0xb2: {  	s22 =	sor.u32 $0x430, s8;
	s14 =	sor.u32 $0x400, s13;
	[tilespmem:s20+$0x0] =	vst v16;
	v18 =	vld [tilespmem:s28+$0xFFFFFF90];
	v13 =	vmul.f32 $1.587301680e-02, v13;
	v14 =	vsub.f32 v7, v19  }
0xb3: {  	[dreg:$0xd] =	wrdreg s22;
	s22 =	sor.u32 $0x440, s13;
	[tilespmem:s14+$0x8000] =	vst v12;
	v16 =	vsub.f32 v6, v11  }
0xb4: {  	v17 =	vsub.f32 v5, v9;
	[dreg:$0xa] =	wrdreg s22;
	s22 =	sor.u32 $0x410, s24;
	[tilespmem:s25+$0x10] =	vst v13;
	v13 =	vmul.f32 $1.587301680e-02, v14  }
0xb5: {  	[tilespmem:s22+$0x8000] =	vst v61;
	v14 =	vmul.f32 $1.587301680e-02, v16;
	v16 =	vsub.f32 v1, v15  }
0xb6: {  	s12 =	sor.u32 $0x470, s12;
	v17 =	vmul.f32 $1.587301680e-02, v17;
	v62 =	vld [tilespmem:s28+$0xA0];
	[tilespmem:s16+$0x70] =	vst v13  }
0xb7: {  	s16 =	smov.u32 s25;
	s25 =	smov.u32 s11;
	v13 =	vmul.f32 $1.587301680e-02, v16;
	v16 =	vsub.f32 v1, v18;
	[tilespmem:s12+$0x8000] =	vst v19  }
0xb8: {  	v12 =	vld [tilespmem:s28+$0x10];
	[tilespmem:s25+$0x50] =	vst v17  }
0xb9: {  	s30 =	sor.u32 $0x410, s8;
	[tilespmem:s3+$0x10] =	vst v13;
	v13 =	vmul.f32 $1.587301680e-02, v16  }
0xba: {  	[tilespmem:s30+$0x8000] =	vst v15  }
0xbb: {  	s26 =	sor.u32 $0x410, s1;
	v15 =	vsub.f32 v2, v62;
	v16 =	vld [tilespmem:s28+$0xFFFFFF20];
	[tilespmem:s2+$0x10] =	vst v13  }
0xbc: {  	s22 =	smov.u32 s19;
	s19 =	rddreg [dreg:$0x10];
	[tilespmem:s26+$0x8000] =	vst v18  }
0xbd: {  	v17 =	vsub.f32 v1, v12;
	[tilespmem:s19+$0x8000] =	vst v9;
	v13 =	vmul.f32 $1.587301680e-02, v15;
	v15 =	vld [tilespmem:s28+$0xFFFFFFA0]  }
0xbe: {  	s12 =	smov.u32 s24;
	[tilespmem:s10+$0x60] =	vst v8  }
0xbf: {  	s14 =	smov.u32 s21;
	s21 =	sor.u32 $0x420, s12;
	v9 =	vmul.f32 $1.587301680e-02, v17;
	[tilespmem:s16+$0x20] =	vst v13  }
0xc0: {  	s24 =	smov.u32 s20;
	v13 =	vld [tilespmem:s9+$0x60];
	[tilespmem:s21+$0x8000] =	vst v62;
	v17 =	vsub.f32 v2, v16  }
0xc1: {  	[dreg:$0x5] =	wrdreg s6;
	s6 =	sor.u32 $0x410, s13;
	[tilespmem:s24+$0x10] =	vst v9;
	v18 =	vld [tilespmem:s28+$0xB0]  }
0xc2: {  	s26 =	rddreg [dreg:$0x11];
	[tilespmem:s6+$0x8000] =	vst v12;
	v8 =	vmul.f32 $1.587301680e-02, v17;
	v9 =	vsub.f32 v2, v15  }
0xc3: {  	s31 =	sor.u32 $0x420, s1;
	[tilespmem:s26+$0x8000] =	vst v10;
	v12 =	vld [tilespmem:s28+$0x20]  }
0xc4: {  	s4 =	sor.u32 $0x420, s8;
	[dreg:$0x13] =	wrdreg s31;
	s31 =	sor.u32 $0x430, s13;
	[tilespmem:s3+$0x20] =	vst v8;
	v8 =	vmul.f32 $1.587301680e-02, v9  }
0xc5: {  	[dreg:$0x9] =	wrdreg s31;
	v17 =	vld [tilespmem:s9+$0xFFFFFF70];
	[tilespmem:s4+$0x8000] =	vst v16  }
0xc6: {  	s30 =	rddreg [dreg:$0x13];
	v9 =	vsub.f32 v3, v18;
	v16 =	vld [tilespmem:s28+$0xFFFFFF30];
	[tilespmem:s2+$0x20] =	vst v8  }
0xc7: {  	s7 =	sor.u32 $0x440, s1;
	s4 =	rddreg [dreg:$0xb];
	[tilespmem:s30+$0x8000] =	vst v15  }
0xc8: {  	s31 =	sor.u32 $0x460, s13;
	[dreg:$0x6] =	wrdreg s7;
	s7 =	smov.u32 s15;
	v8 =	vmul.f32 $1.587301680e-02, v9;
	v15 =	vld [tilespmem:s28+$0xFFFFFFB0];
	v9 =	vsub.f32 v2, v12;
	[tilespmem:s4+$0x60] =	vst v14  }
0xc9: {  	[dreg:$0xf] =	wrdreg s31;
	s31 =	sor.u32 $0x460, s8;
	[tilespmem:s7+$0x8000] =	vst v11  }
0xca: {  	s5 =	sor.u32 $0x420, s13;
	s21 =	smov.u32 s31;
	s31 =	sor.u32 $0x430, s12;
	v10 =	vsub.f32 v6, v13;
	[tilespmem:s16+$0x30] =	vst v8;
	v9 =	vmul.f32 $1.587301680e-02, v9  }
0xcb: {  	[dreg:$0xe] =	wrdreg s5;
	s15 =	sor.u32 $0x450, s13;
	s13 =	sor.u32 $0x470, s13;
	v8 =	vsub.f32 v7, v17;
	[tilespmem:s31+$0x8000] =	vst v18;
	v14 =	vsub.f32 v3, v16  }
0xcc: {  	s20 =	smov.u32 s13;
	s13 =	rddreg [dreg:$0xe];
	v10 =	vmul.f32 $1.587301680e-02, v10;
	v18 =	vld [tilespmem:s28+$0xC0];
	[tilespmem:s24+$0x20] =	vst v9  }
0xcd: {  	v19 =	vmul.f32 $1.587301680e-02, v8;
	v8 =	vmul.f32 $1.587301680e-02, v14;
	v11 =	vsub.f32 v3, v15;
	[tilespmem:s13+$0x8000] =	vst v12  }
0xce: {  	v14 =	vld [tilespmem:s28+$0x30];
	[tilespmem:s25+$0x60] =	vst v10  }
0xcf: {  	s23 =	sor.u32 $0x430, s1;
	s19 =	rddreg [dreg:$0xd];
	v9 =	vld [tilespmem:s9+$0xFFFFFFF0];
	[tilespmem:s3+$0x30] =	vst v8;
	v8 =	vmul.f32 $1.587301680e-02, v11  }
0xd0: {  	[dreg:$0xc] =	wrdreg s23;
	[tilespmem:s19+$0x8000] =	vst v16  }
0xd1: {  	s26 =	rddreg [dreg:$0xc];
	v10 =	vsub.f32 v4, v18;
	v11 =	vld [tilespmem:s28+$0xFFFFFF40];
	[tilespmem:s2+$0x30] =	vst v8  }
0xd2: {  	s5 =	sor.u32 $0x440, s8;
	s30 =	rddreg [dreg:$0x8];
	[tilespmem:s26+$0x8000] =	vst v15  }
0xd3: {  	s23 =	sor.u32 $0x450, s8;
	[dreg:$0x7] =	wrdreg s5;
	[tilespmem:s30+$0x8000] =	vst v13;
	v10 =	vmul.f32 $1.587301680e-02, v10;
	v15 =	vld [tilespmem:s28+$0xFFFFFFC0];
	v12 =	vsub.f32 v3, v14  }
0xd4: {  	[dreg:$0x12] =	wrdreg s23;
	s5 =	sor.u32 $0x460, s1;
	v8 =	vsub.f32 v7, v9;
	[tilespmem:s10+$0x70] =	vst v19  }
0xd5: {  	s11 =	smov.u32 s15;
	s15 =	smov.u32 s5;
	s5 =	sor.u32 $0x440, s12;
	[tilespmem:s16+$0x40] =	vst v10;
	v10 =	vmul.f32 $1.587301680e-02, v12  }
0xd6: {  	s0 =	rddreg [dreg:$0xa];
	v63 =	vmul.f32 $1.587301680e-02, v8;
	v8 =	vld [tilespmem:s9+$0x70];
	[tilespmem:s5+$0x8000] =	vst v18;
	v13 =	vsub.f32 v4, v11  }
0xd7: {  	s13 =	rddreg [dreg:$0x9];
	v12 =	vld [tilespmem:s28+$0xD0];
	[tilespmem:s24+$0x30] =	vst v10  }
0xd8: {  	s29 =	sadd.s32 $0x4, s29;
	s26 =	rddreg [dreg:$0x4];
	v10 =	vmul.f32 $1.587301680e-02, v13;
	v16 =	vsub.f32 v4, v15;
	[tilespmem:s13+$0x8000] =	vst v14  }
0xd9: {  	p1 =	slt.u32 s29, $0x3C;
	s6 =	rddreg [dreg:$0x5];
	s10 =	smov.u32 s3;
	[tilespmem:s26+$0x8000] =	vst v17;
	v13 =	vld [tilespmem:s28+$0x40]  }
.Ltmp1:
0xda: {  	s30 =	rddreg [dreg:$0x7];
	[tilespmem:s10+$0x40] =	vst v10;
	v16 =	vmul.f32 $1.587301680e-02, v16;
	(pc) =	sbr.rel @p1 .LBB2_4-.Ltmp1, $4  }
0xdb: {  	s23 =	sor.u32 $0x450, s1;
	s1 =	sor.u32 $0x470, s1;
	s31 =	rddreg [dreg:$0xf];
	v14 =	vsub.f32 v7, v8;
	[tilespmem:s30+$0x8000] =	vst v11  }
0xdc: {  	s8 =	sor.u32 $0x470, s8;
	s19 =	smov.u32 s31;
	s31 =	rddreg [dreg:$0x6];
	v11 =	vsub.f32 v5, v12;
	[tilespmem:s2+$0x40] =	vst v16  }
0xdd: {  	s7 =	rddreg [dreg:$0x12];
	s3 =	smov.u32 s8;
	s9 =	smov.u32 s28;
	v10 =	vmul.f32 $1.587301680e-02, v14;
	v14 =	vld [tilespmem:s28+$0xFFFFFF50];
	[tilespmem:s31+$0x8000] =	vst v15  }
0xde: {  	s8 =	rddreg [dreg:$0x3];
	s13 =	smov.u32 s2;
	s28 =	sadd.s32 $0x200, s28;
	v15 =	vmul.f32 $1.587301680e-02, v11;
	v11 =	vld [tilespmem:s9+$0xFFFFFFD0];
	v16 =	vsub.f32 v4, v13;
	[tilespmem:s4+$0x70] =	vst v63  }
0xdf: {  	_ = 	snop  }
0xe0: {  	v0 =	vmul.f32 $1.587301680e-02, v16;
	_ =	sdelay $0x1  }
0xe1: {  	[tilespmem:s24+$0x40] =	vst v0  }
0xe2: {  	[tilespmem:s0+$0x8000] =	vst v13  }
0xe3: {  	v0 =	vld [tilespmem:s9+$0x50]  }
0xe4: {  	v1 =	vsub.f32 v5, v14;
	_ =	sdelay $0x1  }
0xe5: {  	s29 =	sor.u32 $0x450, s12;
	[tilespmem:s16+$0x50] =	vst v15;
	v2 =	vsub.f32 v5, v11;
	v1 =	vmul.f32 $1.587301680e-02, v1  }
0xe6: {  	[tilespmem:s29+$0x8000] =	vst v12  }
0xe7: {  	v3 =	vld [tilespmem:s9+$0xE0];
	[tilespmem:s10+$0x50] =	vst v1;
	v1 =	vmul.f32 $1.587301680e-02, v2;
	v2 =	vsub.f32 v5, v0  }
0xe8: {  	[tilespmem:s7+$0x8000] =	vst v14  }
0xe9: {  	v4 =	vld [tilespmem:s9+$0xFFFFFF60];
	[tilespmem:s13+$0x50] =	vst v1;
	v1 =	vmul.f32 $1.587301680e-02, v2  }
0xea: {  	[tilespmem:s23+$0x8000] =	vst v11  }
0xeb: {  	v2 =	vld [tilespmem:s9+$0xFFFFFFE0];
	[tilespmem:s24+$0x50] =	vst v1  }
0xec: {  	v1 =	vsub.f32 v6, v3;
	[tilespmem:s11+$0x8000] =	vst v0  }
0xed: {  	v0 =	vld [tilespmem:s9+$0x60]  }
0xee: {  	v5 =	vsub.f32 v6, v4;
	v1 =	vmul.f32 $1.587301680e-02, v1;
	_ =	sdelay $0x1  }
0xef: {  	s30 =	sor.u32 $0x460, s12;
	[tilespmem:s16+$0x60] =	vst v1;
	v1 =	vmul.f32 $1.587301680e-02, v5;
	v5 =	vsub.f32 v6, v2  }
0xf0: {  	[tilespmem:s30+$0x8000] =	vst v3  }
0xf1: {  	v3 =	vld [tilespmem:s9+$0xF0];
	v5 =	vmul.f32 $1.587301680e-02, v5;
	[tilespmem:s10+$0x60] =	vst v1;
	v1 =	vsub.f32 v6, v0  }
0xf2: {  	[tilespmem:s21+$0x8000] =	vst v4  }
0xf3: {  	v4 =	vld [tilespmem:s9+$0xFFFFFF70];
	[tilespmem:s13+$0x60] =	vst v5;
	v1 =	vmul.f32 $1.587301680e-02, v1  }
0xf4: {  	[tilespmem:s15+$0x8000] =	vst v2  }
0xf5: {  	v2 =	vld [tilespmem:s9+$0xFFFFFFF0];
	[tilespmem:s24+$0x60] =	vst v1  }
0xf6: {  	v1 =	vsub.f32 v7, v3;
	[tilespmem:s19+$0x8000] =	vst v0  }
0xf7: {  	[tilespmem:s6+$0x8000] =	vst v9;
	v0 =	vld [tilespmem:s9+$0x70]  }
0xf8: {  	[tilespmem:s25+$0x70] =	vst v10;
	v1 =	vmul.f32 $1.587301680e-02, v1;
	v5 =	vsub.f32 v7, v4  }
0xf9: {  	[tilespmem:s22+$0x8000] =	vst v8  }
0xfa: {  	s31 =	sor.u32 $0x470, s12;
	[tilespmem:s16+$0x70] =	vst v1;
	v1 =	vmul.f32 $1.587301680e-02, v5;
	v5 =	vsub.f32 v7, v2  }
0xfb: {  	[tilespmem:s31+$0x8000] =	vst v3  }
0xfc: {  	v3 =	vmul.f32 $1.587301680e-02, v5;
	[tilespmem:s10+$0x70] =	vst v1;
	v1 =	vsub.f32 v7, v0  }
0xfd: {  	[tilespmem:s3+$0x8000] =	vst v4  }
0xfe: {  	[tilespmem:s13+$0x70] =	vst v3;
	v1 =	vmul.f32 $1.587301680e-02, v1  }
0xff: {  	[tilespmem:s1+$0x8000] =	vst v2  }
0x100: {  	[tilespmem:s24+$0x70] =	vst v1  }
0x101: {  	s2 =	simm.s32 $0x0;
	[tilespmem:s20+$0x8000] =	vst v0  }
0x102: {  	v0 =	vld [tilespmem:s2+$0x2070]  }
0x103: {  	v1 =	vld [tilespmem:s2+$0x2000]  }
0x104: {  	v3 =	vld [tilespmem:s2+$0x2010]  }
0x105: {  	v15 =	vld [tilespmem:s2+$0x2020]  }
0x106: {  	v14 =	vld [tilespmem:s2+$0x2030]  }
0x107: {  	v12 =	vimm.f32 $0.0e+00;
	v2 =	vimm.f32 $0.0e+00;
	v4 =	vld [tilespmem:s2+$0x2040]  }
0x108: {  	v6 =	vimm.f32 $0.0e+00;
	v5 =	vimm.f32 $0.0e+00;
	v10 =	vld [tilespmem:s2+$0x2050];
	v7 =	vadd.f32 v0, v2  }
0x109: {  	s0 =	simm.s32 $0x80;
	s1 =	simm.s32 $0x400;
	v9 =	vld [tilespmem:s2+$0x2060];
	v0 =	vadd.f32 v1, v2;
	v1 =	vadd.f32 v3, v2;
	v3 =	vimm.f32 $0.0e+00  }
.LBB2_6:
0x10a: {  	p0 =	sne.s32 s1, $0x7E00;
	v8 =	vld [tilespmem:s0+$0x2070];
	v2 =	vadd.f32 v15, v2  }
0x10b: {  	v11 =	vld [tilespmem:s0+$0x2000];
	v3 =	vadd.f32 v14, v3  }
0x10c: {  	v13 =	vld [tilespmem:s0+$0x2010];
	v12 =	vadd.f32 v4, v12  }
.Ltmp2:
0x10d: {  	v15 =	vld [tilespmem:s0+$0x2020];
	v5 =	vadd.f32 v10, v5;
	(pc) =	sbr.rel @p0 .LBB2_6-.Ltmp2, $4  }
0x10e: {  	v14 =	vld [tilespmem:s0+$0x2030];
	v6 =	vadd.f32 v9, v6  }
0x10f: {  	v4 =	vld [tilespmem:s0+$0x2040];
	v7 =	vadd.f32 v8, v7  }
0x110: {  	v0 =	vadd.f32 v11, v0;
	v10 =	vld [tilespmem:s0+$0x2050]  }
0x111: {  	v1 =	vadd.f32 v13, v1;
	v9 =	vld [tilespmem:s0+$0x2060];
	s0 =	sshra.s32 s1, $0x2;
	s1 =	sadd.s32 $0x200, s1  }
0x112: {  	v11 =	vld [tilespmem:s0+$0x2000]  }
0x113: {  	v8 =	vld [tilespmem:s0+$0x2070];
	s26 =	simm.s32 $0x21F0  }
0x114: {  	v16 =	vld [tilespmem:s26+$0xFFFFFF90]  }
0x115: {  	v17 =	vld [tilespmem:s0+$0x2010]  }
0x116: {  	v18 =	vld [tilespmem:s0+$0x2020]  }
0x117: {  	v19 =	vld [tilespmem:s0+$0x2030];
	v0 =	vadd.f32 v11, v0  }
0x118: {  	v20 =	vld [tilespmem:s0+$0x2040];
	s2 =	simm.s32 $0x0  }
0x119: {  	v13 =	vld [tilespmem:s0+$0x2050];
	s1 =	sand.u32 $0x7, s2;
	v21 =	vsub.f32 v0, v16  }
0x11a: {  	s4 =	simm.s32 $0x180;
	v22 =	vld [tilespmem:s26+$0xFFFFFE10];
	s3 =	sand.u32 $0x3800, s2;
	s1 =	sshll.u32 s1, $0x7  }
0x11b: {  	s10 =	sand.u32 $0x380, s4;
	v23 =	vld [tilespmem:s26+$0xFFFFFE90];
	s3 =	sor.u32 $0x8000, s3;
	s5 =	sadd.s32 $0x0, s1;
	v21 =	vmul.f32 $1.587301680e-02, v21  }
0x11c: {  	s1 =	sadd.s32 $0x180, s5;
	v11 =	vld [tilespmem:s0+$0x2060];
	s0 =	sor.u32 s10, s3  }
0x11d: {  	s1 =	sor.u32 $0x4400, s1;
	[tilespmem:s0+$0x4000] =	vst v21  }
0x11e: {  	[tilespmem:s1+$0x8000] =	vst v16  }
0x11f: {  	p0 =	por $0x0, $0x0;
	s4 =	simm.s32 $0x1;
	v16 =	vsub.f32 v0, v22;
	v21 =	vld [tilespmem:s26+$0xFFFFFFA0]  }
0x120: {  	s4 =	simm.s32 @!p0 $0x0  }
0x121: {  	s6 =	sand.u32 $0x200, s2;
	s4 =	sshll.u32 s4, $0x9;
	v24 =	vsub.f32 v0, v23;
	v16 =	vmul.f32 $1.587301680e-02, v16  }
0x122: {  	s7 =	simm.s32 $0x80;
	s28 =	sor.u32 s6, s3;
	s4 =	sadd.s32 $0x0, s4;
	v1 =	vadd.f32 v17, v1  }
0x123: {  	s11 =	sand.u32 $0x280, s7;
	v17 =	vld [tilespmem:s26+$0xFFFFFF10];
	s29 =	sor.u32 $0x4400, s4;
	v24 =	vmul.f32 $1.587301680e-02, v24;
	[tilespmem:s28+$0x4000] =	vst v16  }
0x124: {  	s12 =	sadd.s32 $0x80, s5;
	s10 =	sor.u32 s11, s3;
	[tilespmem:s29+$0x8000] =	vst v22;
	v16 =	vsub.f32 v1, v21  }
0x125: {  	s9 =	sor.u32 $0x4400, s12;
	[tilespmem:s10+$0x4000] =	vst v24;
	v22 =	vld [tilespmem:s26+$0xFFFFFE20]  }
0x126: {  	[tilespmem:s9+$0x8000] =	vst v23;
	v16 =	vmul.f32 $1.587301680e-02, v16  }
0x127: {  	v23 =	vld [tilespmem:s26+$0xFFFFFEA0]  }
0x128: {  	s2 =	sand.u32 $0x3, s2;
	v55 =	vsub.f32 v0, v17;
	[tilespmem:s0+$0x4010] =	vst v16  }
0x129: {  	s13 =	simm.s32 $0x100;
	s2 =	sshll.u32 s2, $0x8;
	[tilespmem:s1+$0x8010] =	vst v21  }
0x12a: {  	s2 =	sadd.s32 $0x0, s2;
	s4 =	sand.u32 $0x300, s13;
	v16 =	vmul.f32 $1.587301680e-02, v55;
	v56 =	vsub.f32 v1, v22;
	v57 =	vld [tilespmem:s26+$0xFFFFFFB0]  }
0x12b: {  	v2 =	vadd.f32 v15, v2;
	s2 =	sadd.s32 $0x100, s2;
	s12 =	sor.u32 s4, s3  }
0x12c: {  	s11 =	sor.u32 $0x4400, s2;
	[tilespmem:s12+$0x4000] =	vst v16;
	v16 =	vsub.f32 v1, v23;
	v15 =	vmul.f32 $1.587301680e-02, v56  }
0x12d: {  	v2 =	vadd.f32 v18, v2;
	[tilespmem:s11+$0x8000] =	vst v17  }
0x12e: {  	v17 =	vld [tilespmem:s26+$0xFFFFFF20];
	[tilespmem:s28+$0x4010] =	vst v15;
	v15 =	vmul.f32 $1.587301680e-02, v16  }
0x12f: {  	[tilespmem:s29+$0x8010] =	vst v22;
	v16 =	vsub.f32 v2, v57  }
0x130: {  	v58 =	vld [tilespmem:s26+$0xFFFFFE30];
	[tilespmem:s10+$0x4010] =	vst v15  }
0x131: {  	[tilespmem:s9+$0x8010] =	vst v23;
	v15 =	vmul.f32 $1.587301680e-02, v16  }
0x132: {  	v16 =	vld [tilespmem:s26+$0xFFFFFEB0]  }
0x133: {  	v59 =	vsub.f32 v1, v17;
	[tilespmem:s0+$0x4020] =	vst v15  }
0x134: {  	[tilespmem:s1+$0x8020] =	vst v57  }
0x135: {  	v15 =	vmul.f32 $1.587301680e-02, v59;
	v60 =	vsub.f32 v2, v58;
	v61 =	vld [tilespmem:s26+$0xFFFFFFC0]  }
0x136: {  	v3 =	vadd.f32 v14, v3  }
0x137: {  	[tilespmem:s12+$0x4010] =	vst v15;
	v14 =	vmul.f32 $1.587301680e-02, v60;
	v15 =	vsub.f32 v2, v16  }
0x138: {  	v3 =	vadd.f32 v19, v3;
	[tilespmem:s11+$0x8010] =	vst v17  }
0x139: {  	v17 =	vld [tilespmem:s26+$0xFFFFFF30];
	[tilespmem:s28+$0x4020] =	vst v14;
	v14 =	vmul.f32 $1.587301680e-02, v15  }
0x13a: {  	[tilespmem:s29+$0x8020] =	vst v58;
	v15 =	vsub.f32 v3, v61  }
0x13b: {  	v18 =	vld [tilespmem:s26+$0xFFFFFE40];
	[tilespmem:s10+$0x4020] =	vst v14  }
0x13c: {  	[tilespmem:s9+$0x8020] =	vst v16;
	v14 =	vmul.f32 $1.587301680e-02, v15  }
0x13d: {  	v15 =	vld [tilespmem:s26+$0xFFFFFEC0]  }
0x13e: {  	v16 =	vsub.f32 v2, v17;
	[tilespmem:s0+$0x4030] =	vst v14  }
0x13f: {  	[tilespmem:s1+$0x8030] =	vst v61  }
0x140: {  	v14 =	vmul.f32 $1.587301680e-02, v16;
	v16 =	vsub.f32 v3, v18;
	v62 =	vld [tilespmem:s26+$0xFFFFFFD0]  }
0x141: {  	v4 =	vadd.f32 v4, v12  }
0x142: {  	[tilespmem:s12+$0x4020] =	vst v14;
	v12 =	vmul.f32 $1.587301680e-02, v16;
	v14 =	vsub.f32 v3, v15  }
0x143: {  	v4 =	vadd.f32 v20, v4;
	[tilespmem:s11+$0x8020] =	vst v17  }
0x144: {  	v16 =	vld [tilespmem:s26+$0xFFFFFF40];
	[tilespmem:s28+$0x4030] =	vst v12;
	v12 =	vmul.f32 $1.587301680e-02, v14  }
0x145: {  	[tilespmem:s29+$0x8030] =	vst v18;
	v14 =	vsub.f32 v4, v62  }
0x146: {  	v17 =	vld [tilespmem:s26+$0xFFFFFE50];
	[tilespmem:s10+$0x4030] =	vst v12  }
0x147: {  	[tilespmem:s9+$0x8030] =	vst v15;
	v12 =	vmul.f32 $1.587301680e-02, v14  }
0x148: {  	v14 =	vld [tilespmem:s26+$0xFFFFFED0]  }
0x149: {  	v15 =	vsub.f32 v3, v16;
	[tilespmem:s0+$0x4040] =	vst v12  }
0x14a: {  	[tilespmem:s1+$0x8040] =	vst v62  }
0x14b: {  	v12 =	vmul.f32 $1.587301680e-02, v15;
	v15 =	vsub.f32 v4, v17;
	v63 =	vld [tilespmem:s26+$0xFFFFFFE0]  }
0x14c: {  	v5 =	vadd.f32 v10, v5  }
0x14d: {  	[tilespmem:s12+$0x4030] =	vst v12;
	v10 =	vmul.f32 $1.587301680e-02, v15;
	v12 =	vsub.f32 v4, v14  }
0x14e: {  	v5 =	vadd.f32 v13, v5;
	[tilespmem:s11+$0x8030] =	vst v16  }
0x14f: {  	v13 =	vld [tilespmem:s26+$0xFFFFFF50];
	[tilespmem:s28+$0x4040] =	vst v10;
	v10 =	vmul.f32 $1.587301680e-02, v12  }
0x150: {  	[tilespmem:s29+$0x8040] =	vst v17;
	v12 =	vsub.f32 v5, v63  }
0x151: {  	v15 =	vld [tilespmem:s26+$0xFFFFFE60];
	[tilespmem:s10+$0x4040] =	vst v10  }
0x152: {  	[tilespmem:s9+$0x8040] =	vst v14;
	v10 =	vmul.f32 $1.587301680e-02, v12  }
0x153: {  	s13 =	simm.s32 $0x23F0;
	v12 =	vld [tilespmem:s26+$0xFFFFFEE0]  }
0x154: {  	v16 =	vld [tilespmem:s13+$0xFFFFFF90];
	v14 =	vsub.f32 v4, v13;
	[tilespmem:s0+$0x4050] =	vst v10  }
0x155: {  	[tilespmem:s1+$0x8050] =	vst v63  }
0x156: {  	v10 =	vmul.f32 $1.587301680e-02, v14;
	v14 =	vsub.f32 v5, v15;
	v17 =	vld [tilespmem:s26+$0xFFFFFFF0]  }
0x157: {  	s18 =	simm.s32 $0x4;
	v6 =	vadd.f32 v9, v6  }
0x158: {  	s14 =	sand.u32 $0x7, s18;
	[tilespmem:s12+$0x4040] =	vst v10;
	v9 =	vmul.f32 $1.587301680e-02, v14;
	v10 =	vsub.f32 v5, v12  }
0x159: {  	s19 =	simm.s32 $0x400;
	s2 =	sshll.u32 s14, $0x7;
	v6 =	vadd.f32 v11, v6;
	v11 =	vld [tilespmem:s13+$0xFFFFFE10];
	[tilespmem:s11+$0x8040] =	vst v13;
	v13 =	vsub.f32 v0, v16  }
0x15a: {  	s16 =	simm.s32 $0x380;
	s15 =	sand.u32 $0x3800, s19;
	s2 =	sadd.s32 $0x400, s2;
	[tilespmem:s28+$0x4050] =	vst v9;
	v9 =	vmul.f32 $1.587301680e-02, v10  }
0x15b: {  	s3 =	sor.u32 $0x8000, s15;
	s4 =	sand.u32 $0x380, s16;
	v14 =	vld [tilespmem:s13+$0xFFFFFE90];
	v10 =	vmul.f32 $1.587301680e-02, v13;
	[tilespmem:s29+$0x8050] =	vst v15;
	v13 =	vsub.f32 v6, v17  }
0x15c: {  	s14 =	sor.u32 s4, s3;
	s17 =	sadd.s32 $0x180, s2;
	[tilespmem:s10+$0x4050] =	vst v9  }
0x15d: {  	s15 =	sor.u32 $0x4400, s17;
	v9 =	vld [tilespmem:s13+$0xFFFFFF10];
	[tilespmem:s14+$0x4000] =	vst v10;
	v10 =	vmul.f32 $1.587301680e-02, v13  }
0x15e: {  	s23 =	simm.s32 $0x200;
	p0 =	por !p0, !p0;
	s5 =	simm.s32 $0x1;
	[tilespmem:s15+$0x8000] =	vst v16;
	v13 =	vsub.f32 v0, v11  }
0x15f: {  	s24 =	simm.s32 $0x280;
	s30 =	simm.s32 $0x300;
	s5 =	simm.s32 @!p0 $0x0;
	v15 =	vld [tilespmem:s13+$0xFFFFFFA0];
	[tilespmem:s0+$0x4060] =	vst v10  }
0x160: {  	s22 =	simm.s32 $0x2;
	s21 =	sand.u32 $0x200, s23;
	s5 =	sshll.u32 s5, $0x9;
	v10 =	vmul.f32 $1.587301680e-02, v13;
	v13 =	vsub.f32 v0, v14;
	[tilespmem:s1+$0x8060] =	vst v17  }
0x161: {  	s25 =	sand.u32 $0x280, s24;
	s5 =	sadd.s32 $0x400, s5;
	s16 =	sor.u32 s21, s3;
	[tilespmem:s9+$0x8050] =	vst v12;
	v12 =	vld [tilespmem:s26+$0x0]  }
0x162: {  	s20 =	sand.u32 $0x3, s22;
	s31 =	sand.u32 $0x300, s30;
	s17 =	sor.u32 $0x4400, s5;
	v16 =	vsub.f32 v0, v9;
	v13 =	vmul.f32 $1.587301680e-02, v13;
	[tilespmem:s16+$0x4000] =	vst v10;
	v10 =	vld [tilespmem:s26+$0xFFFFFF60]  }
0x163: {  	s4 =	sshll.u32 s20, $0x8;
	s2 =	sadd.s32 $0x80, s2;
	s25 =	sor.u32 s25, s3;
	[tilespmem:s17+$0x8000] =	vst v11  }
0x164: {  	v7 =	vadd.f32 v8, v7;
	s4 =	sadd.s32 $0x400, s4;
	s24 =	sor.u32 $0x4400, s2;
	v8 =	vmul.f32 $1.587301680e-02, v16;
	v11 =	vld [tilespmem:s13+$0xFFFFFE20];
	[tilespmem:s25+$0x4000] =	vst v13;
	v13 =	vsub.f32 v1, v15  }
0x165: {  	s20 =	sor.u32 s31, s3;
	s4 =	sadd.s32 $0x100, s4;
	[tilespmem:s24+$0x8000] =	vst v14  }
0x166: {  	s21 =	sor.u32 $0x4400, s4;
	[tilespmem:s20+$0x4000] =	vst v8;
	v14 =	vld [tilespmem:s13+$0xFFFFFEA0];
	v8 =	vmul.f32 $1.587301680e-02, v13;
	v13 =	vsub.f32 v7, v12  }
0x167: {  	[tilespmem:s21+$0x8000] =	vst v9;
	v9 =	vsub.f32 v5, v10  }
0x168: {  	v16 =	vld [tilespmem:s13+$0xFFFFFF20];
	[tilespmem:s14+$0x4010] =	vst v8;
	v8 =	vmul.f32 $1.587301680e-02, v13  }
0x169: {  	v13 =	vsub.f32 v1, v11;
	[tilespmem:s15+$0x8010] =	vst v15;
	v9 =	vmul.f32 $1.587301680e-02, v9  }
0x16a: {  	v15 =	vld [tilespmem:s13+$0xFFFFFFB0];
	[tilespmem:s0+$0x4070] =	vst v8  }
0x16b: {  	v8 =	vmul.f32 $1.587301680e-02, v13;
	v13 =	vsub.f32 v1, v14;
	[tilespmem:s12+$0x4050] =	vst v9  }
0x16c: {  	[tilespmem:s1+$0x8070] =	vst v12  }
0x16d: {  	v9 =	vld [tilespmem:s26+$0xFFFFFE70];
	v12 =	vsub.f32 v1, v16;
	[tilespmem:s16+$0x4010] =	vst v8;
	v8 =	vmul.f32 $1.587301680e-02, v13  }
0x16e: {  	[tilespmem:s17+$0x8010] =	vst v11  }
0x16f: {  	v11 =	vld [tilespmem:s13+$0xFFFFFE30];
	[tilespmem:s25+$0x4010] =	vst v8;
	v8 =	vmul.f32 $1.587301680e-02, v12;
	v12 =	vsub.f32 v2, v15  }
0x170: {  	[tilespmem:s24+$0x8010] =	vst v14  }
0x171: {  	v13 =	vld [tilespmem:s13+$0xFFFFFEB0];
	[tilespmem:s20+$0x4010] =	vst v8;
	v8 =	vmul.f32 $1.587301680e-02, v12  }
0x172: {  	v12 =	vsub.f32 v6, v9;
	[tilespmem:s21+$0x8010] =	vst v16  }
0x173: {  	v14 =	vld [tilespmem:s13+$0xFFFFFF30];
	[tilespmem:s14+$0x4020] =	vst v8  }
0x174: {  	v8 =	vmul.f32 $1.587301680e-02, v12;
	v12 =	vsub.f32 v2, v11;
	[tilespmem:s15+$0x8020] =	vst v15  }
0x175: {  	[tilespmem:s11+$0x8050] =	vst v10;
	v15 =	vld [tilespmem:s13+$0xFFFFFFC0]  }
0x176: {  	[tilespmem:s28+$0x4060] =	vst v8;
	v10 =	vmul.f32 $1.587301680e-02, v12;
	v12 =	vsub.f32 v2, v13  }
0x177: {  	v8 =	vld [tilespmem:s26+$0xFFFFFEF0];
	[tilespmem:s29+$0x8060] =	vst v9  }
0x178: {  	[tilespmem:s16+$0x4020] =	vst v10;
	v9 =	vmul.f32 $1.587301680e-02, v12;
	v10 =	vsub.f32 v2, v14  }
0x179: {  	v12 =	vld [tilespmem:s26+$0xFFFFFF70];
	[tilespmem:s17+$0x8020] =	vst v11  }
0x17a: {  	v11 =	vld [tilespmem:s13+$0xFFFFFE40];
	[tilespmem:s25+$0x4020] =	vst v9;
	v9 =	vmul.f32 $1.587301680e-02, v10;
	v10 =	vsub.f32 v3, v15  }
0x17b: {  	[tilespmem:s24+$0x8020] =	vst v13  }
0x17c: {  	v13 =	vsub.f32 v6, v8;
	v16 =	vld [tilespmem:s13+$0xFFFFFEC0];
	[tilespmem:s20+$0x4020] =	vst v9;
	v9 =	vmul.f32 $1.587301680e-02, v10  }
0x17d: {  	[tilespmem:s21+$0x8020] =	vst v14  }
0x17e: {  	v10 =	vmul.f32 $1.587301680e-02, v13;
	v13 =	vsub.f32 v6, v12;
	v14 =	vld [tilespmem:s13+$0xFFFFFF40];
	[tilespmem:s14+$0x4030] =	vst v9  }
0x17f: {  	v9 =	vsub.f32 v3, v11;
	[tilespmem:s15+$0x8030] =	vst v15  }
0x180: {  	v13 =	vmul.f32 $1.587301680e-02, v13;
	[tilespmem:s10+$0x4060] =	vst v10;
	v15 =	vld [tilespmem:s13+$0xFFFFFFD0]  }
0x181: {  	[tilespmem:s9+$0x8060] =	vst v8;
	v9 =	vmul.f32 $1.587301680e-02, v9;
	v10 =	vsub.f32 v3, v16  }
0x182: {  	[tilespmem:s12+$0x4060] =	vst v13  }
0x183: {  	v17 =	vld [tilespmem:s26+$0xFFFFFE80];
	[tilespmem:s16+$0x4030] =	vst v9;
	v8 =	vmul.f32 $1.587301680e-02, v10;
	v9 =	vsub.f32 v3, v14  }
0x184: {  	[tilespmem:s17+$0x8030] =	vst v11  }
0x185: {  	v10 =	vld [tilespmem:s13+$0xFFFFFE50];
	[tilespmem:s25+$0x4030] =	vst v8;
	v8 =	vmul.f32 $1.587301680e-02, v9;
	v9 =	vsub.f32 v4, v15  }
0x186: {  	[tilespmem:s24+$0x8030] =	vst v16  }
0x187: {  	v11 =	vld [tilespmem:s13+$0xFFFFFED0];
	[tilespmem:s20+$0x4030] =	vst v8;
	v8 =	vmul.f32 $1.587301680e-02, v9  }
0x188: {  	v9 =	vsub.f32 v7, v17;
	[tilespmem:s21+$0x8030] =	vst v14  }
0x189: {  	v14 =	vld [tilespmem:s13+$0xFFFFFF50];
	[tilespmem:s14+$0x4040] =	vst v8  }
0x18a: {  	v8 =	vmul.f32 $1.587301680e-02, v9;
	v9 =	vld [tilespmem:s26+$0xFFFFFF00];
	v16 =	vsub.f32 v4, v10;
	[tilespmem:s15+$0x8040] =	vst v15  }
0x18b: {  	[tilespmem:s11+$0x8060] =	vst v12;
	v13 =	vld [tilespmem:s13+$0xFFFFFFE0]  }
0x18c: {  	[tilespmem:s28+$0x4070] =	vst v8;
	v8 =	vld [tilespmem:s26+$0xFFFFFF80];
	v12 =	vmul.f32 $1.587301680e-02, v16;
	v15 =	vsub.f32 v4, v11  }
0x18d: {  	[tilespmem:s29+$0x8070] =	vst v17  }
0x18e: {  	[tilespmem:s16+$0x4040] =	vst v12;
	v12 =	vmul.f32 $1.587301680e-02, v15;
	v15 =	vsub.f32 v4, v14  }
0x18f: {  	[tilespmem:s17+$0x8040] =	vst v10  }
0x190: {  	[tilespmem:s25+$0x4040] =	vst v12;
	v15 =	vmul.f32 $1.587301680e-02, v15;
	v16 =	vsub.f32 v5, v13;
	v12 =	vld [tilespmem:s13+$0xFFFFFE60]  }
0x191: {  	v10 =	vsub.f32 v7, v9;
	v17 =	vsub.f32 v7, v8;
	[tilespmem:s24+$0x8040] =	vst v11  }
0x192: {  	[tilespmem:s20+$0x4040] =	vst v15;
	v11 =	vld [tilespmem:s13+$0xFFFFFEE0];
	v15 =	vmul.f32 $1.587301680e-02, v16  }
0x193: {  	s26 =	simm.s32 $0x4;
	s28 =	simm.s32 $0x25F0;
	v10 =	vmul.f32 $1.587301680e-02, v10;
	[tilespmem:s21+$0x8040] =	vst v14;
	v14 =	vmul.f32 $1.587301680e-02, v17  }
.LBB2_8:
0x194: {  	v16 =	vld [tilespmem:s28+$0xFFFFFF90];
	[tilespmem:s14+$0x4050] =	vst v15  }
0x195: {  	s22 =	sadd.s32 $0x2, s22;
	v15 =	vld [tilespmem:s28+$0xFFFFFE10];
	v17 =	vsub.f32 v5, v12;
	[tilespmem:s15+$0x8050] =	vst v13  }
0x196: {  	p0 =	por !p0, !p0;
	s1 =	simm.s32 $0x1;
	v13 =	vld [tilespmem:s13+$0xFFFFFFF0];
	[tilespmem:s10+$0x4070] =	vst v10;
	s10 =	smov.u32 s25  }
0x197: {  	s0 =	sand.u32 $0x3, s22;
	s1 =	simm.s32 @!p0 $0x0;
	v18 =	vld [tilespmem:s28+$0xFFFFFE90];
	v10 =	vmul.f32 $1.587301680e-02, v17;
	v17 =	vsub.f32 v5, v11;
	[tilespmem:s9+$0x8070] =	vst v9;
	s9 =	smov.u32 s24  }
0x198: {  	s18 =	sadd.s32 $0x4, s18;
	s0 =	sshll.u32 s0, $0x8;
	s1 =	sshll.u32 s1, $0x9;
	v19 =	vld [tilespmem:s28+$0xFFFFFF10];
	[tilespmem:s12+$0x4070] =	vst v14  }
0x199: {  	s19 =	sadd.s32 $0x400, s19;
	s23 =	sadd.s32 $0x200, s23;
	s2 =	sand.u32 $0x7, s18;
	v9 =	vsub.f32 v0, v16;
	[tilespmem:s16+$0x4050] =	vst v10;
	v14 =	vmul.f32 $1.587301680e-02, v17;
	v10 =	vld [tilespmem:s13+$0xFFFFFF60]  }
0x19a: {  	s3 =	sand.u32 $0x3800, s19;
	s4 =	sadd.s32 $0x180, s23;
	s2 =	sshll.u32 s2, $0x7;
	v17 =	vsub.f32 v0, v15;
	[tilespmem:s17+$0x8050] =	vst v12  }
0x19b: {  	s6 =	sor.u32 $0x8000, s3;
	s5 =	sadd.s32 s19, s2;
	s2 =	sand.u32 $0x380, s4;
	v9 =	vmul.f32 $1.587301680e-02, v9;
	v12 =	vld [tilespmem:s13+$0xFFFFFE70];
	[tilespmem:s10+$0x4050] =	vst v14;
	v14 =	vsub.f32 v6, v13  }
0x19c: {  	s26 =	sadd.s32 $0x4, s26;
	s2 =	sor.u32 s2, s6;
	s3 =	sadd.s32 $0x180, s5;
	v17 =	vmul.f32 $1.587301680e-02, v17;
	v20 =	vsub.f32 v0, v18;
	[tilespmem:s9+$0x8050] =	vst v11  }
0x19d: {  	p1 =	slt.u32 s26, $0x3C;
	s0 =	sadd.s32 s19, s0;
	s3 =	sor.u32 $0x4400, s3;
	v11 =	vsub.f32 v0, v19;
	[tilespmem:s2+$0x4000] =	vst v9;
	v9 =	vld [tilespmem:s13+$0xFFFFFEF0];
	v14 =	vmul.f32 $1.587301680e-02, v14  }
0x19e: {  	s7 =	sadd.s32 $0x100, s23;
	s4 =	sadd.s32 $0x80, s23;
	s5 =	sadd.s32 $0x80, s5;
	v20 =	vmul.f32 $1.587301680e-02, v20;
	[tilespmem:s3+$0x8000] =	vst v16;
	v16 =	vsub.f32 v5, v10  }
0x19f: {  	s8 =	sadd.s32 s1, s19;
	s4 =	sand.u32 $0x280, s4;
	s12 =	sadd.s32 $0x100, s0;
	v11 =	vmul.f32 $1.587301680e-02, v11;
	v21 =	vld [tilespmem:s28+$0xFFFFFFA0];
	[tilespmem:s14+$0x4060] =	vst v14  }
0x1a0: {  	s0 =	sand.u32 $0x200, s23;
	s24 =	sor.u32 $0x4400, s5;
	s5 =	sand.u32 $0x300, s7;
	v14 =	vsub.f32 v6, v12;
	[tilespmem:s15+$0x8060] =	vst v13  }
0x1a1: {  	s1 =	sor.u32 s0, s6;
	s0 =	sor.u32 $0x4400, s8;
	s7 =	sor.u32 $0x4400, s12;
	v13 =	vmul.f32 $1.587301680e-02, v16;
	v16 =	vld [tilespmem:s13+$0x0];
	[tilespmem:s11+$0x8070] =	vst v8  }
0x1a2: {  	s25 =	sor.u32 s4, s6;
	s4 =	sor.u32 s5, s6;
	s11 =	smov.u32 s21;
	[tilespmem:s1+$0x4000] =	vst v17;
	v8 =	vmul.f32 $1.587301680e-02, v14;
	v14 =	vsub.f32 v6, v9  }
0x1a3: {  	s12 =	smov.u32 s20;
	s20 =	smov.u32 s4;
	s21 =	smov.u32 s7;
	[tilespmem:s0+$0x8000] =	vst v15  }
0x1a4: {  	v15 =	vld [tilespmem:s28+$0xFFFFFE20];
	[tilespmem:s25+$0x4000] =	vst v20;
	v17 =	vsub.f32 v1, v21;
	v14 =	vmul.f32 $1.587301680e-02, v14  }
0x1a5: {  	[tilespmem:s24+$0x8000] =	vst v18  }
0x1a6: {  	v18 =	vld [tilespmem:s28+$0xFFFFFEA0];
	[tilespmem:s20+$0x4000] =	vst v11;
	v11 =	vmul.f32 $1.587301680e-02, v17;
	v17 =	vsub.f32 v7, v16  }
0x1a7: {  	[tilespmem:s21+$0x8000] =	vst v19  }
0x1a8: {  	v19 =	vld [tilespmem:s28+$0xFFFFFF20];
	[tilespmem:s2+$0x4010] =	vst v11;
	v11 =	vmul.f32 $1.587301680e-02, v17  }
0x1a9: {  	v17 =	vsub.f32 v1, v15;
	[tilespmem:s3+$0x8010] =	vst v21  }
0x1aa: {  	v20 =	vld [tilespmem:s28+$0xFFFFFFB0];
	[tilespmem:s14+$0x4070] =	vst v11;
	s14 =	smov.u32 s2  }
0x1ab: {  	v11 =	vmul.f32 $1.587301680e-02, v17;
	v17 =	vsub.f32 v1, v18;
	[tilespmem:s15+$0x8070] =	vst v16;
	s15 =	smov.u32 s3  }
0x1ac: {  	[tilespmem:s12+$0x4050] =	vst v13  }
0x1ad: {  	[tilespmem:s1+$0x4010] =	vst v11;
	v11 =	vmul.f32 $1.587301680e-02, v17;
	v13 =	vsub.f32 v1, v19  }
0x1ae: {  	[tilespmem:s0+$0x8010] =	vst v15  }
0x1af: {  	v15 =	vld [tilespmem:s28+$0xFFFFFE30];
	[tilespmem:s25+$0x4010] =	vst v11;
	v11 =	vmul.f32 $1.587301680e-02, v13;
	v13 =	vsub.f32 v2, v20  }
0x1b0: {  	[tilespmem:s24+$0x8010] =	vst v18  }
0x1b1: {  	v16 =	vld [tilespmem:s28+$0xFFFFFEB0];
	[tilespmem:s20+$0x4010] =	vst v11;
	v11 =	vmul.f32 $1.587301680e-02, v13  }
0x1b2: {  	[tilespmem:s21+$0x8010] =	vst v19  }
0x1b3: {  	v13 =	vld [tilespmem:s28+$0xFFFFFF30];
	[tilespmem:s14+$0x4020] =	vst v11  }
0x1b4: {  	v11 =	vsub.f32 v2, v15;
	[tilespmem:s15+$0x8020] =	vst v20  }
0x1b5: {  	v17 =	vld [tilespmem:s28+$0xFFFFFFC0];
	[tilespmem:s11+$0x8050] =	vst v10  }
0x1b6: {  	v10 =	vmul.f32 $1.587301680e-02, v11;
	v11 =	vsub.f32 v2, v16;
	[tilespmem:s16+$0x4060] =	vst v8;
	v8 =	vld [tilespmem:s13+$0xFFFFFF70]  }
0x1b7: {  	[tilespmem:s17+$0x8060] =	vst v12  }
0x1b8: {  	[tilespmem:s1+$0x4020] =	vst v10;
	v10 =	vmul.f32 $1.587301680e-02, v11;
	v11 =	vsub.f32 v2, v13;
	v12 =	vld [tilespmem:s13+$0xFFFFFE80]  }
0x1b9: {  	[tilespmem:s0+$0x8020] =	vst v15  }
0x1ba: {  	v15 =	vld [tilespmem:s28+$0xFFFFFE40];
	[tilespmem:s25+$0x4020] =	vst v10;
	v10 =	vmul.f32 $1.587301680e-02, v11;
	v11 =	vsub.f32 v3, v17  }
0x1bb: {  	[tilespmem:s24+$0x8020] =	vst v16;
	v16 =	vsub.f32 v6, v8  }
0x1bc: {  	v18 =	vld [tilespmem:s28+$0xFFFFFEC0];
	[tilespmem:s20+$0x4020] =	vst v10;
	v10 =	vmul.f32 $1.587301680e-02, v11  }
0x1bd: {  	[tilespmem:s21+$0x8020] =	vst v13;
	v11 =	vsub.f32 v7, v12;
	v13 =	vmul.f32 $1.587301680e-02, v16  }
0x1be: {  	v16 =	vld [tilespmem:s28+$0xFFFFFF40];
	[tilespmem:s14+$0x4030] =	vst v10  }
0x1bf: {  	v10 =	vsub.f32 v3, v15;
	[tilespmem:s15+$0x8030] =	vst v17;
	v11 =	vmul.f32 $1.587301680e-02, v11  }
0x1c0: {  	v17 =	vld [tilespmem:s28+$0xFFFFFFD0];
	[tilespmem:s10+$0x4060] =	vst v14  }
0x1c1: {  	v10 =	vmul.f32 $1.587301680e-02, v10;
	v14 =	vsub.f32 v3, v18;
	[tilespmem:s9+$0x8060] =	vst v9  }
0x1c2: {  	v9 =	vld [tilespmem:s13+$0xFFFFFF00];
	[tilespmem:s12+$0x4060] =	vst v13  }
0x1c3: {  	[tilespmem:s1+$0x4030] =	vst v10;
	v10 =	vmul.f32 $1.587301680e-02, v14;
	v13 =	vsub.f32 v3, v16  }
0x1c4: {  	[tilespmem:s0+$0x8030] =	vst v15  }
0x1c5: {  	v14 =	vld [tilespmem:s28+$0xFFFFFE50];
	[tilespmem:s25+$0x4030] =	vst v10;
	v10 =	vmul.f32 $1.587301680e-02, v13;
	v13 =	vsub.f32 v4, v17  }
0x1c6: {  	[tilespmem:s24+$0x8030] =	vst v18  }
0x1c7: {  	v15 =	vld [tilespmem:s28+$0xFFFFFED0];
	[tilespmem:s20+$0x4030] =	vst v10;
	v10 =	vmul.f32 $1.587301680e-02, v13;
	v13 =	vsub.f32 v7, v9  }
0x1c8: {  	[tilespmem:s21+$0x8030] =	vst v16  }
0x1c9: {  	v16 =	vld [tilespmem:s28+$0xFFFFFF50];
	[tilespmem:s14+$0x4040] =	vst v10;
	v10 =	vmul.f32 $1.587301680e-02, v13  }
0x1ca: {  	v18 =	vsub.f32 v4, v14;
	[tilespmem:s15+$0x8040] =	vst v17  }
0x1cb: {  	v13 =	vld [tilespmem:s28+$0xFFFFFFE0];
	[tilespmem:s11+$0x8060] =	vst v8  }
0x1cc: {  	v17 =	vmul.f32 $1.587301680e-02, v18;
	v18 =	vsub.f32 v4, v15;
	[tilespmem:s16+$0x4070] =	vst v11;
	v8 =	vld [tilespmem:s13+$0xFFFFFF80];
	s16 =	smov.u32 s1;
	s13 =	smov.u32 s28  }
0x1cd: {  	[tilespmem:s17+$0x8070] =	vst v12;
	s17 =	smov.u32 s0  }
0x1ce: {  	[tilespmem:s16+$0x4040] =	vst v17;
	v11 =	vmul.f32 $1.587301680e-02, v18;
	v17 =	vsub.f32 v4, v16  }
.Ltmp3:
0x1cf: {  	[tilespmem:s17+$0x8040] =	vst v14;
	(pc) =	sbr.rel @p1 .LBB2_8-.Ltmp3, $4  }
0x1d0: {  	v12 =	vld [tilespmem:s28+$0xFFFFFE60];
	[tilespmem:s25+$0x4040] =	vst v11;
	v14 =	vmul.f32 $1.587301680e-02, v17;
	v17 =	vsub.f32 v5, v13  }
0x1d1: {  	[tilespmem:s24+$0x8040] =	vst v15;
	v18 =	vsub.f32 v7, v8  }
0x1d2: {  	v11 =	vld [tilespmem:s28+$0xFFFFFEE0];
	[tilespmem:s20+$0x4040] =	vst v14;
	v15 =	vmul.f32 $1.587301680e-02, v17  }
0x1d3: {  	s28 =	sadd.s32 $0x200, s28;
	[tilespmem:s21+$0x8040] =	vst v16;
	v14 =	vmul.f32 $1.587301680e-02, v18  }
0x1d4: {  	v0 =	vld [tilespmem:s13+$0xFFFFFF60]  }
0x1d5: {  	v1 =	vsub.f32 v5, v12;
	_ =	sdelay $0x1  }
0x1d6: {  	[tilespmem:s14+$0x4050] =	vst v15;
	v1 =	vmul.f32 $1.587301680e-02, v1;
	v2 =	vsub.f32 v5, v11  }
0x1d7: {  	[tilespmem:s15+$0x8050] =	vst v13  }
0x1d8: {  	v3 =	vld [tilespmem:s13+$0xFFFFFFF0];
	[tilespmem:s16+$0x4050] =	vst v1;
	v1 =	vmul.f32 $1.587301680e-02, v2;
	v2 =	vsub.f32 v5, v0  }
0x1d9: {  	[tilespmem:s17+$0x8050] =	vst v12  }
0x1da: {  	v4 =	vld [tilespmem:s13+$0xFFFFFE70];
	[tilespmem:s25+$0x4050] =	vst v1;
	v1 =	vmul.f32 $1.587301680e-02, v2  }
0x1db: {  	[tilespmem:s24+$0x8050] =	vst v11  }
0x1dc: {  	v2 =	vld [tilespmem:s13+$0xFFFFFEF0];
	[tilespmem:s20+$0x4050] =	vst v1  }
0x1dd: {  	v1 =	vsub.f32 v6, v3;
	[tilespmem:s21+$0x8050] =	vst v0  }
0x1de: {  	v0 =	vld [tilespmem:s13+$0xFFFFFF70]  }
0x1df: {  	v1 =	vmul.f32 $1.587301680e-02, v1;
	v5 =	vsub.f32 v6, v4  }
0x1e0: {  	[tilespmem:s10+$0x4070] =	vst v10  }
0x1e1: {  	[tilespmem:s14+$0x4060] =	vst v1;
	v1 =	vmul.f32 $1.587301680e-02, v5;
	v5 =	vsub.f32 v6, v2  }
0x1e2: {  	[tilespmem:s15+$0x8060] =	vst v3  }
0x1e3: {  	v3 =	vld [tilespmem:s13+$0x0];
	v5 =	vmul.f32 $1.587301680e-02, v5;
	[tilespmem:s16+$0x4060] =	vst v1;
	v1 =	vsub.f32 v6, v0  }
0x1e4: {  	[tilespmem:s17+$0x8060] =	vst v4  }
0x1e5: {  	v4 =	vld [tilespmem:s13+$0xFFFFFE80];
	v1 =	vmul.f32 $1.587301680e-02, v1;
	[tilespmem:s25+$0x4060] =	vst v5  }
0x1e6: {  	[tilespmem:s24+$0x8060] =	vst v2  }
0x1e7: {  	v2 =	vld [tilespmem:s13+$0xFFFFFF00];
	[tilespmem:s20+$0x4060] =	vst v1  }
0x1e8: {  	v1 =	vsub.f32 v7, v3;
	[tilespmem:s21+$0x8060] =	vst v0  }
0x1e9: {  	[tilespmem:s9+$0x8070] =	vst v9;
	v0 =	vld [tilespmem:s13+$0xFFFFFF80]  }
0x1ea: {  	[tilespmem:s12+$0x4070] =	vst v14;
	v1 =	vmul.f32 $1.587301680e-02, v1;
	v5 =	vsub.f32 v7, v4  }
0x1eb: {  	[tilespmem:s11+$0x8070] =	vst v8  }
0x1ec: {  	[tilespmem:s14+$0x4070] =	vst v1;
	v1 =	vmul.f32 $1.587301680e-02, v5;
	v5 =	vsub.f32 v7, v2  }
0x1ed: {  	[tilespmem:s15+$0x8070] =	vst v3  }
0x1ee: {  	v3 =	vmul.f32 $1.587301680e-02, v5;
	[tilespmem:s16+$0x4070] =	vst v1;
	v1 =	vsub.f32 v7, v0  }
0x1ef: {  	[tilespmem:s17+$0x8070] =	vst v4  }
0x1f0: {  	v1 =	vmul.f32 $1.587301680e-02, v1;
	[tilespmem:s25+$0x4070] =	vst v3  }
0x1f1: {  	[tilespmem:s24+$0x8070] =	vst v2  }
0x1f2: {  	[tilespmem:s20+$0x4070] =	vst v1  }
0x1f3: {  	s2 =	simm.s32 $0x0;
	[tilespmem:s21+$0x8070] =	vst v0  }
0x1f4: {  	v0 =	vld [tilespmem:s2+$0x4070]  }
0x1f5: {  	v1 =	vld [tilespmem:s2+$0x4000]  }
0x1f6: {  	v3 =	vld [tilespmem:s2+$0x4010]  }
0x1f7: {  	v14 =	vld [tilespmem:s2+$0x4020]  }
0x1f8: {  	v13 =	vld [tilespmem:s2+$0x4030]  }
0x1f9: {  	v11 =	vimm.f32 $0.0e+00;
	v2 =	vimm.f32 $0.0e+00;
	v4 =	vld [tilespmem:s2+$0x4040]  }
0x1fa: {  	v6 =	vimm.f32 $0.0e+00;
	v5 =	vimm.f32 $0.0e+00;
	v10 =	vld [tilespmem:s2+$0x4050];
	v7 =	vadd.f32 v0, v2  }
0x1fb: {  	s0 =	simm.s32 $0x80;
	s1 =	simm.s32 $0x400;
	v9 =	vld [tilespmem:s2+$0x4060];
	v0 =	vadd.f32 v1, v2;
	v1 =	vadd.f32 v3, v2;
	v3 =	vimm.f32 $0.0e+00  }
.LBB2_10:
0x1fc: {  	p0 =	sne.s32 s1, $0x7E00;
	v8 =	vld [tilespmem:s0+$0x4070];
	v2 =	vadd.f32 v14, v2  }
0x1fd: {  	v12 =	vld [tilespmem:s0+$0x4000];
	v3 =	vadd.f32 v13, v3  }
0x1fe: {  	v15 =	vld [tilespmem:s0+$0x4010];
	v11 =	vadd.f32 v4, v11  }
.Ltmp4:
0x1ff: {  	v14 =	vld [tilespmem:s0+$0x4020];
	v5 =	vadd.f32 v10, v5;
	(pc) =	sbr.rel @p0 .LBB2_10-.Ltmp4, $4  }
0x200: {  	v13 =	vld [tilespmem:s0+$0x4030];
	v6 =	vadd.f32 v9, v6  }
0x201: {  	v4 =	vld [tilespmem:s0+$0x4040];
	v7 =	vadd.f32 v8, v7  }
0x202: {  	v0 =	vadd.f32 v12, v0;
	v10 =	vld [tilespmem:s0+$0x4050]  }
0x203: {  	v1 =	vadd.f32 v15, v1;
	v9 =	vld [tilespmem:s0+$0x4060];
	s0 =	sshra.s32 s1, $0x2;
	s1 =	sadd.s32 $0x200, s1  }
0x204: {  	v12 =	vld [tilespmem:s0+$0x4000]  }
0x205: {  	s25 =	simm.s32 $0x41F0  }
0x206: {  	v15 =	vld [tilespmem:s25+$0xFFFFFF90];
	_ =	sdelay $0x1  }
0x207: {  	v8 =	vld [tilespmem:s0+$0x4070]  }
0x208: {  	v16 =	vld [tilespmem:s0+$0x4010];
	v0 =	vadd.f32 v12, v0  }
0x209: {  	v17 =	vld [tilespmem:s0+$0x4020];
	s2 =	simm.s32 $0x0  }
0x20a: {  	v18 =	vld [tilespmem:s0+$0x4030];
	s1 =	sand.u32 $0x7, s2;
	v12 =	vsub.f32 v0, v15  }
0x20b: {  	v19 =	vld [tilespmem:s0+$0x4040];
	s3 =	simm.s32 $0x180;
	s4 =	sand.u32 $0x3800, s2;
	s1 =	sshll.u32 s1, $0x7  }
0x20c: {  	v21 =	vld [tilespmem:s25+$0xFFFFFE10];
	s7 =	sand.u32 $0x380, s3;
	s4 =	sor.u32 $0x8000, s4;
	s5 =	sadd.s32 $0x0, s1;
	v22 =	vmul.f32 $1.587301680e-02, v12  }
0x20d: {  	v20 =	vld [tilespmem:s0+$0x4050];
	s8 =	sor.u32 s7, s4;
	s12 =	sadd.s32 $0x180, s5  }
0x20e: {  	s1 =	sor.u32 $0x8400, s12;
	v12 =	vld [tilespmem:s0+$0x4060];
	[tilespmem:s8+$0x8000] =	vst v22  }
0x20f: {  	[tilespmem:s1+$0x8000] =	vst v15  }
0x210: {  	v15 =	vld [tilespmem:s25+$0xFFFFFFA0]  }
0x211: {  	p0 =	por $0x0, $0x0;
	s3 =	simm.s32 $0x1;
	v59 =	vsub.f32 v0, v21  }
0x212: {  	s6 =	simm.s32 $0x0;
	v23 =	vld [tilespmem:s25+$0xFFFFFE90];
	s3 =	simm.s32 @!p0 $0x0  }
0x213: {  	s6 =	sand.u32 $0x200, s6;
	s3 =	sshll.u32 s3, $0x9;
	v1 =	vadd.f32 v16, v1;
	v16 =	vmul.f32 $1.587301680e-02, v59  }
0x214: {  	s29 =	sor.u32 s6, s4;
	s3 =	sadd.s32 $0x0, s3  }
0x215: {  	v60 =	vld [tilespmem:s25+$0xFFFFFF10];
	s28 =	sor.u32 $0x8400, s3;
	[tilespmem:s29+$0x8000] =	vst v16;
	v16 =	vsub.f32 v1, v15  }
0x216: {  	[tilespmem:s28+$0x8000] =	vst v21  }
0x217: {  	v61 =	vsub.f32 v0, v23;
	v24 =	vld [tilespmem:s25+$0xFFFFFE20];
	v16 =	vmul.f32 $1.587301680e-02, v16  }
0x218: {  	s13 =	simm.s32 $0x80  }
0x219: {  	s3 =	sand.u32 $0x280, s13;
	[tilespmem:s8+$0x8010] =	vst v16;
	v16 =	vmul.f32 $1.587301680e-02, v61  }
0x21a: {  	s2 =	sand.u32 $0x3, s2;
	s5 =	sadd.s32 $0x80, s5;
	s26 =	sor.u32 s3, s4;
	[tilespmem:s1+$0x8010] =	vst v15;
	v15 =	vsub.f32 v0, v60  }
0x21b: {  	s14 =	simm.s32 $0x100;
	s2 =	sshll.u32 s2, $0x8;
	s9 =	sor.u32 $0x8400, s5;
	[tilespmem:s26+$0x8000] =	vst v16;
	v16 =	vld [tilespmem:s25+$0xFFFFFFB0]  }
0x21c: {  	v2 =	vadd.f32 v14, v2;
	s2 =	sadd.s32 $0x0, s2;
	s3 =	sand.u32 $0x300, s14;
	v14 =	vmul.f32 $1.587301680e-02, v15;
	[tilespmem:s9+$0x8000] =	vst v23;
	v15 =	vsub.f32 v1, v24  }
0x21d: {  	s2 =	sadd.s32 $0x100, s2;
	s11 =	sor.u32 s3, s4;
	v62 =	vld [tilespmem:s25+$0xFFFFFEA0]  }
0x21e: {  	v2 =	vadd.f32 v17, v2;
	s10 =	sor.u32 $0x8400, s2;
	[tilespmem:s11+$0x8000] =	vst v14;
	v14 =	vmul.f32 $1.587301680e-02, v15  }
0x21f: {  	[tilespmem:s10+$0x8000] =	vst v60  }
0x220: {  	v15 =	vld [tilespmem:s25+$0xFFFFFF20];
	[tilespmem:s29+$0x8010] =	vst v14;
	v14 =	vsub.f32 v2, v16  }
0x221: {  	[tilespmem:s28+$0x8010] =	vst v24  }
0x222: {  	v17 =	vsub.f32 v1, v62;
	v63 =	vld [tilespmem:s25+$0xFFFFFE30];
	v14 =	vmul.f32 $1.587301680e-02, v14;
	_ =	sdelay $0x1  }
0x223: {  	[tilespmem:s8+$0x8020] =	vst v14;
	v14 =	vmul.f32 $1.587301680e-02, v17  }
0x224: {  	[tilespmem:s1+$0x8020] =	vst v16;
	v16 =	vsub.f32 v1, v15  }
0x225: {  	[tilespmem:s26+$0x8010] =	vst v14;
	v14 =	vld [tilespmem:s25+$0xFFFFFFC0]  }
0x226: {  	v3 =	vadd.f32 v13, v3;
	[tilespmem:s9+$0x8010] =	vst v62;
	v13 =	vmul.f32 $1.587301680e-02, v16;
	v16 =	vsub.f32 v2, v63  }
0x227: {  	v17 =	vld [tilespmem:s25+$0xFFFFFEB0]  }
0x228: {  	v3 =	vadd.f32 v18, v3;
	[tilespmem:s11+$0x8010] =	vst v13;
	v13 =	vmul.f32 $1.587301680e-02, v16  }
0x229: {  	[tilespmem:s10+$0x8010] =	vst v15  }
0x22a: {  	v15 =	vld [tilespmem:s25+$0xFFFFFF30];
	[tilespmem:s29+$0x8020] =	vst v13;
	v13 =	vsub.f32 v3, v14  }
0x22b: {  	[tilespmem:s28+$0x8020] =	vst v63  }
0x22c: {  	v16 =	vsub.f32 v2, v17;
	v18 =	vld [tilespmem:s25+$0xFFFFFE40];
	v13 =	vmul.f32 $1.587301680e-02, v13;
	_ =	sdelay $0x1  }
0x22d: {  	v16 =	vmul.f32 $1.587301680e-02, v16;
	[tilespmem:s8+$0x8030] =	vst v13  }
0x22e: {  	v13 =	vsub.f32 v2, v15;
	[tilespmem:s1+$0x8030] =	vst v14  }
0x22f: {  	[tilespmem:s26+$0x8020] =	vst v16;
	v14 =	vld [tilespmem:s25+$0xFFFFFFD0]  }
0x230: {  	v4 =	vadd.f32 v4, v11;
	[tilespmem:s9+$0x8020] =	vst v17;
	v11 =	vmul.f32 $1.587301680e-02, v13;
	v13 =	vsub.f32 v3, v18  }
0x231: {  	v16 =	vld [tilespmem:s25+$0xFFFFFEC0]  }
0x232: {  	v4 =	vadd.f32 v19, v4;
	[tilespmem:s11+$0x8020] =	vst v11;
	v11 =	vmul.f32 $1.587301680e-02, v13  }
0x233: {  	[tilespmem:s10+$0x8020] =	vst v15  }
0x234: {  	v13 =	vld [tilespmem:s25+$0xFFFFFF40];
	[tilespmem:s29+$0x8030] =	vst v11;
	v11 =	vsub.f32 v4, v14  }
0x235: {  	[tilespmem:s28+$0x8030] =	vst v18  }
0x236: {  	v15 =	vsub.f32 v3, v16;
	v17 =	vld [tilespmem:s25+$0xFFFFFE50];
	v11 =	vmul.f32 $1.587301680e-02, v11;
	_ =	sdelay $0x1  }
0x237: {  	v15 =	vmul.f32 $1.587301680e-02, v15;
	[tilespmem:s8+$0x8040] =	vst v11  }
0x238: {  	v11 =	vsub.f32 v3, v13;
	[tilespmem:s1+$0x8040] =	vst v14  }
0x239: {  	[tilespmem:s26+$0x8030] =	vst v15;
	v14 =	vld [tilespmem:s25+$0xFFFFFFE0]  }
0x23a: {  	v5 =	vadd.f32 v10, v5;
	[tilespmem:s9+$0x8030] =	vst v16;
	v10 =	vmul.f32 $1.587301680e-02, v11;
	v11 =	vsub.f32 v4, v17  }
0x23b: {  	v15 =	vld [tilespmem:s25+$0xFFFFFED0]  }
0x23c: {  	v5 =	vadd.f32 v20, v5;
	[tilespmem:s11+$0x8030] =	vst v10;
	v10 =	vmul.f32 $1.587301680e-02, v11  }
0x23d: {  	[tilespmem:s10+$0x8030] =	vst v13  }
0x23e: {  	v11 =	vld [tilespmem:s25+$0xFFFFFF50];
	[tilespmem:s29+$0x8040] =	vst v10;
	v10 =	vsub.f32 v5, v14  }
0x23f: {  	[tilespmem:s28+$0x8040] =	vst v17  }
0x240: {  	v13 =	vsub.f32 v4, v15;
	v16 =	vld [tilespmem:s25+$0xFFFFFE60];
	v10 =	vmul.f32 $1.587301680e-02, v10  }
0x241: {  	s12 =	simm.s32 $0x43F0  }
0x242: {  	v17 =	vld [tilespmem:s12+$0xFFFFFF90];
	v13 =	vmul.f32 $1.587301680e-02, v13;
	[tilespmem:s8+$0x8050] =	vst v10  }
0x243: {  	v10 =	vsub.f32 v4, v11;
	[tilespmem:s1+$0x8050] =	vst v14  }
0x244: {  	[tilespmem:s26+$0x8040] =	vst v13;
	v13 =	vld [tilespmem:s25+$0xFFFFFFF0]  }
0x245: {  	v6 =	vadd.f32 v9, v6;
	[tilespmem:s9+$0x8040] =	vst v15;
	v9 =	vmul.f32 $1.587301680e-02, v10;
	v10 =	vsub.f32 v5, v16  }
0x246: {  	s18 =	simm.s32 $0x4;
	v14 =	vld [tilespmem:s25+$0xFFFFFEE0]  }
0x247: {  	s19 =	simm.s32 $0x400;
	s15 =	sand.u32 $0x7, s18;
	v6 =	vadd.f32 v12, v6;
	v12 =	vld [tilespmem:s12+$0xFFFFFE10];
	[tilespmem:s11+$0x8040] =	vst v9;
	v9 =	vmul.f32 $1.587301680e-02, v10;
	v10 =	vsub.f32 v0, v17  }
0x248: {  	s21 =	simm.s32 $0x380;
	s16 =	sand.u32 $0x3800, s19;
	s2 =	sshll.u32 s15, $0x7;
	[tilespmem:s10+$0x8040] =	vst v11  }
0x249: {  	s17 =	sand.u32 $0x380, s21;
	s2 =	sadd.s32 $0x400, s2;
	s3 =	sor.u32 $0x8000, s16;
	[tilespmem:s29+$0x8050] =	vst v9;
	v9 =	vmul.f32 $1.587301680e-02, v10;
	v10 =	vsub.f32 v6, v13  }
0x24a: {  	s20 =	sadd.s32 $0x180, s2;
	s13 =	sor.u32 s17, s3;
	v11 =	vld [tilespmem:s12+$0xFFFFFE90];
	[tilespmem:s28+$0x8050] =	vst v16  }
0x24b: {  	s14 =	sor.u32 $0x8400, s20;
	v15 =	vsub.f32 v5, v14;
	[tilespmem:s13+$0x8000] =	vst v9;
	v9 =	vmul.f32 $1.587301680e-02, v10  }
0x24c: {  	v16 =	vsub.f32 v0, v12;
	v10 =	vld [tilespmem:s12+$0xFFFFFF10];
	[tilespmem:s14+$0x8000] =	vst v17  }
0x24d: {  	s22 =	simm.s32 $0x200;
	p0 =	por !p0, !p0;
	s4 =	simm.s32 $0x1;
	v15 =	vmul.f32 $1.587301680e-02, v15;
	v17 =	vld [tilespmem:s12+$0xFFFFFFA0];
	[tilespmem:s8+$0x8060] =	vst v9  }
0x24e: {  	s5 =	sand.u32 $0x200, s22;
	s4 =	simm.s32 @!p0 $0x0;
	v9 =	vmul.f32 $1.587301680e-02, v16;
	[tilespmem:s1+$0x8060] =	vst v13  }
0x24f: {  	s15 =	sor.u32 s5, s3;
	s4 =	sshll.u32 s4, $0x9;
	v13 =	vsub.f32 v0, v11;
	[tilespmem:s26+$0x8050] =	vst v15  }
0x250: {  	s23 =	simm.s32 $0x280;
	s4 =	sadd.s32 $0x400, s4;
	v15 =	vld [tilespmem:s25+$0x0];
	[tilespmem:s15+$0x8000] =	vst v9  }
0x251: {  	s30 =	simm.s32 $0x300;
	s24 =	sand.u32 $0x280, s23;
	s16 =	sor.u32 $0x8400, s4;
	[tilespmem:s9+$0x8050] =	vst v14;
	v14 =	vsub.f32 v0, v10;
	v13 =	vmul.f32 $1.587301680e-02, v13  }
0x252: {  	s23 =	simm.s32 $0x2;
	v7 =	vadd.f32 v8, v7;
	s2 =	sadd.s32 $0x80, s2;
	s17 =	sor.u32 s24, s3;
	v8 =	vld [tilespmem:s25+$0xFFFFFF60];
	[tilespmem:s16+$0x8000] =	vst v12;
	v9 =	vsub.f32 v1, v17  }
0x253: {  	s31 =	sand.u32 $0x3, s23;
	s24 =	sor.u32 $0x8400, s2;
	s4 =	sand.u32 $0x300, s30;
	v12 =	vmul.f32 $1.587301680e-02, v14;
	v14 =	vld [tilespmem:s12+$0xFFFFFE20];
	[tilespmem:s17+$0x8000] =	vst v13  }
0x254: {  	s2 =	sshll.u32 s31, $0x8;
	s20 =	sor.u32 s4, s3;
	[tilespmem:s24+$0x8000] =	vst v11;
	v9 =	vmul.f32 $1.587301680e-02, v9  }
0x255: {  	s2 =	sadd.s32 $0x400, s2;
	v11 =	vsub.f32 v7, v15;
	v13 =	vld [tilespmem:s12+$0xFFFFFEA0];
	[tilespmem:s20+$0x8000] =	vst v12  }
0x256: {  	s2 =	sadd.s32 $0x100, s2;
	[tilespmem:s13+$0x8010] =	vst v9  }
0x257: {  	s22 =	sor.u32 $0x8400, s2;
	v9 =	vmul.f32 $1.587301680e-02, v11;
	v11 =	vsub.f32 v5, v8;
	[tilespmem:s14+$0x8010] =	vst v17  }
0x258: {  	[tilespmem:s22+$0x8000] =	vst v10;
	v12 =	vsub.f32 v1, v14;
	v16 =	vld [tilespmem:s12+$0xFFFFFFB0]  }
0x259: {  	[tilespmem:s8+$0x8070] =	vst v9;
	v9 =	vmul.f32 $1.587301680e-02, v11  }
0x25a: {  	v11 =	vld [tilespmem:s25+$0xFFFFFE70];
	[tilespmem:s1+$0x8070] =	vst v15;
	v12 =	vmul.f32 $1.587301680e-02, v12;
	v15 =	vsub.f32 v1, v13  }
0x25b: {  	v10 =	vld [tilespmem:s12+$0xFFFFFF20];
	[tilespmem:s11+$0x8050] =	vst v9  }
0x25c: {  	[tilespmem:s15+$0x8010] =	vst v12;
	v9 =	vmul.f32 $1.587301680e-02, v15  }
0x25d: {  	[tilespmem:s16+$0x8010] =	vst v14;
	v12 =	vsub.f32 v2, v16  }
0x25e: {  	v14 =	vld [tilespmem:s12+$0xFFFFFE30];
	[tilespmem:s17+$0x8010] =	vst v9  }
0x25f: {  	v9 =	vsub.f32 v6, v11;
	[tilespmem:s24+$0x8010] =	vst v13;
	v12 =	vmul.f32 $1.587301680e-02, v12  }
0x260: {  	v15 =	vsub.f32 v1, v10;
	[tilespmem:s10+$0x8050] =	vst v8;
	v13 =	vld [tilespmem:s12+$0xFFFFFEB0]  }
0x261: {  	v8 =	vmul.f32 $1.587301680e-02, v9;
	[tilespmem:s13+$0x8020] =	vst v12  }
0x262: {  	v9 =	vld [tilespmem:s25+$0xFFFFFEF0];
	v12 =	vmul.f32 $1.587301680e-02, v15;
	[tilespmem:s14+$0x8020] =	vst v16  }
0x263: {  	[tilespmem:s29+$0x8060] =	vst v8;
	v15 =	vsub.f32 v2, v14;
	v16 =	vld [tilespmem:s12+$0xFFFFFFC0]  }
0x264: {  	[tilespmem:s20+$0x8010] =	vst v12  }
0x265: {  	v8 =	vmul.f32 $1.587301680e-02, v15;
	v12 =	vsub.f32 v2, v13;
	[tilespmem:s22+$0x8010] =	vst v10  }
0x266: {  	[tilespmem:s28+$0x8060] =	vst v11;
	v10 =	vld [tilespmem:s12+$0xFFFFFF30]  }
0x267: {  	v11 =	vsub.f32 v6, v9;
	[tilespmem:s15+$0x8020] =	vst v8;
	v8 =	vmul.f32 $1.587301680e-02, v12  }
0x268: {  	v12 =	vld [tilespmem:s25+$0xFFFFFF70];
	[tilespmem:s16+$0x8020] =	vst v14;
	v14 =	vsub.f32 v3, v16  }
0x269: {  	v11 =	vmul.f32 $1.587301680e-02, v11;
	v15 =	vld [tilespmem:s12+$0xFFFFFE40];
	[tilespmem:s17+$0x8020] =	vst v8  }
0x26a: {  	[tilespmem:s24+$0x8020] =	vst v13;
	v8 =	vmul.f32 $1.587301680e-02, v14  }
0x26b: {  	[tilespmem:s26+$0x8060] =	vst v11;
	v13 =	vld [tilespmem:s12+$0xFFFFFEC0];
	v14 =	vsub.f32 v2, v10  }
0x26c: {  	[tilespmem:s13+$0x8030] =	vst v8  }
0x26d: {  	v8 =	vsub.f32 v6, v12;
	v11 =	vmul.f32 $1.587301680e-02, v14;
	[tilespmem:s14+$0x8030] =	vst v16  }
0x26e: {  	[tilespmem:s9+$0x8060] =	vst v9;
	v14 =	vsub.f32 v3, v15;
	v16 =	vld [tilespmem:s12+$0xFFFFFFD0]  }
0x26f: {  	v8 =	vmul.f32 $1.587301680e-02, v8;
	[tilespmem:s20+$0x8020] =	vst v11  }
0x270: {  	v11 =	vld [tilespmem:s25+$0xFFFFFE80];
	v9 =	vmul.f32 $1.587301680e-02, v14;
	v14 =	vsub.f32 v3, v13;
	[tilespmem:s22+$0x8020] =	vst v10  }
0x271: {  	v10 =	vld [tilespmem:s12+$0xFFFFFF40];
	[tilespmem:s11+$0x8060] =	vst v8  }
0x272: {  	[tilespmem:s15+$0x8030] =	vst v9;
	v8 =	vmul.f32 $1.587301680e-02, v14  }
0x273: {  	[tilespmem:s16+$0x8030] =	vst v15;
	v9 =	vsub.f32 v4, v16  }
0x274: {  	v15 =	vld [tilespmem:s12+$0xFFFFFE50];
	[tilespmem:s17+$0x8030] =	vst v8  }
0x275: {  	v8 =	vsub.f32 v7, v11;
	[tilespmem:s24+$0x8030] =	vst v13;
	v9 =	vmul.f32 $1.587301680e-02, v9  }
0x276: {  	[tilespmem:s10+$0x8060] =	vst v12;
	v17 =	vld [tilespmem:s12+$0xFFFFFED0];
	v13 =	vsub.f32 v3, v10  }
0x277: {  	v12 =	vmul.f32 $1.587301680e-02, v8;
	[tilespmem:s13+$0x8040] =	vst v9  }
0x278: {  	v9 =	vld [tilespmem:s25+$0xFFFFFF00];
	v14 =	vmul.f32 $1.587301680e-02, v13;
	[tilespmem:s14+$0x8040] =	vst v16  }
0x279: {  	[tilespmem:s29+$0x8070] =	vst v12;
	v16 =	vsub.f32 v4, v15;
	v13 =	vld [tilespmem:s12+$0xFFFFFFE0]  }
0x27a: {  	v8 =	vld [tilespmem:s25+$0xFFFFFF80];
	[tilespmem:s20+$0x8030] =	vst v14  }
0x27b: {  	v12 =	vmul.f32 $1.587301680e-02, v16;
	v16 =	vsub.f32 v4, v17;
	[tilespmem:s22+$0x8030] =	vst v10  }
0x27c: {  	[tilespmem:s28+$0x8070] =	vst v11;
	v14 =	vld [tilespmem:s12+$0xFFFFFF50]  }
0x27d: {  	v10 =	vsub.f32 v7, v9;
	[tilespmem:s15+$0x8040] =	vst v12;
	v11 =	vmul.f32 $1.587301680e-02, v16  }
0x27e: {  	[tilespmem:s16+$0x8040] =	vst v15;
	v15 =	vsub.f32 v5, v13  }
0x27f: {  	v18 =	vmul.f32 $1.587301680e-02, v10;
	v10 =	vsub.f32 v7, v8;
	[tilespmem:s17+$0x8040] =	vst v11;
	v12 =	vld [tilespmem:s12+$0xFFFFFE60]  }
0x280: {  	[tilespmem:s24+$0x8040] =	vst v17;
	v15 =	vmul.f32 $1.587301680e-02, v15  }
0x281: {  	s25 =	simm.s32 $0x4;
	s28 =	simm.s32 $0x45F0;
	v11 =	vmul.f32 $1.587301680e-02, v10;
	v10 =	vld [tilespmem:s12+$0xFFFFFEE0];
	v16 =	vsub.f32 v4, v14;
	[tilespmem:s26+$0x8070] =	vst v18  }
.LBB2_12:
0x282: {  	v17 =	vld [tilespmem:s28+$0xFFFFFF90];
	[tilespmem:s13+$0x8050] =	vst v15  }
0x283: {  	v15 =	vld [tilespmem:s28+$0xFFFFFE10];
	v16 =	vmul.f32 $1.587301680e-02, v16;
	[tilespmem:s14+$0x8050] =	vst v13  }
0x284: {  	p0 =	por !p0, !p0;
	s0 =	simm.s32 $0x1;
	v13 =	vsub.f32 v5, v12;
	v18 =	vld [tilespmem:s12+$0xFFFFFFF0];
	[tilespmem:s9+$0x8070] =	vst v9;
	s9 =	smov.u32 s24  }
0x285: {  	s23 =	sadd.s32 $0x2, s23;
	s0 =	simm.s32 @!p0 $0x0;
	v9 =	vld [tilespmem:s28+$0xFFFFFE90];
	[tilespmem:s20+$0x8040] =	vst v16  }
0x286: {  	s18 =	sadd.s32 $0x4, s18;
	s1 =	sand.u32 $0x3, s23;
	s0 =	sshll.u32 s0, $0x9;
	v16 =	vld [tilespmem:s28+$0xFFFFFF10];
	v13 =	vmul.f32 $1.587301680e-02, v13;
	v19 =	vsub.f32 v5, v10;
	[tilespmem:s22+$0x8040] =	vst v14  }
0x287: {  	s19 =	sadd.s32 $0x400, s19;
	s2 =	sand.u32 $0x7, s18;
	s1 =	sshll.u32 s1, $0x8;
	v14 =	vsub.f32 v0, v17;
	v20 =	vld [tilespmem:s12+$0xFFFFFF60];
	[tilespmem:s11+$0x8070] =	vst v11  }
0x288: {  	s21 =	sadd.s32 $0x200, s21;
	s3 =	sand.u32 $0x3800, s19;
	s2 =	sshll.u32 s2, $0x7;
	v11 =	vsub.f32 v0, v15;
	[tilespmem:s15+$0x8050] =	vst v13;
	v13 =	vmul.f32 $1.587301680e-02, v19  }
0x289: {  	s5 =	sor.u32 $0x8000, s3;
	s3 =	sand.u32 $0x380, s21;
	s2 =	sadd.s32 s19, s2;
	v14 =	vmul.f32 $1.587301680e-02, v14;
	[tilespmem:s16+$0x8050] =	vst v12;
	v12 =	vsub.f32 v6, v18  }
0x28a: {  	s25 =	sadd.s32 $0x4, s25;
	s3 =	sor.u32 s3, s5;
	s4 =	sadd.s32 $0x180, s2;
	v11 =	vmul.f32 $1.587301680e-02, v11;
	v19 =	vsub.f32 v0, v9;
	v21 =	vld [tilespmem:s12+$0xFFFFFE70];
	[tilespmem:s17+$0x8050] =	vst v13  }
0x28b: {  	p1 =	slt.u32 s25, $0x3C;
	s1 =	sadd.s32 s19, s1;
	s4 =	sor.u32 $0x8400, s4;
	v13 =	vsub.f32 v0, v16;
	[tilespmem:s3+$0x8000] =	vst v14;
	v12 =	vmul.f32 $1.587301680e-02, v12  }
0x28c: {  	s6 =	sadd.s32 $0xFFFFFE80, s21;
	s7 =	sadd.s32 $0xFFFFFF00, s21;
	s8 =	sadd.s32 $0xFFFFFF80, s21;
	[tilespmem:s4+$0x8000] =	vst v17;
	v14 =	vsub.f32 v5, v20  }
0x28d: {  	s0 =	sadd.s32 s0, s19;
	s2 =	sadd.s32 $0x80, s2;
	s11 =	sadd.s32 $0x100, s1;
	v17 =	vmul.f32 $1.587301680e-02, v19;
	v13 =	vmul.f32 $1.587301680e-02, v13;
	v19 =	vld [tilespmem:s28+$0xFFFFFFA0];
	[tilespmem:s13+$0x8060] =	vst v12  }
0x28e: {  	s6 =	sand.u32 $0x200, s6;
	s7 =	sand.u32 $0x280, s7;
	s8 =	sand.u32 $0x300, s8;
	[tilespmem:s14+$0x8060] =	vst v18  }
0x28f: {  	s1 =	sor.u32 $0x8400, s0;
	s24 =	sor.u32 $0x8400, s2;
	s11 =	sor.u32 $0x8400, s11;
	v12 =	vsub.f32 v6, v21;
	[tilespmem:s9+$0x8050] =	vst v10;
	v10 =	vmul.f32 $1.587301680e-02, v14;
	v14 =	vld [tilespmem:s12+$0x0]  }
0x290: {  	s2 =	sor.u32 s6, s5;
	s0 =	sor.u32 s7, s5;
	s5 =	sor.u32 s8, s5;
	v18 =	vld [tilespmem:s12+$0xFFFFFEF0];
	[tilespmem:s10+$0x8070] =	vst v8  }
0x291: {  	s10 =	smov.u32 s22;
	s22 =	smov.u32 s11;
	s11 =	smov.u32 s20;
	[tilespmem:s2+$0x8000] =	vst v11;
	v8 =	vmul.f32 $1.587301680e-02, v12  }
0x292: {  	s20 =	smov.u32 s5;
	[tilespmem:s1+$0x8000] =	vst v15;
	v11 =	vsub.f32 v1, v19  }
0x293: {  	v12 =	vld [tilespmem:s28+$0xFFFFFE20];
	[tilespmem:s0+$0x8000] =	vst v17  }
0x294: {  	[tilespmem:s24+$0x8000] =	vst v9;
	v9 =	vmul.f32 $1.587301680e-02, v11;
	v11 =	vsub.f32 v7, v14  }
0x295: {  	v15 =	vld [tilespmem:s28+$0xFFFFFEA0];
	[tilespmem:s20+$0x8000] =	vst v13;
	v13 =	vsub.f32 v6, v18  }
0x296: {  	[tilespmem:s3+$0x8010] =	vst v9;
	v9 =	vmul.f32 $1.587301680e-02, v11  }
0x297: {  	[tilespmem:s4+$0x8010] =	vst v19;
	v11 =	vmul.f32 $1.587301680e-02, v13  }
0x298: {  	v13 =	vsub.f32 v1, v12;
	v17 =	vld [tilespmem:s28+$0xFFFFFFB0];
	[tilespmem:s13+$0x8070] =	vst v9;
	s13 =	smov.u32 s3  }
0x299: {  	[tilespmem:s14+$0x8070] =	vst v14;
	s14 =	smov.u32 s4  }
0x29a: {  	v9 =	vmul.f32 $1.587301680e-02, v13;
	v13 =	vsub.f32 v1, v15;
	[tilespmem:s22+$0x8000] =	vst v16  }
0x29b: {  	v14 =	vld [tilespmem:s28+$0xFFFFFF20];
	[tilespmem:s11+$0x8050] =	vst v10  }
0x29c: {  	[tilespmem:s2+$0x8010] =	vst v9;
	v9 =	vmul.f32 $1.587301680e-02, v13  }
0x29d: {  	[tilespmem:s1+$0x8010] =	vst v12;
	v10 =	vsub.f32 v2, v17  }
0x29e: {  	v12 =	vld [tilespmem:s28+$0xFFFFFE30];
	[tilespmem:s0+$0x8010] =	vst v9  }
0x29f: {  	[tilespmem:s24+$0x8010] =	vst v15;
	v9 =	vmul.f32 $1.587301680e-02, v10  }
0x2a0: {  	v10 =	vld [tilespmem:s28+$0xFFFFFEB0];
	v13 =	vsub.f32 v1, v14;
	[tilespmem:s10+$0x8050] =	vst v20  }
0x2a1: {  	[tilespmem:s13+$0x8020] =	vst v9;
	v15 =	vld [tilespmem:s12+$0xFFFFFF70]  }
0x2a2: {  	v9 =	vmul.f32 $1.587301680e-02, v13;
	[tilespmem:s14+$0x8020] =	vst v17  }
0x2a3: {  	v13 =	vsub.f32 v2, v12;
	v16 =	vld [tilespmem:s28+$0xFFFFFFC0];
	[tilespmem:s15+$0x8060] =	vst v8  }
0x2a4: {  	[tilespmem:s20+$0x8010] =	vst v9  }
0x2a5: {  	v8 =	vmul.f32 $1.587301680e-02, v13;
	v9 =	vsub.f32 v2, v10;
	[tilespmem:s22+$0x8010] =	vst v14  }
0x2a6: {  	v13 =	vld [tilespmem:s28+$0xFFFFFF30];
	[tilespmem:s16+$0x8060] =	vst v21;
	v14 =	vsub.f32 v6, v15  }
0x2a7: {  	[tilespmem:s2+$0x8020] =	vst v8;
	v8 =	vmul.f32 $1.587301680e-02, v9;
	v17 =	vld [tilespmem:s12+$0xFFFFFE80]  }
0x2a8: {  	[tilespmem:s1+$0x8020] =	vst v12;
	v9 =	vsub.f32 v3, v16;
	v12 =	vmul.f32 $1.587301680e-02, v14  }
0x2a9: {  	v14 =	vld [tilespmem:s28+$0xFFFFFE40];
	[tilespmem:s0+$0x8020] =	vst v8  }
0x2aa: {  	[tilespmem:s24+$0x8020] =	vst v10;
	v8 =	vmul.f32 $1.587301680e-02, v9  }
0x2ab: {  	v10 =	vld [tilespmem:s28+$0xFFFFFEC0];
	v9 =	vsub.f32 v2, v13;
	[tilespmem:s17+$0x8060] =	vst v11  }
0x2ac: {  	[tilespmem:s13+$0x8030] =	vst v8;
	v8 =	vsub.f32 v7, v17  }
0x2ad: {  	v9 =	vmul.f32 $1.587301680e-02, v9;
	[tilespmem:s14+$0x8030] =	vst v16  }
0x2ae: {  	v11 =	vsub.f32 v3, v14;
	v16 =	vld [tilespmem:s28+$0xFFFFFFD0];
	v19 =	vmul.f32 $1.587301680e-02, v8;
	[tilespmem:s9+$0x8060] =	vst v18  }
0x2af: {  	[tilespmem:s20+$0x8020] =	vst v9;
	v9 =	vld [tilespmem:s12+$0xFFFFFF00]  }
0x2b0: {  	v8 =	vmul.f32 $1.587301680e-02, v11;
	v11 =	vsub.f32 v3, v10;
	[tilespmem:s22+$0x8020] =	vst v13  }
0x2b1: {  	v18 =	vld [tilespmem:s28+$0xFFFFFF40];
	[tilespmem:s11+$0x8060] =	vst v12  }
0x2b2: {  	[tilespmem:s2+$0x8030] =	vst v8;
	v8 =	vmul.f32 $1.587301680e-02, v11  }
0x2b3: {  	[tilespmem:s1+$0x8030] =	vst v14;
	v11 =	vsub.f32 v4, v16  }
0x2b4: {  	v12 =	vld [tilespmem:s28+$0xFFFFFE50];
	[tilespmem:s0+$0x8030] =	vst v8;
	v8 =	vsub.f32 v7, v9  }
0x2b5: {  	[tilespmem:s24+$0x8030] =	vst v10;
	v10 =	vmul.f32 $1.587301680e-02, v11  }
0x2b6: {  	v20 =	vld [tilespmem:s28+$0xFFFFFED0];
	v11 =	vsub.f32 v3, v18;
	v21 =	vmul.f32 $1.587301680e-02, v8;
	[tilespmem:s10+$0x8060] =	vst v15  }
0x2b7: {  	[tilespmem:s13+$0x8040] =	vst v10;
	v8 =	vld [tilespmem:s12+$0xFFFFFF80];
	s12 =	smov.u32 s28  }
0x2b8: {  	v10 =	vmul.f32 $1.587301680e-02, v11;
	[tilespmem:s14+$0x8040] =	vst v16  }
0x2b9: {  	v11 =	vsub.f32 v4, v12;
	v13 =	vld [tilespmem:s28+$0xFFFFFFE0];
	[tilespmem:s15+$0x8070] =	vst v19;
	s15 =	smov.u32 s2  }
0x2ba: {  	[tilespmem:s20+$0x8030] =	vst v10  }
0x2bb: {  	v10 =	vmul.f32 $1.587301680e-02, v11;
	v11 =	vsub.f32 v4, v20;
	[tilespmem:s22+$0x8030] =	vst v18  }
0x2bc: {  	v14 =	vld [tilespmem:s28+$0xFFFFFF50];
	[tilespmem:s16+$0x8070] =	vst v17;
	v15 =	vsub.f32 v7, v8;
	s16 =	smov.u32 s1  }
.Ltmp5:
0x2bd: {  	[tilespmem:s15+$0x8040] =	vst v10;
	v10 =	vmul.f32 $1.587301680e-02, v11;
	(pc) =	sbr.rel @p1 .LBB2_12-.Ltmp5, $4  }
0x2be: {  	[tilespmem:s16+$0x8040] =	vst v12;
	v16 =	vsub.f32 v5, v13;
	v11 =	vmul.f32 $1.587301680e-02, v15  }
0x2bf: {  	v12 =	vld [tilespmem:s28+$0xFFFFFE60];
	[tilespmem:s0+$0x8040] =	vst v10  }
0x2c0: {  	[tilespmem:s24+$0x8040] =	vst v20;
	v15 =	vmul.f32 $1.587301680e-02, v16  }
0x2c1: {  	s28 =	sadd.s32 $0x200, s28;
	v10 =	vld [tilespmem:s12+$0xFFFFFEE0];
	v16 =	vsub.f32 v4, v14;
	[tilespmem:s17+$0x8070] =	vst v21;
	s17 =	smov.u32 s0  }
0x2c2: {  	_ = 	snop  }
0x2c3: {  	v0 =	vmul.f32 $1.587301680e-02, v16;
	_ =	sdelay $0x1  }
0x2c4: {  	[tilespmem:s20+$0x8040] =	vst v0  }
0x2c5: {  	[tilespmem:s22+$0x8040] =	vst v14  }
0x2c6: {  	v0 =	vld [tilespmem:s12+$0xFFFFFF60]  }
0x2c7: {  	v1 =	vsub.f32 v5, v12;
	_ =	sdelay $0x1  }
0x2c8: {  	[tilespmem:s13+$0x8050] =	vst v15;
	v1 =	vmul.f32 $1.587301680e-02, v1;
	v2 =	vsub.f32 v5, v10  }
0x2c9: {  	[tilespmem:s14+$0x8050] =	vst v13  }
0x2ca: {  	v3 =	vld [tilespmem:s12+$0xFFFFFFF0];
	[tilespmem:s15+$0x8050] =	vst v1;
	v1 =	vmul.f32 $1.587301680e-02, v2;
	v2 =	vsub.f32 v5, v0  }
0x2cb: {  	[tilespmem:s16+$0x8050] =	vst v12  }
0x2cc: {  	v4 =	vld [tilespmem:s12+$0xFFFFFE70];
	[tilespmem:s17+$0x8050] =	vst v1;
	v1 =	vmul.f32 $1.587301680e-02, v2  }
0x2cd: {  	[tilespmem:s24+$0x8050] =	vst v10  }
0x2ce: {  	v2 =	vld [tilespmem:s12+$0xFFFFFEF0];
	[tilespmem:s20+$0x8050] =	vst v1  }
0x2cf: {  	v1 =	vsub.f32 v6, v3;
	[tilespmem:s22+$0x8050] =	vst v0  }
0x2d0: {  	v0 =	vld [tilespmem:s12+$0xFFFFFF70]  }
0x2d1: {  	v5 =	vsub.f32 v6, v4;
	v1 =	vmul.f32 $1.587301680e-02, v1;
	_ =	sdelay $0x1  }
0x2d2: {  	[tilespmem:s13+$0x8060] =	vst v1;
	v1 =	vmul.f32 $1.587301680e-02, v5;
	v5 =	vsub.f32 v6, v2  }
0x2d3: {  	[tilespmem:s14+$0x8060] =	vst v3  }
0x2d4: {  	v3 =	vld [tilespmem:s12+$0x0];
	v5 =	vmul.f32 $1.587301680e-02, v5;
	[tilespmem:s15+$0x8060] =	vst v1;
	v1 =	vsub.f32 v6, v0  }
0x2d5: {  	[tilespmem:s16+$0x8060] =	vst v4  }
0x2d6: {  	v4 =	vld [tilespmem:s12+$0xFFFFFE80];
	[tilespmem:s17+$0x8060] =	vst v5;
	v1 =	vmul.f32 $1.587301680e-02, v1  }
0x2d7: {  	[tilespmem:s24+$0x8060] =	vst v2  }
0x2d8: {  	v2 =	vld [tilespmem:s12+$0xFFFFFF00];
	[tilespmem:s20+$0x8060] =	vst v1  }
0x2d9: {  	v1 =	vsub.f32 v7, v3;
	[tilespmem:s22+$0x8060] =	vst v0  }
0x2da: {  	[tilespmem:s9+$0x8070] =	vst v9;
	v0 =	vld [tilespmem:s12+$0xFFFFFF80]  }
0x2db: {  	[tilespmem:s11+$0x8070] =	vst v11;
	v1 =	vmul.f32 $1.587301680e-02, v1;
	v5 =	vsub.f32 v7, v4  }
0x2dc: {  	[tilespmem:s10+$0x8070] =	vst v8  }
0x2dd: {  	[tilespmem:s13+$0x8070] =	vst v1;
	v1 =	vmul.f32 $1.587301680e-02, v5;
	v5 =	vsub.f32 v7, v2  }
0x2de: {  	[tilespmem:s14+$0x8070] =	vst v3  }
0x2df: {  	v3 =	vmul.f32 $1.587301680e-02, v5;
	[tilespmem:s15+$0x8070] =	vst v1;
	v1 =	vsub.f32 v7, v0  }
0x2e0: {  	[tilespmem:s16+$0x8070] =	vst v4  }
0x2e1: {  	[tilespmem:s17+$0x8070] =	vst v3;
	v1 =	vmul.f32 $1.587301680e-02, v1  }
0x2e2: {  	[tilespmem:s24+$0x8070] =	vst v2  }
0x2e3: {  	[tilespmem:s20+$0x8070] =	vst v1  }
0x2e4: {  	s2 =	simm.s32 $0x0;
	[tilespmem:s22+$0x8070] =	vst v0  }
0x2e5: {  	v0 =	vld [tilespmem:s2+$0x6070]  }
0x2e6: {  	v1 =	vld [tilespmem:s2+$0x6000]  }
0x2e7: {  	v3 =	vld [tilespmem:s2+$0x6010]  }
0x2e8: {  	v14 =	vld [tilespmem:s2+$0x6020]  }
0x2e9: {  	v13 =	vld [tilespmem:s2+$0x6030]  }
0x2ea: {  	v11 =	vimm.f32 $0.0e+00;
	v2 =	vimm.f32 $0.0e+00;
	v4 =	vld [tilespmem:s2+$0x6040]  }
0x2eb: {  	v6 =	vimm.f32 $0.0e+00;
	v5 =	vimm.f32 $0.0e+00;
	v10 =	vld [tilespmem:s2+$0x6050];
	v7 =	vadd.f32 v0, v2  }
0x2ec: {  	s0 =	simm.s32 $0x80;
	s1 =	simm.s32 $0x400;
	v9 =	vld [tilespmem:s2+$0x6060];
	v0 =	vadd.f32 v1, v2;
	v1 =	vadd.f32 v3, v2;
	v3 =	vimm.f32 $0.0e+00  }
.LBB2_14:
0x2ed: {  	p0 =	sne.s32 s1, $0x7E00;
	v8 =	vld [tilespmem:s0+$0x6070];
	v2 =	vadd.f32 v14, v2  }
0x2ee: {  	v12 =	vld [tilespmem:s0+$0x6000];
	v3 =	vadd.f32 v13, v3  }
0x2ef: {  	v15 =	vld [tilespmem:s0+$0x6010];
	v11 =	vadd.f32 v4, v11  }
.Ltmp6:
0x2f0: {  	v14 =	vld [tilespmem:s0+$0x6020];
	v5 =	vadd.f32 v10, v5;
	(pc) =	sbr.rel @p0 .LBB2_14-.Ltmp6, $4  }
0x2f1: {  	v13 =	vld [tilespmem:s0+$0x6030];
	v6 =	vadd.f32 v9, v6  }
0x2f2: {  	v4 =	vld [tilespmem:s0+$0x6040];
	v7 =	vadd.f32 v8, v7  }
0x2f3: {  	v0 =	vadd.f32 v12, v0;
	v10 =	vld [tilespmem:s0+$0x6050]  }
0x2f4: {  	v1 =	vadd.f32 v15, v1;
	v9 =	vld [tilespmem:s0+$0x6060];
	s0 =	sshra.s32 s1, $0x2;
	s1 =	sadd.s32 $0x200, s1  }
0x2f5: {  	v12 =	vld [tilespmem:s0+$0x6000]  }
0x2f6: {  	s25 =	simm.s32 $0x61F0  }
0x2f7: {  	v15 =	vld [tilespmem:s25+$0xFFFFFF90];
	_ =	sdelay $0x1  }
0x2f8: {  	v8 =	vld [tilespmem:s0+$0x6070]  }
0x2f9: {  	v16 =	vld [tilespmem:s0+$0x6010];
	v0 =	vadd.f32 v12, v0  }
0x2fa: {  	v17 =	vld [tilespmem:s0+$0x6020];
	s2 =	simm.s32 $0x0  }
0x2fb: {  	v18 =	vld [tilespmem:s0+$0x6030];
	s1 =	sand.u32 $0x7, s2;
	v12 =	vsub.f32 v0, v15  }
0x2fc: {  	v19 =	vld [tilespmem:s0+$0x6040];
	s3 =	simm.s32 $0x180;
	s4 =	sand.u32 $0x3800, s2;
	s1 =	sshll.u32 s1, $0x7  }
0x2fd: {  	v21 =	vld [tilespmem:s25+$0xFFFFFE10];
	s7 =	sand.u32 $0x380, s3;
	s4 =	sor.u32 $0x8000, s4;
	s5 =	sadd.s32 $0x0, s1;
	v22 =	vmul.f32 $1.587301680e-02, v12  }
0x2fe: {  	v20 =	vld [tilespmem:s0+$0x6050];
	s8 =	sor.u32 s7, s4;
	s12 =	sadd.s32 $0x180, s5  }
0x2ff: {  	s1 =	sor.u32 $0xC400, s12;
	v12 =	vld [tilespmem:s0+$0x6060];
	[tilespmem:s8+$0xC000] =	vst v22  }
0x300: {  	[tilespmem:s1+$0x8000] =	vst v15  }
0x301: {  	v15 =	vld [tilespmem:s25+$0xFFFFFFA0]  }
0x302: {  	p0 =	por $0x0, $0x0;
	s3 =	simm.s32 $0x1;
	v59 =	vsub.f32 v0, v21  }
0x303: {  	s6 =	simm.s32 $0x0;
	v23 =	vld [tilespmem:s25+$0xFFFFFE90];
	s3 =	simm.s32 @!p0 $0x0  }
0x304: {  	s6 =	sand.u32 $0x200, s6;
	s3 =	sshll.u32 s3, $0x9;
	v1 =	vadd.f32 v16, v1;
	v16 =	vmul.f32 $1.587301680e-02, v59  }
0x305: {  	s29 =	sor.u32 s6, s4;
	s3 =	sadd.s32 $0x0, s3  }
0x306: {  	v60 =	vld [tilespmem:s25+$0xFFFFFF10];
	s28 =	sor.u32 $0xC400, s3;
	[tilespmem:s29+$0xC000] =	vst v16;
	v16 =	vsub.f32 v1, v15  }
0x307: {  	[tilespmem:s28+$0x8000] =	vst v21  }
0x308: {  	v61 =	vsub.f32 v0, v23;
	v24 =	vld [tilespmem:s25+$0xFFFFFE20];
	v16 =	vmul.f32 $1.587301680e-02, v16  }
0x309: {  	s13 =	simm.s32 $0x80  }
0x30a: {  	s3 =	sand.u32 $0x280, s13;
	[tilespmem:s8+$0xC010] =	vst v16;
	v16 =	vmul.f32 $1.587301680e-02, v61  }
0x30b: {  	s2 =	sand.u32 $0x3, s2;
	s5 =	sadd.s32 $0x80, s5;
	s26 =	sor.u32 s3, s4;
	[tilespmem:s1+$0x8010] =	vst v15;
	v15 =	vsub.f32 v0, v60  }
0x30c: {  	s14 =	simm.s32 $0x100;
	s2 =	sshll.u32 s2, $0x8;
	s9 =	sor.u32 $0xC400, s5;
	[tilespmem:s26+$0xC000] =	vst v16;
	v16 =	vld [tilespmem:s25+$0xFFFFFFB0]  }
0x30d: {  	v2 =	vadd.f32 v14, v2;
	s2 =	sadd.s32 $0x0, s2;
	s3 =	sand.u32 $0x300, s14;
	v14 =	vmul.f32 $1.587301680e-02, v15;
	[tilespmem:s9+$0x8000] =	vst v23;
	v15 =	vsub.f32 v1, v24  }
0x30e: {  	s2 =	sadd.s32 $0x100, s2;
	s11 =	sor.u32 s3, s4;
	v62 =	vld [tilespmem:s25+$0xFFFFFEA0]  }
0x30f: {  	v2 =	vadd.f32 v17, v2;
	s10 =	sor.u32 $0xC400, s2;
	[tilespmem:s11+$0xC000] =	vst v14;
	v14 =	vmul.f32 $1.587301680e-02, v15  }
0x310: {  	[tilespmem:s10+$0x8000] =	vst v60  }
0x311: {  	v15 =	vld [tilespmem:s25+$0xFFFFFF20];
	[tilespmem:s29+$0xC010] =	vst v14;
	v14 =	vsub.f32 v2, v16  }
0x312: {  	[tilespmem:s28+$0x8010] =	vst v24  }
0x313: {  	v17 =	vsub.f32 v1, v62;
	v63 =	vld [tilespmem:s25+$0xFFFFFE30];
	v14 =	vmul.f32 $1.587301680e-02, v14;
	_ =	sdelay $0x1  }
0x314: {  	[tilespmem:s8+$0xC020] =	vst v14;
	v14 =	vmul.f32 $1.587301680e-02, v17  }
0x315: {  	[tilespmem:s1+$0x8020] =	vst v16;
	v16 =	vsub.f32 v1, v15  }
0x316: {  	[tilespmem:s26+$0xC010] =	vst v14;
	v14 =	vld [tilespmem:s25+$0xFFFFFFC0]  }
0x317: {  	v3 =	vadd.f32 v13, v3;
	[tilespmem:s9+$0x8010] =	vst v62;
	v13 =	vmul.f32 $1.587301680e-02, v16;
	v16 =	vsub.f32 v2, v63  }
0x318: {  	v17 =	vld [tilespmem:s25+$0xFFFFFEB0]  }
0x319: {  	v3 =	vadd.f32 v18, v3;
	[tilespmem:s11+$0xC010] =	vst v13;
	v13 =	vmul.f32 $1.587301680e-02, v16  }
0x31a: {  	[tilespmem:s10+$0x8010] =	vst v15  }
0x31b: {  	v15 =	vld [tilespmem:s25+$0xFFFFFF30];
	[tilespmem:s29+$0xC020] =	vst v13;
	v13 =	vsub.f32 v3, v14  }
0x31c: {  	[tilespmem:s28+$0x8020] =	vst v63  }
0x31d: {  	v16 =	vsub.f32 v2, v17;
	v18 =	vld [tilespmem:s25+$0xFFFFFE40];
	v13 =	vmul.f32 $1.587301680e-02, v13;
	_ =	sdelay $0x1  }
0x31e: {  	v16 =	vmul.f32 $1.587301680e-02, v16;
	[tilespmem:s8+$0xC030] =	vst v13  }
0x31f: {  	v13 =	vsub.f32 v2, v15;
	[tilespmem:s1+$0x8030] =	vst v14  }
0x320: {  	[tilespmem:s26+$0xC020] =	vst v16;
	v14 =	vld [tilespmem:s25+$0xFFFFFFD0]  }
0x321: {  	v4 =	vadd.f32 v4, v11;
	[tilespmem:s9+$0x8020] =	vst v17;
	v11 =	vmul.f32 $1.587301680e-02, v13;
	v13 =	vsub.f32 v3, v18  }
0x322: {  	v16 =	vld [tilespmem:s25+$0xFFFFFEC0]  }
0x323: {  	v4 =	vadd.f32 v19, v4;
	[tilespmem:s11+$0xC020] =	vst v11;
	v11 =	vmul.f32 $1.587301680e-02, v13  }
0x324: {  	[tilespmem:s10+$0x8020] =	vst v15  }
0x325: {  	v13 =	vld [tilespmem:s25+$0xFFFFFF40];
	[tilespmem:s29+$0xC030] =	vst v11;
	v11 =	vsub.f32 v4, v14  }
0x326: {  	[tilespmem:s28+$0x8030] =	vst v18  }
0x327: {  	v15 =	vsub.f32 v3, v16;
	v17 =	vld [tilespmem:s25+$0xFFFFFE50];
	v11 =	vmul.f32 $1.587301680e-02, v11;
	_ =	sdelay $0x1  }
0x328: {  	v15 =	vmul.f32 $1.587301680e-02, v15;
	[tilespmem:s8+$0xC040] =	vst v11  }
0x329: {  	v11 =	vsub.f32 v3, v13;
	[tilespmem:s1+$0x8040] =	vst v14  }
0x32a: {  	[tilespmem:s26+$0xC030] =	vst v15;
	v14 =	vld [tilespmem:s25+$0xFFFFFFE0]  }
0x32b: {  	v5 =	vadd.f32 v10, v5;
	[tilespmem:s9+$0x8030] =	vst v16;
	v10 =	vmul.f32 $1.587301680e-02, v11;
	v11 =	vsub.f32 v4, v17  }
0x32c: {  	v15 =	vld [tilespmem:s25+$0xFFFFFED0]  }
0x32d: {  	v5 =	vadd.f32 v20, v5;
	[tilespmem:s11+$0xC030] =	vst v10;
	v10 =	vmul.f32 $1.587301680e-02, v11  }
0x32e: {  	[tilespmem:s10+$0x8030] =	vst v13  }
0x32f: {  	v11 =	vld [tilespmem:s25+$0xFFFFFF50];
	[tilespmem:s29+$0xC040] =	vst v10;
	v10 =	vsub.f32 v5, v14  }
0x330: {  	[tilespmem:s28+$0x8040] =	vst v17  }
0x331: {  	v13 =	vsub.f32 v4, v15;
	v16 =	vld [tilespmem:s25+$0xFFFFFE60];
	v10 =	vmul.f32 $1.587301680e-02, v10  }
0x332: {  	s12 =	simm.s32 $0x63F0  }
0x333: {  	v17 =	vld [tilespmem:s12+$0xFFFFFF90];
	v13 =	vmul.f32 $1.587301680e-02, v13;
	[tilespmem:s8+$0xC050] =	vst v10  }
0x334: {  	v10 =	vsub.f32 v4, v11;
	[tilespmem:s1+$0x8050] =	vst v14  }
0x335: {  	[tilespmem:s26+$0xC040] =	vst v13;
	v13 =	vld [tilespmem:s25+$0xFFFFFFF0]  }
0x336: {  	v6 =	vadd.f32 v9, v6;
	[tilespmem:s9+$0x8040] =	vst v15;
	v9 =	vmul.f32 $1.587301680e-02, v10;
	v10 =	vsub.f32 v5, v16  }
0x337: {  	s18 =	simm.s32 $0x4;
	v14 =	vld [tilespmem:s25+$0xFFFFFEE0]  }
0x338: {  	s19 =	simm.s32 $0x400;
	s15 =	sand.u32 $0x7, s18;
	v6 =	vadd.f32 v12, v6;
	v12 =	vld [tilespmem:s12+$0xFFFFFE10];
	[tilespmem:s11+$0xC040] =	vst v9;
	v9 =	vmul.f32 $1.587301680e-02, v10;
	v10 =	vsub.f32 v0, v17  }
0x339: {  	s21 =	simm.s32 $0x380;
	s16 =	sand.u32 $0x3800, s19;
	s2 =	sshll.u32 s15, $0x7;
	[tilespmem:s10+$0x8040] =	vst v11  }
0x33a: {  	s17 =	sand.u32 $0x380, s21;
	s2 =	sadd.s32 $0x400, s2;
	s3 =	sor.u32 $0x8000, s16;
	[tilespmem:s29+$0xC050] =	vst v9;
	v9 =	vmul.f32 $1.587301680e-02, v10;
	v10 =	vsub.f32 v6, v13  }
0x33b: {  	s20 =	sadd.s32 $0x180, s2;
	s13 =	sor.u32 s17, s3;
	v11 =	vld [tilespmem:s12+$0xFFFFFE90];
	[tilespmem:s28+$0x8050] =	vst v16  }
0x33c: {  	s14 =	sor.u32 $0xC400, s20;
	v15 =	vsub.f32 v5, v14;
	[tilespmem:s13+$0xC000] =	vst v9;
	v9 =	vmul.f32 $1.587301680e-02, v10  }
0x33d: {  	v16 =	vsub.f32 v0, v12;
	v10 =	vld [tilespmem:s12+$0xFFFFFF10];
	[tilespmem:s14+$0x8000] =	vst v17  }
0x33e: {  	s22 =	simm.s32 $0x200;
	p0 =	por !p0, !p0;
	s4 =	simm.s32 $0x1;
	v15 =	vmul.f32 $1.587301680e-02, v15;
	v17 =	vld [tilespmem:s12+$0xFFFFFFA0];
	[tilespmem:s8+$0xC060] =	vst v9  }
0x33f: {  	s5 =	sand.u32 $0x200, s22;
	s4 =	simm.s32 @!p0 $0x0;
	v9 =	vmul.f32 $1.587301680e-02, v16;
	[tilespmem:s1+$0x8060] =	vst v13  }
0x340: {  	s15 =	sor.u32 s5, s3;
	s4 =	sshll.u32 s4, $0x9;
	v13 =	vsub.f32 v0, v11;
	[tilespmem:s26+$0xC050] =	vst v15  }
0x341: {  	s23 =	simm.s32 $0x280;
	s4 =	sadd.s32 $0x400, s4;
	v15 =	vld [tilespmem:s25+$0x0];
	[tilespmem:s15+$0xC000] =	vst v9  }
0x342: {  	s30 =	simm.s32 $0x300;
	s24 =	sand.u32 $0x280, s23;
	s16 =	sor.u32 $0xC400, s4;
	[tilespmem:s9+$0x8050] =	vst v14;
	v14 =	vsub.f32 v0, v10;
	v13 =	vmul.f32 $1.587301680e-02, v13  }
0x343: {  	s23 =	simm.s32 $0x2;
	v7 =	vadd.f32 v8, v7;
	s2 =	sadd.s32 $0x80, s2;
	s17 =	sor.u32 s24, s3;
	v8 =	vld [tilespmem:s25+$0xFFFFFF60];
	[tilespmem:s16+$0x8000] =	vst v12;
	v9 =	vsub.f32 v1, v17  }
0x344: {  	s31 =	sand.u32 $0x3, s23;
	s24 =	sor.u32 $0xC400, s2;
	s4 =	sand.u32 $0x300, s30;
	v12 =	vmul.f32 $1.587301680e-02, v14;
	v14 =	vld [tilespmem:s12+$0xFFFFFE20];
	[tilespmem:s17+$0xC000] =	vst v13  }
0x345: {  	s2 =	sshll.u32 s31, $0x8;
	s20 =	sor.u32 s4, s3;
	[tilespmem:s24+$0x8000] =	vst v11;
	v9 =	vmul.f32 $1.587301680e-02, v9  }
0x346: {  	s2 =	sadd.s32 $0x400, s2;
	v11 =	vsub.f32 v7, v15;
	v13 =	vld [tilespmem:s12+$0xFFFFFEA0];
	[tilespmem:s20+$0xC000] =	vst v12  }
0x347: {  	s2 =	sadd.s32 $0x100, s2;
	[tilespmem:s13+$0xC010] =	vst v9  }
0x348: {  	s22 =	sor.u32 $0xC400, s2;
	v9 =	vmul.f32 $1.587301680e-02, v11;
	v11 =	vsub.f32 v5, v8;
	[tilespmem:s14+$0x8010] =	vst v17  }
0x349: {  	[tilespmem:s22+$0x8000] =	vst v10;
	v12 =	vsub.f32 v1, v14;
	v16 =	vld [tilespmem:s12+$0xFFFFFFB0]  }
0x34a: {  	[tilespmem:s8+$0xC070] =	vst v9;
	v9 =	vmul.f32 $1.587301680e-02, v11  }
0x34b: {  	v11 =	vld [tilespmem:s25+$0xFFFFFE70];
	[tilespmem:s1+$0x8070] =	vst v15;
	v12 =	vmul.f32 $1.587301680e-02, v12;
	v15 =	vsub.f32 v1, v13  }
0x34c: {  	v10 =	vld [tilespmem:s12+$0xFFFFFF20];
	[tilespmem:s11+$0xC050] =	vst v9  }
0x34d: {  	[tilespmem:s15+$0xC010] =	vst v12;
	v9 =	vmul.f32 $1.587301680e-02, v15  }
0x34e: {  	[tilespmem:s16+$0x8010] =	vst v14;
	v12 =	vsub.f32 v2, v16  }
0x34f: {  	v14 =	vld [tilespmem:s12+$0xFFFFFE30];
	[tilespmem:s17+$0xC010] =	vst v9  }
0x350: {  	v9 =	vsub.f32 v6, v11;
	[tilespmem:s24+$0x8010] =	vst v13;
	v12 =	vmul.f32 $1.587301680e-02, v12  }
0x351: {  	v15 =	vsub.f32 v1, v10;
	[tilespmem:s10+$0x8050] =	vst v8;
	v13 =	vld [tilespmem:s12+$0xFFFFFEB0]  }
0x352: {  	v8 =	vmul.f32 $1.587301680e-02, v9;
	[tilespmem:s13+$0xC020] =	vst v12  }
0x353: {  	v9 =	vld [tilespmem:s25+$0xFFFFFEF0];
	v12 =	vmul.f32 $1.587301680e-02, v15;
	[tilespmem:s14+$0x8020] =	vst v16  }
0x354: {  	[tilespmem:s29+$0xC060] =	vst v8;
	v15 =	vsub.f32 v2, v14;
	v16 =	vld [tilespmem:s12+$0xFFFFFFC0]  }
0x355: {  	[tilespmem:s20+$0xC010] =	vst v12  }
0x356: {  	v8 =	vmul.f32 $1.587301680e-02, v15;
	v12 =	vsub.f32 v2, v13;
	[tilespmem:s22+$0x8010] =	vst v10  }
0x357: {  	[tilespmem:s28+$0x8060] =	vst v11;
	v10 =	vld [tilespmem:s12+$0xFFFFFF30]  }
0x358: {  	v11 =	vsub.f32 v6, v9;
	[tilespmem:s15+$0xC020] =	vst v8;
	v8 =	vmul.f32 $1.587301680e-02, v12  }
0x359: {  	v12 =	vld [tilespmem:s25+$0xFFFFFF70];
	[tilespmem:s16+$0x8020] =	vst v14;
	v14 =	vsub.f32 v3, v16  }
0x35a: {  	v11 =	vmul.f32 $1.587301680e-02, v11;
	v15 =	vld [tilespmem:s12+$0xFFFFFE40];
	[tilespmem:s17+$0xC020] =	vst v8  }
0x35b: {  	[tilespmem:s24+$0x8020] =	vst v13;
	v8 =	vmul.f32 $1.587301680e-02, v14  }
0x35c: {  	[tilespmem:s26+$0xC060] =	vst v11;
	v13 =	vld [tilespmem:s12+$0xFFFFFEC0];
	v14 =	vsub.f32 v2, v10  }
0x35d: {  	[tilespmem:s13+$0xC030] =	vst v8  }
0x35e: {  	v8 =	vsub.f32 v6, v12;
	v11 =	vmul.f32 $1.587301680e-02, v14;
	[tilespmem:s14+$0x8030] =	vst v16  }
0x35f: {  	[tilespmem:s9+$0x8060] =	vst v9;
	v14 =	vsub.f32 v3, v15;
	v16 =	vld [tilespmem:s12+$0xFFFFFFD0]  }
0x360: {  	v8 =	vmul.f32 $1.587301680e-02, v8;
	[tilespmem:s20+$0xC020] =	vst v11  }
0x361: {  	v11 =	vld [tilespmem:s25+$0xFFFFFE80];
	v9 =	vmul.f32 $1.587301680e-02, v14;
	v14 =	vsub.f32 v3, v13;
	[tilespmem:s22+$0x8020] =	vst v10  }
0x362: {  	v10 =	vld [tilespmem:s12+$0xFFFFFF40];
	[tilespmem:s11+$0xC060] =	vst v8  }
0x363: {  	[tilespmem:s15+$0xC030] =	vst v9;
	v8 =	vmul.f32 $1.587301680e-02, v14  }
0x364: {  	[tilespmem:s16+$0x8030] =	vst v15;
	v9 =	vsub.f32 v4, v16  }
0x365: {  	v15 =	vld [tilespmem:s12+$0xFFFFFE50];
	[tilespmem:s17+$0xC030] =	vst v8  }
0x366: {  	v8 =	vsub.f32 v7, v11;
	[tilespmem:s24+$0x8030] =	vst v13;
	v9 =	vmul.f32 $1.587301680e-02, v9  }
0x367: {  	[tilespmem:s10+$0x8060] =	vst v12;
	v17 =	vld [tilespmem:s12+$0xFFFFFED0];
	v13 =	vsub.f32 v3, v10  }
0x368: {  	v12 =	vmul.f32 $1.587301680e-02, v8;
	[tilespmem:s13+$0xC040] =	vst v9  }
0x369: {  	v9 =	vld [tilespmem:s25+$0xFFFFFF00];
	v14 =	vmul.f32 $1.587301680e-02, v13;
	[tilespmem:s14+$0x8040] =	vst v16  }
0x36a: {  	[tilespmem:s29+$0xC070] =	vst v12;
	v16 =	vsub.f32 v4, v15;
	v13 =	vld [tilespmem:s12+$0xFFFFFFE0]  }
0x36b: {  	v8 =	vld [tilespmem:s25+$0xFFFFFF80];
	[tilespmem:s20+$0xC030] =	vst v14  }
0x36c: {  	v12 =	vmul.f32 $1.587301680e-02, v16;
	v16 =	vsub.f32 v4, v17;
	[tilespmem:s22+$0x8030] =	vst v10  }
0x36d: {  	[tilespmem:s28+$0x8070] =	vst v11;
	v14 =	vld [tilespmem:s12+$0xFFFFFF50]  }
0x36e: {  	v10 =	vsub.f32 v7, v9;
	[tilespmem:s15+$0xC040] =	vst v12;
	v11 =	vmul.f32 $1.587301680e-02, v16  }
0x36f: {  	[tilespmem:s16+$0x8040] =	vst v15;
	v15 =	vsub.f32 v5, v13  }
0x370: {  	v18 =	vmul.f32 $1.587301680e-02, v10;
	v10 =	vsub.f32 v7, v8;
	[tilespmem:s17+$0xC040] =	vst v11;
	v12 =	vld [tilespmem:s12+$0xFFFFFE60]  }
0x371: {  	[tilespmem:s24+$0x8040] =	vst v17;
	v15 =	vmul.f32 $1.587301680e-02, v15  }
0x372: {  	s25 =	simm.s32 $0x4;
	s28 =	simm.s32 $0x65F0;
	v11 =	vmul.f32 $1.587301680e-02, v10;
	v10 =	vld [tilespmem:s12+$0xFFFFFEE0];
	v16 =	vsub.f32 v4, v14;
	[tilespmem:s26+$0xC070] =	vst v18  }
.LBB2_16:
0x373: {  	v17 =	vld [tilespmem:s28+$0xFFFFFF90];
	[tilespmem:s13+$0xC050] =	vst v15  }
0x374: {  	v15 =	vld [tilespmem:s28+$0xFFFFFE10];
	v16 =	vmul.f32 $1.587301680e-02, v16;
	[tilespmem:s14+$0x8050] =	vst v13  }
0x375: {  	p0 =	por !p0, !p0;
	s0 =	simm.s32 $0x1;
	v13 =	vsub.f32 v5, v12;
	v18 =	vld [tilespmem:s12+$0xFFFFFFF0];
	[tilespmem:s9+$0x8070] =	vst v9;
	s9 =	smov.u32 s24  }
0x376: {  	s23 =	sadd.s32 $0x2, s23;
	s0 =	simm.s32 @!p0 $0x0;
	v9 =	vld [tilespmem:s28+$0xFFFFFE90];
	[tilespmem:s20+$0xC040] =	vst v16  }
0x377: {  	s18 =	sadd.s32 $0x4, s18;
	s1 =	sand.u32 $0x3, s23;
	s0 =	sshll.u32 s0, $0x9;
	v16 =	vld [tilespmem:s28+$0xFFFFFF10];
	v13 =	vmul.f32 $1.587301680e-02, v13;
	v19 =	vsub.f32 v5, v10;
	[tilespmem:s22+$0x8040] =	vst v14  }
0x378: {  	s19 =	sadd.s32 $0x400, s19;
	s2 =	sand.u32 $0x7, s18;
	s1 =	sshll.u32 s1, $0x8;
	v14 =	vsub.f32 v0, v17;
	v20 =	vld [tilespmem:s12+$0xFFFFFF60];
	[tilespmem:s11+$0xC070] =	vst v11  }
0x379: {  	s21 =	sadd.s32 $0x200, s21;
	s3 =	sand.u32 $0x3800, s19;
	s2 =	sshll.u32 s2, $0x7;
	v11 =	vsub.f32 v0, v15;
	[tilespmem:s15+$0xC050] =	vst v13;
	v13 =	vmul.f32 $1.587301680e-02, v19  }
0x37a: {  	s5 =	sor.u32 $0x8000, s3;
	s3 =	sand.u32 $0x380, s21;
	s2 =	sadd.s32 s19, s2;
	v14 =	vmul.f32 $1.587301680e-02, v14;
	[tilespmem:s16+$0x8050] =	vst v12;
	v12 =	vsub.f32 v6, v18  }
0x37b: {  	s25 =	sadd.s32 $0x4, s25;
	s3 =	sor.u32 s3, s5;
	s4 =	sadd.s32 $0x180, s2;
	v11 =	vmul.f32 $1.587301680e-02, v11;
	v19 =	vsub.f32 v0, v9;
	v21 =	vld [tilespmem:s12+$0xFFFFFE70];
	[tilespmem:s17+$0xC050] =	vst v13  }
0x37c: {  	p1 =	slt.u32 s25, $0x3C;
	s1 =	sadd.s32 s19, s1;
	s4 =	sor.u32 $0xC400, s4;
	v13 =	vsub.f32 v0, v16;
	[tilespmem:s3+$0xC000] =	vst v14;
	v12 =	vmul.f32 $1.587301680e-02, v12  }
0x37d: {  	s6 =	sadd.s32 $0xFFFFFE80, s21;
	s7 =	sadd.s32 $0xFFFFFF00, s21;
	s8 =	sadd.s32 $0xFFFFFF80, s21;
	[tilespmem:s4+$0x8000] =	vst v17;
	v14 =	vsub.f32 v5, v20  }
0x37e: {  	s0 =	sadd.s32 s0, s19;
	s2 =	sadd.s32 $0x80, s2;
	s11 =	sadd.s32 $0x100, s1;
	v17 =	vmul.f32 $1.587301680e-02, v19;
	v13 =	vmul.f32 $1.587301680e-02, v13;
	v19 =	vld [tilespmem:s28+$0xFFFFFFA0];
	[tilespmem:s13+$0xC060] =	vst v12  }
0x37f: {  	s6 =	sand.u32 $0x200, s6;
	s7 =	sand.u32 $0x280, s7;
	s8 =	sand.u32 $0x300, s8;
	[tilespmem:s14+$0x8060] =	vst v18  }
0x380: {  	s1 =	sor.u32 $0xC400, s0;
	s24 =	sor.u32 $0xC400, s2;
	s11 =	sor.u32 $0xC400, s11;
	v12 =	vsub.f32 v6, v21;
	[tilespmem:s9+$0x8050] =	vst v10;
	v10 =	vmul.f32 $1.587301680e-02, v14;
	v14 =	vld [tilespmem:s12+$0x0]  }
0x381: {  	s2 =	sor.u32 s6, s5;
	s0 =	sor.u32 s7, s5;
	s5 =	sor.u32 s8, s5;
	v18 =	vld [tilespmem:s12+$0xFFFFFEF0];
	[tilespmem:s10+$0x8070] =	vst v8  }
0x382: {  	s10 =	smov.u32 s22;
	s22 =	smov.u32 s11;
	s11 =	smov.u32 s20;
	[tilespmem:s2+$0xC000] =	vst v11;
	v8 =	vmul.f32 $1.587301680e-02, v12  }
0x383: {  	s20 =	smov.u32 s5;
	[tilespmem:s1+$0x8000] =	vst v15;
	v11 =	vsub.f32 v1, v19  }
0x384: {  	v12 =	vld [tilespmem:s28+$0xFFFFFE20];
	[tilespmem:s0+$0xC000] =	vst v17  }
0x385: {  	[tilespmem:s24+$0x8000] =	vst v9;
	v9 =	vmul.f32 $1.587301680e-02, v11;
	v11 =	vsub.f32 v7, v14  }
0x386: {  	v15 =	vld [tilespmem:s28+$0xFFFFFEA0];
	[tilespmem:s20+$0xC000] =	vst v13;
	v13 =	vsub.f32 v6, v18  }
0x387: {  	[tilespmem:s3+$0xC010] =	vst v9;
	v9 =	vmul.f32 $1.587301680e-02, v11  }
0x388: {  	[tilespmem:s4+$0x8010] =	vst v19;
	v11 =	vmul.f32 $1.587301680e-02, v13  }
0x389: {  	v13 =	vsub.f32 v1, v12;
	v17 =	vld [tilespmem:s28+$0xFFFFFFB0];
	[tilespmem:s13+$0xC070] =	vst v9;
	s13 =	smov.u32 s3  }
0x38a: {  	[tilespmem:s14+$0x8070] =	vst v14;
	s14 =	smov.u32 s4  }
0x38b: {  	v9 =	vmul.f32 $1.587301680e-02, v13;
	v13 =	vsub.f32 v1, v15;
	[tilespmem:s22+$0x8000] =	vst v16  }
0x38c: {  	v14 =	vld [tilespmem:s28+$0xFFFFFF20];
	[tilespmem:s11+$0xC050] =	vst v10  }
0x38d: {  	[tilespmem:s2+$0xC010] =	vst v9;
	v9 =	vmul.f32 $1.587301680e-02, v13  }
0x38e: {  	[tilespmem:s1+$0x8010] =	vst v12;
	v10 =	vsub.f32 v2, v17  }
0x38f: {  	v12 =	vld [tilespmem:s28+$0xFFFFFE30];
	[tilespmem:s0+$0xC010] =	vst v9  }
0x390: {  	[tilespmem:s24+$0x8010] =	vst v15;
	v9 =	vmul.f32 $1.587301680e-02, v10  }
0x391: {  	v10 =	vld [tilespmem:s28+$0xFFFFFEB0];
	v13 =	vsub.f32 v1, v14;
	[tilespmem:s10+$0x8050] =	vst v20  }
0x392: {  	[tilespmem:s13+$0xC020] =	vst v9;
	v15 =	vld [tilespmem:s12+$0xFFFFFF70]  }
0x393: {  	v9 =	vmul.f32 $1.587301680e-02, v13;
	[tilespmem:s14+$0x8020] =	vst v17  }
0x394: {  	v13 =	vsub.f32 v2, v12;
	v16 =	vld [tilespmem:s28+$0xFFFFFFC0];
	[tilespmem:s15+$0xC060] =	vst v8  }
0x395: {  	[tilespmem:s20+$0xC010] =	vst v9  }
0x396: {  	v8 =	vmul.f32 $1.587301680e-02, v13;
	v9 =	vsub.f32 v2, v10;
	[tilespmem:s22+$0x8010] =	vst v14  }
0x397: {  	v13 =	vld [tilespmem:s28+$0xFFFFFF30];
	[tilespmem:s16+$0x8060] =	vst v21;
	v14 =	vsub.f32 v6, v15  }
0x398: {  	[tilespmem:s2+$0xC020] =	vst v8;
	v8 =	vmul.f32 $1.587301680e-02, v9;
	v17 =	vld [tilespmem:s12+$0xFFFFFE80]  }
0x399: {  	[tilespmem:s1+$0x8020] =	vst v12;
	v9 =	vsub.f32 v3, v16;
	v12 =	vmul.f32 $1.587301680e-02, v14  }
0x39a: {  	v14 =	vld [tilespmem:s28+$0xFFFFFE40];
	[tilespmem:s0+$0xC020] =	vst v8  }
0x39b: {  	[tilespmem:s24+$0x8020] =	vst v10;
	v8 =	vmul.f32 $1.587301680e-02, v9  }
0x39c: {  	v10 =	vld [tilespmem:s28+$0xFFFFFEC0];
	v9 =	vsub.f32 v2, v13;
	[tilespmem:s17+$0xC060] =	vst v11  }
0x39d: {  	[tilespmem:s13+$0xC030] =	vst v8;
	v8 =	vsub.f32 v7, v17  }
0x39e: {  	v9 =	vmul.f32 $1.587301680e-02, v9;
	[tilespmem:s14+$0x8030] =	vst v16  }
0x39f: {  	v11 =	vsub.f32 v3, v14;
	v16 =	vld [tilespmem:s28+$0xFFFFFFD0];
	v19 =	vmul.f32 $1.587301680e-02, v8;
	[tilespmem:s9+$0x8060] =	vst v18  }
0x3a0: {  	[tilespmem:s20+$0xC020] =	vst v9;
	v9 =	vld [tilespmem:s12+$0xFFFFFF00]  }
0x3a1: {  	v8 =	vmul.f32 $1.587301680e-02, v11;
	v11 =	vsub.f32 v3, v10;
	[tilespmem:s22+$0x8020] =	vst v13  }
0x3a2: {  	v18 =	vld [tilespmem:s28+$0xFFFFFF40];
	[tilespmem:s11+$0xC060] =	vst v12  }
0x3a3: {  	[tilespmem:s2+$0xC030] =	vst v8;
	v8 =	vmul.f32 $1.587301680e-02, v11  }
0x3a4: {  	[tilespmem:s1+$0x8030] =	vst v14;
	v11 =	vsub.f32 v4, v16  }
0x3a5: {  	v12 =	vld [tilespmem:s28+$0xFFFFFE50];
	[tilespmem:s0+$0xC030] =	vst v8;
	v8 =	vsub.f32 v7, v9  }
0x3a6: {  	[tilespmem:s24+$0x8030] =	vst v10;
	v10 =	vmul.f32 $1.587301680e-02, v11  }
0x3a7: {  	v20 =	vld [tilespmem:s28+$0xFFFFFED0];
	v11 =	vsub.f32 v3, v18;
	v21 =	vmul.f32 $1.587301680e-02, v8;
	[tilespmem:s10+$0x8060] =	vst v15  }
0x3a8: {  	[tilespmem:s13+$0xC040] =	vst v10;
	v8 =	vld [tilespmem:s12+$0xFFFFFF80];
	s12 =	smov.u32 s28  }
0x3a9: {  	v10 =	vmul.f32 $1.587301680e-02, v11;
	[tilespmem:s14+$0x8040] =	vst v16  }
0x3aa: {  	v11 =	vsub.f32 v4, v12;
	v13 =	vld [tilespmem:s28+$0xFFFFFFE0];
	[tilespmem:s15+$0xC070] =	vst v19;
	s15 =	smov.u32 s2  }
0x3ab: {  	[tilespmem:s20+$0xC030] =	vst v10  }
0x3ac: {  	v10 =	vmul.f32 $1.587301680e-02, v11;
	v11 =	vsub.f32 v4, v20;
	[tilespmem:s22+$0x8030] =	vst v18  }
0x3ad: {  	v14 =	vld [tilespmem:s28+$0xFFFFFF50];
	[tilespmem:s16+$0x8070] =	vst v17;
	v15 =	vsub.f32 v7, v8;
	s16 =	smov.u32 s1  }
.Ltmp7:
0x3ae: {  	[tilespmem:s15+$0xC040] =	vst v10;
	v10 =	vmul.f32 $1.587301680e-02, v11;
	(pc) =	sbr.rel @p1 .LBB2_16-.Ltmp7, $4  }
0x3af: {  	[tilespmem:s16+$0x8040] =	vst v12;
	v16 =	vsub.f32 v5, v13;
	v11 =	vmul.f32 $1.587301680e-02, v15  }
0x3b0: {  	v12 =	vld [tilespmem:s28+$0xFFFFFE60];
	[tilespmem:s0+$0xC040] =	vst v10  }
0x3b1: {  	[tilespmem:s24+$0x8040] =	vst v20;
	v15 =	vmul.f32 $1.587301680e-02, v16  }
0x3b2: {  	s28 =	sadd.s32 $0x200, s28;
	v10 =	vld [tilespmem:s12+$0xFFFFFEE0];
	v16 =	vsub.f32 v4, v14;
	[tilespmem:s17+$0xC070] =	vst v21;
	s17 =	smov.u32 s0  }
0x3b3: {  	_ = 	snop  }
0x3b4: {  	v0 =	vmul.f32 $1.587301680e-02, v16;
	_ =	sdelay $0x1  }
0x3b5: {  	[tilespmem:s20+$0xC040] =	vst v0  }
0x3b6: {  	[tilespmem:s22+$0x8040] =	vst v14  }
0x3b7: {  	v0 =	vld [tilespmem:s12+$0xFFFFFF60]  }
0x3b8: {  	v1 =	vsub.f32 v5, v12;
	_ =	sdelay $0x1  }
0x3b9: {  	[tilespmem:s13+$0xC050] =	vst v15;
	v1 =	vmul.f32 $1.587301680e-02, v1;
	v2 =	vsub.f32 v5, v10  }
0x3ba: {  	[tilespmem:s14+$0x8050] =	vst v13  }
0x3bb: {  	v3 =	vld [tilespmem:s12+$0xFFFFFFF0];
	[tilespmem:s15+$0xC050] =	vst v1;
	v49 =	vmul.f32 $1.587301680e-02, v2;
	v50 =	vsub.f32 v5, v0  }
0x3bc: {  	[tilespmem:s16+$0x8050] =	vst v12  }
0x3bd: {  	v4 =	vld [tilespmem:s12+$0xFFFFFE70];
	[tilespmem:s17+$0xC050] =	vst v49;
	v51 =	vmul.f32 $1.587301680e-02, v50  }
0x3be: {  	[tilespmem:s24+$0x8050] =	vst v10  }
0x3bf: {  	v52 =	vld [tilespmem:s12+$0xFFFFFEF0];
	[tilespmem:s20+$0xC050] =	vst v51  }
0x3c0: {  	v53 =	vsub.f32 v6, v3;
	[tilespmem:s22+$0x8050] =	vst v0  }
0x3c1: {  	v0 =	vld [tilespmem:s12+$0xFFFFFF70]  }
0x3c2: {  	v1 =	vmul.f32 $1.587301680e-02, v53;
	v54 =	vsub.f32 v6, v4;
	_ =	sdelay $0x1  }
0x3c3: {  	[tilespmem:s13+$0xC060] =	vst v1;
	v55 =	vmul.f32 $1.587301680e-02, v54;
	v56 =	vsub.f32 v6, v52  }
0x3c4: {  	[tilespmem:s14+$0x8060] =	vst v3  }
0x3c5: {  	v3 =	vld [tilespmem:s12+$0x0];
	v5 =	vmul.f32 $1.587301680e-02, v56;
	[tilespmem:s15+$0xC060] =	vst v55;
	v57 =	vsub.f32 v6, v0  }
0x3c6: {  	[tilespmem:s16+$0x8060] =	vst v4  }
0x3c7: {  	v4 =	vld [tilespmem:s12+$0xFFFFFE80];
	[tilespmem:s17+$0xC060] =	vst v5;
	v1 =	vmul.f32 $1.587301680e-02, v57  }
0x3c8: {  	[tilespmem:s24+$0x8060] =	vst v52  }
0x3c9: {  	v2 =	vld [tilespmem:s12+$0xFFFFFF00];
	[tilespmem:s20+$0xC060] =	vst v1  }
0x3ca: {  	v58 =	vsub.f32 v7, v3;
	[tilespmem:s22+$0x8060] =	vst v0  }
0x3cb: {  	[tilespmem:s9+$0x8070] =	vst v9;
	v0 =	vld [tilespmem:s12+$0xFFFFFF80]  }
0x3cc: {  	[tilespmem:s11+$0xC070] =	vst v11;
	v59 =	vsub.f32 v7, v4;
	v1 =	vmul.f32 $1.587301680e-02, v58  }
0x3cd: {  	[tilespmem:s10+$0x8070] =	vst v8  }
0x3ce: {  	v60 =	vmul.f32 $1.587301680e-02, v59;
	v61 =	vsub.f32 v7, v2;
	[tilespmem:s13+$0xC070] =	vst v1  }
0x3cf: {  	[tilespmem:s14+$0x8070] =	vst v3  }
0x3d0: {  	v62 =	vmul.f32 $1.587301680e-02, v61;
	[tilespmem:s15+$0xC070] =	vst v60;
	v63 =	vsub.f32 v7, v0  }
0x3d1: {  	[tilespmem:s16+$0x8070] =	vst v4  }
0x3d2: {  	[tilespmem:s17+$0xC070] =	vst v62;
	v1 =	vmul.f32 $1.587301680e-02, v63  }
0x3d3: {  	[tilespmem:s24+$0x8070] =	vst v2  }
0x3d4: {  	[tilespmem:s20+$0xC070] =	vst v1  }
0x3d5: {  	[tilespmem:s22+$0x8070] =	vst v0  }
0x3d6: {  	s6 =	simm.s32 $0x0;
	s1 =	simm.s32 $0x8000;
	s0 =	rddreg [dreg:$0x15]  }
0x3d7: {  	[hbm4b:s0+s6] =	stream.linear.scatter [tilespmem:s1], [sflag:$0x1], $0x10000, $0x38;
	[tilespmem:$0x18000] =	vst v63  }
0x3d8: {  	s1 =	simm.s32 $0x1  }
0x3d9: {  	_ =	swait.ge [sflag:s1], $0x10000  }
0x3da: {  	s2 =	rddreg [dreg:$0x17]  }
0x3db: {  	s31 =	rddreg [dreg:$0x16];
	s2 =	sadd.s32 $0x1, s2  }
0x3dc: {  	p0 =	sne.s32 s2, s31  }
.Ltmp8:
0x3dd: {  	_ = 	snop;
	(pc) =	sbr.rel @p0 .LBB2_1-.Ltmp8, $3  }
0x3de: {  	_ =	sdelay $0x1  }
0x3df: {  	[sflag:s1] =	ssyncset.done $0x0  }
0x3e0: {  	[sflag:s1] =	ssyncadd.s32 $0xFFFF0000  }
0x3e1: {  	_ =	sfence.sel $0x180000  }
0x3e2: {  	[bflag:$0x0] =	sbarrier.arrive $0xFFFF  }
0x3e3: {  	_ =	strace $0x90000047  }
0x3e4: {  	s0 =	stileid.u32;
	[bflag:$0x2] =	sbarrier.arrive $0xFFFF  }
0x3e5: {  	p0 =	sne.s32 s0, $0x0;
	s0 =	rddreg [dreg:$0x2]  }
0x3e6: {  	s0 =	sadd.s32 @!p0 $0x100000, s0  }
0x3e7: {  	[sflag:s0] =	ssyncadd.tile.s32 @!p0 $0x1;
	_ =	shalt  }
.Lfunc_end2:
_tile_overlayer_lowered:
.L_overlay_start_2:
0x3e8: {  	(tag) =	ssettag $0x2  }
0x3e9: {  	s0 =	rddreg [dreg:$0x0];
	s2 =	stileid.u32  }
0x3ea: {  	s1 =	rddreg [dreg:$0x1];
	p0 =	sne.s32 s2, $0x0  }
0x3eb: {  	s3 =	rddreg [dreg:$0x2];
	[bflag:$0x3] =	sbarrier.arrive $0xFFFF;
	s2 =	simm.s32 @!p0 $0x1C01  }
0x3ec: {  	[timem:s3], [sflag:s2] =	dma.local @!p0 [hbm:s0], s1  }
0x3ed: {  	s0 =	simm.s32 @!p0 $0x1  }
0x3ee: {  	_ =	swait.ge @!p0 [sflag:s0], s1  }
0x3ef: {  	s1 =	ssub.s32 @!p0 $0x0, s1;
	[sflag:s0] =	ssyncset.done @!p0 $0x0  }
0x3f0: {  	[sflag:s0] =	ssyncadd.s32 @!p0 s1  }
0x3f1: {  	[bflag:$0x3] =	sbarrier.arrive $0xFFFF  }
0x3f2: {  	_ =	shalt  }

</sc_bundles>
